<compile_context>
chip_gen: v7x
topology: tpu7x:2x2x1
jax: 0.10.2.dev20260603
libtpu: 0.0.44.dev20260713+nightly
codegen_flags: <defaults>
</compile_context>

<pallas_src>
import functools

import jax
import jax.numpy as jnp
from jax import lax
from jax.experimental import pallas as pl
from jax.experimental.pallas import tpu as pltpu
from jax.experimental.pallas import tpu_sc as plsc

T = 2048
D = 1024
E = 8
FFN = 512
TOPK = 2
NGROUP = 4
EPG = E // NGROUP
SFFN = 512
SCALE = 2.5

TM = 1024
NT = T // TM

NC = 2
NS = 16
NW = NC * NS
TW = T // NW
L = 16


def _silu(x):
    return x * jax.nn.sigmoid(x)



def _sel_body(scores_hbm, sb_hbm, gsum_hbm, out_hbm, sc_v, sb_v, gs_v, cb_v):
    wid = lax.axis_index("s") * NC + lax.axis_index("c")
    pltpu.sync_copy(scores_hbm.at[wid], sc_v)
    pltpu.sync_copy(sb_hbm.at[wid], sb_v)
    pltpu.sync_copy(gsum_hbm.at[wid], gs_v)

    neg = jnp.float32(-jnp.inf)
    for c in range(TW // L):
        sl = pl.ds(c * L, L)
        s = [sc_v[e, sl] for e in range(E)]
        sb = [sb_v[e, sl] for e in range(E)]
        gs = [gs_v[g, sl] for g in range(NGROUP)]

        m1 = jnp.maximum(jnp.maximum(gs[0], gs[1]), jnp.maximum(gs[2], gs[3]))
        g1 = jnp.where(gs[0] == m1, 0,
             jnp.where(gs[1] == m1, 1,
             jnp.where(gs[2] == m1, 2, 3))).astype(jnp.int32)
        gs2 = [jnp.where(g1 == g, neg, gs[g]) for g in range(NGROUP)]
        m2 = jnp.maximum(jnp.maximum(gs2[0], gs2[1]),
                         jnp.maximum(gs2[2], gs2[3]))
        g2 = jnp.where(gs2[0] == m2, 0,
             jnp.where(gs2[1] == m2, 1,
             jnp.where(gs2[2] == m2, 2, 3))).astype(jnp.int32)

        tmp = [jnp.where((g1 == (e // EPG)) | (g2 == (e // EPG)), sb[e],
                         jnp.float32(0.0)) for e in range(E)]
        t1 = tmp[0]
        for e in range(1, E):
            t1 = jnp.maximum(t1, tmp[e])
        e1 = jnp.full((L,), E - 1, jnp.int32)
        for e in range(E - 2, -1, -1):
            e1 = jnp.where(tmp[e] == t1, e, e1)
        tmp2 = [jnp.where(e1 == e, neg, tmp[e]) for e in range(E)]
        t2 = tmp2[0]
        for e in range(1, E):
            t2 = jnp.maximum(t2, tmp2[e])
        e2 = jnp.full((L,), E - 1, jnp.int32)
        for e in range(E - 2, -1, -1):
            e2 = jnp.where(tmp2[e] == t2, e, e2)

        w1 = s[E - 1]
        w2 = s[E - 1]
        for e in range(E - 2, -1, -1):
            w1 = jnp.where(e1 == e, s[e], w1)
            w2 = jnp.where(e2 == e, s[e], w2)
        denom = w1 + w2
        c1 = w1 / denom
        c2 = w2 / denom
        for e in range(E):
            cb_v[e, sl] = jnp.where(e1 == e, c1,
                          jnp.where(e2 == e, c2, jnp.float32(0.0)))

    pltpu.sync_copy(cb_v, out_hbm.at[wid])


def _route_sc(scores_r, sb_r, gsum_r):
    mesh = plsc.VectorSubcoreMesh(core_axis_name="c", subcore_axis_name="s")
    fn = functools.partial(
        pl.kernel,
        mesh=mesh,
        out_type=jax.ShapeDtypeStruct((NW, E, TW), jnp.float32),
        scratch_types=[
            pltpu.VMEM((E, TW), jnp.float32),
            pltpu.VMEM((E, TW), jnp.float32),
            pltpu.VMEM((NGROUP, TW), jnp.float32),
            pltpu.VMEM((E, TW), jnp.float32),
        ],
    )(_sel_body)
    return fn(scores_r, sb_r, gsum_r)



def _moe_body(x_ref, comb_ref, wgu_ref, wd_ref, sgu_ref, sd_ref, out_ref):
    xs = x_ref[...].astype(jnp.bfloat16)

    cs = SCALE * comb_ref[...]

    gu = lax.dot_general(xs, sgu_ref[...], (((1,), (1,)), ((), ())),
                         preferred_element_type=jnp.float32)
    h = (_silu(gu[:, :SFFN]) * gu[:, SFFN:]).astype(jnp.bfloat16)
    acc = lax.dot_general(h, sd_ref[...], (((1,), (1,)), ((), ())),
                          preferred_element_type=jnp.float32)

    for e in range(E):
        gue = lax.dot_general(xs, wgu_ref[e], (((1,), (1,)), ((), ())),
                              preferred_element_type=jnp.float32)
        he = (_silu(gue[:, :FFN]) * gue[:, FFN:]).astype(jnp.bfloat16)
        ye = lax.dot_general(he, wd_ref[e], (((1,), (1,)), ((), ())),
                             preferred_element_type=jnp.float32)
        acc = acc + cs[:, e:e + 1] * ye

    out_ref[...] = acc


def _moe(x_bf, comb, wgu_t, wd_t, sgu_t, sd_t):
    return pl.pallas_call(
        _moe_body,
        grid=(NT,),
        in_specs=[
            pl.BlockSpec((TM, D), lambda t: (t, 0)),
            pl.BlockSpec((TM, E), lambda t: (t, 0)),
            pl.BlockSpec((E, 2 * FFN, D), lambda t: (0, 0, 0)),
            pl.BlockSpec((E, D, FFN), lambda t: (0, 0, 0)),
            pl.BlockSpec((2 * SFFN, D), lambda t: (0, 0)),
            pl.BlockSpec((D, SFFN), lambda t: (0, 0)),
        ],
        out_specs=pl.BlockSpec((TM, D), lambda t: (t, 0)),
        out_shape=jax.ShapeDtypeStruct((T, D), jnp.float32),
        compiler_params=pltpu.CompilerParams(
            vmem_limit_bytes=60 * 1024 * 1024),
    )(x_bf, comb, wgu_t, wd_t, sgu_t, sd_t)


@jax.jit
def _glm4_moe(hidden_states, gate_w, corr_bias, w_gate_up, w_down, s_gate_up,
              s_down):
    router_logits = hidden_states.astype(jnp.float32) @ gate_w.T
    scores = jax.nn.sigmoid(router_logits)
    sb = scores + corr_bias[None, :]
    sba, sbb = sb[:, 0::2], sb[:, 1::2]
    gsum = jnp.maximum(sba, sbb) + jnp.minimum(sba, sbb)

    def to_r(a, rows):
        return a.T.reshape(rows, NW, TW).transpose(1, 0, 2)

    comb3 = _route_sc(to_r(scores, E), to_r(sb, E), to_r(gsum, NGROUP))
    comb = comb3.transpose(0, 2, 1).reshape(T, E)

    bf = jnp.bfloat16
    wgu_t = w_gate_up.astype(bf)
    wd_t = w_down.astype(bf)
    sgu_t = s_gate_up.astype(bf)
    sd_t = s_down.astype(bf)
    return _moe(hidden_states, comb, wgu_t, wd_t, sgu_t, sd_t)


def kernel(hidden_states, gate_w, corr_bias, w_gate_up, w_down, s_gate_up,
           s_down):
    return _glm4_moe(hidden_states, gate_w, corr_bias, w_gate_up, w_down,
                     s_gate_up, s_down)

# --- scband reference (transcript-rebuilt; emitter-appended) ---
"""Pipeline reference for scband-glm4-mo-e-27582279975510 (READ-ONLY COPY).

The authoritative reference and input builder live on the scoring server;
editing this copy changes nothing except your own understanding.
"""

import jax, jax.numpy as jnp
import numpy as np

T = 2048
D = 1024
E = 8
FFN = 512
TOPK = 2
NGROUP = 4
TOPKG = 2
SFFN = 512  # moe_intermediate_size * n_shared_experts
SCALE = 2.5


def setup_inputs(seed: int = 0) -> dict:
    key = jax.random.key(seed)
    ks = jax.random.split(key, 8)
    hidden_states = jax.random.normal(ks[0], (T, D), dtype=jnp.float32)
    gate_w = jax.random.normal(ks[1], (E, D), dtype=jnp.float32) * 0.02
    corr_bias = jax.random.normal(ks[2], (E,), dtype=jnp.float32) * 0.01
    w_gate_up = jax.random.normal(ks[3], (E, 2 * FFN, D), dtype=jnp.float32) * 0.02
    w_down = jax.random.normal(ks[4], (E, D, FFN), dtype=jnp.float32) * 0.02
    s_gate_up = jax.random.normal(ks[5], (2 * SFFN, D), dtype=jnp.float32) * 0.02
    s_down = jax.random.normal(ks[6], (D, SFFN), dtype=jnp.float32) * 0.02
    return {
        "hidden_states": hidden_states,
        "gate_w": gate_w,
        "corr_bias": corr_bias,
        "w_gate_up": w_gate_up,
        "w_down": w_down,
        "s_gate_up": s_gate_up,
        "s_down": s_down,
    }


def _silu(x):
    return x * jax.nn.sigmoid(x)


def _grouped_topk(router_logits, corr_bias):
    # sigmoid scoring with e_score_correction_bias (DeepSeek/GLM4 grouped topk)
    scores = jax.nn.sigmoid(router_logits)
    original_scores = scores
    scores_b = scores + corr_bias[None, :]
    # group score = sum of top-2 biased scores within each group
    group_scores = jax.lax.top_k(scores_b.reshape(T, NGROUP, E // NGROUP), 2)[0].sum(axis=-1)
    group_idx = jax.lax.top_k(group_scores, TOPKG)[1]  # [T, TOPKG]
    group_mask = jax.nn.one_hot(group_idx, NGROUP, dtype=scores.dtype).sum(axis=1)  # [T, NGROUP]
    score_mask = jnp.repeat(group_mask, E // NGROUP, axis=1)  # [T, E]
    tmp_scores = jnp.where(score_mask > 0, scores_b, 0.0)
    topk_ids = jax.lax.top_k(tmp_scores, TOPK)[1]  # [T, TOPK]
    # weights come from the un-biased sigmoid scores
    topk_w = jnp.take_along_axis(original_scores, topk_ids, axis=1)
    # renormalize (norm_topk_prob=True)
    topk_w = topk_w / topk_w.sum(axis=-1, keepdims=True)
    return topk_w, topk_ids


def _forward(x, gate_w, corr_bias, w_gate_up, w_down, s_gate_up, s_down):
    # router gate in fp32
    router_logits = x.astype(jnp.float32) @ gate_w.T  # [T, E]
    topk_w, topk_ids = _grouped_topk(router_logits, corr_bias)
    combine = jnp.zeros((T, E), jnp.float32).at[jnp.arange(T)[:, None], topk_ids].add(topk_w)
    # shared experts (SiluAndMul MLP, reduce_results=False)
    gu = x @ s_gate_up.T
    shared_output = (_silu(gu[:, :SFFN]) * gu[:, SFFN:]) @ s_down.T
    # routed experts (dense simulation of FusedMoE: zero combine weight -> zero contribution)
    acc = jnp.zeros((T, D), jnp.float32)
    for e in range(E):
        gue = x @ w_gate_up[e].T
        he = _silu(gue[:, :FFN]) * gue[:, FFN:]
        acc = acc + combine[:, e:e + 1] * (he @ w_down[e].T)
    final = acc * SCALE + shared_output
    return final


def reference(hidden_states, gate_w, corr_bias, w_gate_up, w_down, s_gate_up, s_down):
    return _forward(hidden_states, gate_w, corr_bias, w_gate_up, w_down, s_gate_up, s_down)

if __name__ == "__main__":
    import jax
    _d = setup_inputs()
    print(jax.jit(kernel)(*tuple(_d.values())))

</pallas_src>

<mosaic_0001>
#map = affine_map<(d0, d1) -> (0, 0, 0)>
module attributes {stable_mosaic.version = 14 : i64} {
  func.func @_sel_body(%arg0: i32, %arg1: i32, %arg2: memref<32x8x64xf32, #tpu.memory_space<hbm>>, %arg3: memref<32x8x64xf32, #tpu.memory_space<hbm>>, %arg4: memref<32x4x64xf32, #tpu.memory_space<hbm>>, %arg5: memref<32x8x64xf32, #tpu.memory_space<hbm>>, %arg6: memref<8x64xf32, #tpu.memory_space<vmem>>, %arg7: memref<8x64xf32, #tpu.memory_space<vmem>>, %arg8: memref<4x64xf32, #tpu.memory_space<vmem>>, %arg9: memref<8x64xf32, #tpu.memory_space<vmem>>) attributes {dimension_semantics = [#tpu.dimension_semantics<core_parallel>, #tpu.dimension_semantics<subcore_parallel>], iteration_bounds = array<i64: 2, 16>, scalar_prefetch = 0 : i64, scratch_operands = 4 : i64, tpu.core_type = #tpu.core_type<sc_vector_subcore>, window_params = [{transform_indices = #map}, {transform_indices = #map}, {transform_indices = #map}, {transform_indices = #map}]} {
    %mul3A = arith.constant 2 : i32
    %mul3A_0 = arith.muli %arg1, %mul3A : i32
    %add3A = arith.addi %mul3A_0, %arg0 : i32
    "tpu.region"() ({
      %run_scoped3A = tpu.sem_alloc : memref<!tpu.dma_semaphore, #tpu.memory_space<semaphore_mem>>
      %dma_start3A = arith.constant 0 : i32
      %dma_start3A_2180 = arith.constant 0 : i32
      %dma_start3A_2181 = tpu.memref_slice %arg2[%add3A, %dma_start3A, %dma_start3A_2180] : memref<32x8x64xf32, #tpu.memory_space<hbm>> -> memref<1x8x64xf32, #tpu.memory_space<hbm>>
      %dma_start3A_2182 = tpu.memref_squeeze %dma_start3A_2181 : memref<1x8x64xf32, #tpu.memory_space<hbm>> -> memref<8x64xf32, #tpu.memory_space<hbm>>
      %dma_start3A_2183 = arith.constant 0 : i32
      %dma_start3A_2184 = arith.constant 0 : i32
      %dma_start3A_2185 = tpu.memref_slice %arg2[%add3A, %dma_start3A_2183, %dma_start3A_2184] : memref<32x8x64xf32, #tpu.memory_space<hbm>> -> memref<1x8x64xf32, #tpu.memory_space<hbm>>
      %dma_start3A_2186 = tpu.memref_squeeze %dma_start3A_2185 : memref<1x8x64xf32, #tpu.memory_space<hbm>> -> memref<8x64xf32, #tpu.memory_space<hbm>>
      tpu.enqueue_dma source(%dma_start3A_2186 : memref<8x64xf32, #tpu.memory_space<hbm>>) target(%arg6 : memref<8x64xf32, #tpu.memory_space<vmem>>) target_semaphore(%run_scoped3A : memref<!tpu.dma_semaphore, #tpu.memory_space<semaphore_mem>>)
      %dma_wait3A = arith.constant 0 : i32
      %dma_wait3A_2187 = arith.constant 0 : i32
      %dma_wait3A_2188 = tpu.memref_slice %arg2[%add3A, %dma_wait3A, %dma_wait3A_2187] : memref<32x8x64xf32, #tpu.memory_space<hbm>> -> memref<1x8x64xf32, #tpu.memory_space<hbm>>
      %dma_wait3A_2189 = tpu.memref_squeeze %dma_wait3A_2188 : memref<1x8x64xf32, #tpu.memory_space<hbm>> -> memref<8x64xf32, #tpu.memory_space<hbm>>
      %dma_wait3A_2190 = arith.constant 0 : i32
      %dma_wait3A_2191 = arith.constant 0 : i32
      %dma_wait3A_2192 = tpu.memref_slice %arg2[%add3A, %dma_wait3A_2190, %dma_wait3A_2191] : memref<32x8x64xf32, #tpu.memory_space<hbm>> -> memref<1x8x64xf32, #tpu.memory_space<hbm>>
      %dma_wait3A_2193 = tpu.memref_squeeze %dma_wait3A_2192 : memref<1x8x64xf32, #tpu.memory_space<hbm>> -> memref<8x64xf32, #tpu.memory_space<hbm>>
      tpu.wait_dma2 semaphore(%run_scoped3A : memref<!tpu.dma_semaphore, #tpu.memory_space<semaphore_mem>>) src(%dma_wait3A_2193 : memref<8x64xf32, #tpu.memory_space<hbm>>) dst(%arg6 : memref<8x64xf32, #tpu.memory_space<vmem>>)
      tpu.yield
    }) : () -> ()
    "tpu.region"() ({
      %run_scoped3A = tpu.sem_alloc : memref<!tpu.dma_semaphore, #tpu.memory_space<semaphore_mem>>
      %dma_start3A = arith.constant 0 : i32
      %dma_start3A_2180 = arith.constant 0 : i32
      %dma_start3A_2181 = tpu.memref_slice %arg3[%add3A, %dma_start3A, %dma_start3A_2180] : memref<32x8x64xf32, #tpu.memory_space<hbm>> -> memref<1x8x64xf32, #tpu.memory_space<hbm>>
      %dma_start3A_2182 = tpu.memref_squeeze %dma_start3A_2181 : memref<1x8x64xf32, #tpu.memory_space<hbm>> -> memref<8x64xf32, #tpu.memory_space<hbm>>
      %dma_start3A_2183 = arith.constant 0 : i32
      %dma_start3A_2184 = arith.constant 0 : i32
      %dma_start3A_2185 = tpu.memref_slice %arg3[%add3A, %dma_start3A_2183, %dma_start3A_2184] : memref<32x8x64xf32, #tpu.memory_space<hbm>> -> memref<1x8x64xf32, #tpu.memory_space<hbm>>
      %dma_start3A_2186 = tpu.memref_squeeze %dma_start3A_2185 : memref<1x8x64xf32, #tpu.memory_space<hbm>> -> memref<8x64xf32, #tpu.memory_space<hbm>>
      tpu.enqueue_dma source(%dma_start3A_2186 : memref<8x64xf32, #tpu.memory_space<hbm>>) target(%arg7 : memref<8x64xf32, #tpu.memory_space<vmem>>) target_semaphore(%run_scoped3A : memref<!tpu.dma_semaphore, #tpu.memory_space<semaphore_mem>>)
      %dma_wait3A = arith.constant 0 : i32
      %dma_wait3A_2187 = arith.constant 0 : i32
      %dma_wait3A_2188 = tpu.memref_slice %arg3[%add3A, %dma_wait3A, %dma_wait3A_2187] : memref<32x8x64xf32, #tpu.memory_space<hbm>> -> memref<1x8x64xf32, #tpu.memory_space<hbm>>
      %dma_wait3A_2189 = tpu.memref_squeeze %dma_wait3A_2188 : memref<1x8x64xf32, #tpu.memory_space<hbm>> -> memref<8x64xf32, #tpu.memory_space<hbm>>
      %dma_wait3A_2190 = arith.constant 0 : i32
      %dma_wait3A_2191 = arith.constant 0 : i32
      %dma_wait3A_2192 = tpu.memref_slice %arg3[%add3A, %dma_wait3A_2190, %dma_wait3A_2191] : memref<32x8x64xf32, #tpu.memory_space<hbm>> -> memref<1x8x64xf32, #tpu.memory_space<hbm>>
      %dma_wait3A_2193 = tpu.memref_squeeze %dma_wait3A_2192 : memref<1x8x64xf32, #tpu.memory_space<hbm>> -> memref<8x64xf32, #tpu.memory_space<hbm>>
      tpu.wait_dma2 semaphore(%run_scoped3A : memref<!tpu.dma_semaphore, #tpu.memory_space<semaphore_mem>>) src(%dma_wait3A_2193 : memref<8x64xf32, #tpu.memory_space<hbm>>) dst(%arg7 : memref<8x64xf32, #tpu.memory_space<vmem>>)
      tpu.yield
    }) : () -> ()
    "tpu.region"() ({
      %run_scoped3A = tpu.sem_alloc : memref<!tpu.dma_semaphore, #tpu.memory_space<semaphore_mem>>
      %dma_start3A = arith.constant 0 : i32
      %dma_start3A_2180 = arith.constant 0 : i32
      %dma_start3A_2181 = tpu.memref_slice %arg4[%add3A, %dma_start3A, %dma_start3A_2180] : memref<32x4x64xf32, #tpu.memory_space<hbm>> -> memref<1x4x64xf32, #tpu.memory_space<hbm>>
      %dma_start3A_2182 = tpu.memref_squeeze %dma_start3A_2181 : memref<1x4x64xf32, #tpu.memory_space<hbm>> -> memref<4x64xf32, #tpu.memory_space<hbm>>
      %dma_start3A_2183 = arith.constant 0 : i32
      %dma_start3A_2184 = arith.constant 0 : i32
      %dma_start3A_2185 = tpu.memref_slice %arg4[%add3A, %dma_start3A_2183, %dma_start3A_2184] : memref<32x4x64xf32, #tpu.memory_space<hbm>> -> memref<1x4x64xf32, #tpu.memory_space<hbm>>
      %dma_start3A_2186 = tpu.memref_squeeze %dma_start3A_2185 : memref<1x4x64xf32, #tpu.memory_space<hbm>> -> memref<4x64xf32, #tpu.memory_space<hbm>>
      tpu.enqueue_dma source(%dma_start3A_2186 : memref<4x64xf32, #tpu.memory_space<hbm>>) target(%arg8 : memref<4x64xf32, #tpu.memory_space<vmem>>) target_semaphore(%run_scoped3A : memref<!tpu.dma_semaphore, #tpu.memory_space<semaphore_mem>>)
      %dma_wait3A = arith.constant 0 : i32
      %dma_wait3A_2187 = arith.constant 0 : i32
      %dma_wait3A_2188 = tpu.memref_slice %arg4[%add3A, %dma_wait3A, %dma_wait3A_2187] : memref<32x4x64xf32, #tpu.memory_space<hbm>> -> memref<1x4x64xf32, #tpu.memory_space<hbm>>
      %dma_wait3A_2189 = tpu.memref_squeeze %dma_wait3A_2188 : memref<1x4x64xf32, #tpu.memory_space<hbm>> -> memref<4x64xf32, #tpu.memory_space<hbm>>
      %dma_wait3A_2190 = arith.constant 0 : i32
      %dma_wait3A_2191 = arith.constant 0 : i32
      %dma_wait3A_2192 = tpu.memref_slice %arg4[%add3A, %dma_wait3A_2190, %dma_wait3A_2191] : memref<32x4x64xf32, #tpu.memory_space<hbm>> -> memref<1x4x64xf32, #tpu.memory_space<hbm>>
      %dma_wait3A_2193 = tpu.memref_squeeze %dma_wait3A_2192 : memref<1x4x64xf32, #tpu.memory_space<hbm>> -> memref<4x64xf32, #tpu.memory_space<hbm>>
      tpu.wait_dma2 semaphore(%run_scoped3A : memref<!tpu.dma_semaphore, #tpu.memory_space<semaphore_mem>>) src(%dma_wait3A_2193 : memref<4x64xf32, #tpu.memory_space<hbm>>) dst(%arg8 : memref<4x64xf32, #tpu.memory_space<vmem>>)
      tpu.yield
    }) : () -> ()
    %get3A = arith.constant 0 : i32
    %get3A_1 = arith.index_cast %get3A : i32 to index
    %get3A_2 = arith.constant 0 : index
    %get3A_3 = tpu.vector_load %arg6[%get3A_1, %get3A_2] {strides = array<i32>} : memref<8x64xf32, #tpu.memory_space<vmem>>, vector<1x16xf32>,
    %get3A_4 = vector.shape_cast %get3A_3 : vector<1x16xf32> to vector<16xf32>
    %get3A_5 = arith.constant 1 : i32
    %get3A_6 = arith.index_cast %get3A_5 : i32 to index
    %get3A_7 = arith.constant 0 : index
    %get3A_8 = tpu.vector_load %arg6[%get3A_6, %get3A_7] {strides = array<i32>} : memref<8x64xf32, #tpu.memory_space<vmem>>, vector<1x16xf32>,
    %get3A_9 = vector.shape_cast %get3A_8 : vector<1x16xf32> to vector<16xf32>
    %get3A_10 = arith.constant 2 : i32
    %get3A_11 = arith.index_cast %get3A_10 : i32 to index
    %get3A_12 = arith.constant 0 : index
    %get3A_13 = tpu.vector_load %arg6[%get3A_11, %get3A_12] {strides = array<i32>} : memref<8x64xf32, #tpu.memory_space<vmem>>, vector<1x16xf32>,
    %get3A_14 = vector.shape_cast %get3A_13 : vector<1x16xf32> to vector<16xf32>
    %get3A_15 = arith.constant 3 : i32
    %get3A_16 = arith.index_cast %get3A_15 : i32 to index
    %get3A_17 = arith.constant 0 : index
    %get3A_18 = tpu.vector_load %arg6[%get3A_16, %get3A_17] {strides = array<i32>} : memref<8x64xf32, #tpu.memory_space<vmem>>, vector<1x16xf32>,
    %get3A_19 = vector.shape_cast %get3A_18 : vector<1x16xf32> to vector<16xf32>
    %get3A_20 = arith.constant 4 : i32
    %get3A_21 = arith.index_cast %get3A_20 : i32 to index
    %get3A_22 = arith.constant 0 : index
    %get3A_23 = tpu.vector_load %arg6[%get3A_21, %get3A_22] {strides = array<i32>} : memref<8x64xf32, #tpu.memory_space<vmem>>, vector<1x16xf32>,
    %get3A_24 = vector.shape_cast %get3A_23 : vector<1x16xf32> to vector<16xf32>
    %get3A_25 = arith.constant 5 : i32
    %get3A_26 = arith.index_cast %get3A_25 : i32 to index
    %get3A_27 = arith.constant 0 : index
    %get3A_28 = tpu.vector_load %arg6[%get3A_26, %get3A_27] {strides = array<i32>} : memref<8x64xf32, #tpu.memory_space<vmem>>, vector<1x16xf32>,
    %get3A_29 = vector.shape_cast %get3A_28 : vector<1x16xf32> to vector<16xf32>
    %get3A_30 = arith.constant 6 : i32
    %get3A_31 = arith.index_cast %get3A_30 : i32 to index
    %get3A_32 = arith.constant 0 : index
    %get3A_33 = tpu.vector_load %arg6[%get3A_31, %get3A_32] {strides = array<i32>} : memref<8x64xf32, #tpu.memory_space<vmem>>, vector<1x16xf32>,
    %get3A_34 = vector.shape_cast %get3A_33 : vector<1x16xf32> to vector<16xf32>
    %get3A_35 = arith.constant 7 : i32
    %get3A_36 = arith.index_cast %get3A_35 : i32 to index
    %get3A_37 = arith.constant 0 : index
    %get3A_38 = tpu.vector_load %arg6[%get3A_36, %get3A_37] {strides = array<i32>} : memref<8x64xf32, #tpu.memory_space<vmem>>, vector<1x16xf32>,
    %get3A_39 = vector.shape_cast %get3A_38 : vector<1x16xf32> to vector<16xf32>
    %get3A_40 = arith.constant 0 : i32
    %get3A_41 = arith.index_cast %get3A_40 : i32 to index
    %get3A_42 = arith.constant 0 : index
    %get3A_43 = tpu.vector_load %arg7[%get3A_41, %get3A_42] {strides = array<i32>} : memref<8x64xf32, #tpu.memory_space<vmem>>, vector<1x16xf32>,
    %get3A_44 = vector.shape_cast %get3A_43 : vector<1x16xf32> to vector<16xf32>
    %get3A_45 = arith.constant 1 : i32
    %get3A_46 = arith.index_cast %get3A_45 : i32 to index
    %get3A_47 = arith.constant 0 : index
    %get3A_48 = tpu.vector_load %arg7[%get3A_46, %get3A_47] {strides = array<i32>} : memref<8x64xf32, #tpu.memory_space<vmem>>, vector<1x16xf32>,
    %get3A_49 = vector.shape_cast %get3A_48 : vector<1x16xf32> to vector<16xf32>
    %get3A_50 = arith.constant 2 : i32
    %get3A_51 = arith.index_cast %get3A_50 : i32 to index
    %get3A_52 = arith.constant 0 : index
    %get3A_53 = tpu.vector_load %arg7[%get3A_51, %get3A_52] {strides = array<i32>} : memref<8x64xf32, #tpu.memory_space<vmem>>, vector<1x16xf32>,
    %get3A_54 = vector.shape_cast %get3A_53 : vector<1x16xf32> to vector<16xf32>
    %get3A_55 = arith.constant 3 : i32
    %get3A_56 = arith.index_cast %get3A_55 : i32 to index
    %get3A_57 = arith.constant 0 : index
    %get3A_58 = tpu.vector_load %arg7[%get3A_56, %get3A_57] {strides = array<i32>} : memref<8x64xf32, #tpu.memory_space<vmem>>, vector<1x16xf32>,
    %get3A_59 = vector.shape_cast %get3A_58 : vector<1x16xf32> to vector<16xf32>
    %get3A_60 = arith.constant 4 : i32
    %get3A_61 = arith.index_cast %get3A_60 : i32 to index
    %get3A_62 = arith.constant 0 : index
    %get3A_63 = tpu.vector_load %arg7[%get3A_61, %get3A_62] {strides = array<i32>} : memref<8x64xf32, #tpu.memory_space<vmem>>, vector<1x16xf32>,
    %get3A_64 = vector.shape_cast %get3A_63 : vector<1x16xf32> to vector<16xf32>
    %get3A_65 = arith.constant 5 : i32
    %get3A_66 = arith.index_cast %get3A_65 : i32 to index
    %get3A_67 = arith.constant 0 : index
    %get3A_68 = tpu.vector_load %arg7[%get3A_66, %get3A_67] {strides = array<i32>} : memref<8x64xf32, #tpu.memory_space<vmem>>, vector<1x16xf32>,
    %get3A_69 = vector.shape_cast %get3A_68 : vector<1x16xf32> to vector<16xf32>
    %get3A_70 = arith.constant 6 : i32
    %get3A_71 = arith.index_cast %get3A_70 : i32 to index
    %get3A_72 = arith.constant 0 : index
    %get3A_73 = tpu.vector_load %arg7[%get3A_71, %get3A_72] {strides = array<i32>} : memref<8x64xf32, #tpu.memory_space<vmem>>, vector<1x16xf32>,
    %get3A_74 = vector.shape_cast %get3A_73 : vector<1x16xf32> to vector<16xf32>
    %get3A_75 = arith.constant 7 : i32
    %get3A_76 = arith.index_cast %get3A_75 : i32 to index
    %get3A_77 = arith.constant 0 : index
    %get3A_78 = tpu.vector_load %arg7[%get3A_76, %get3A_77] {strides = array<i32>} : memref<8x64xf32, #tpu.memory_space<vmem>>, vector<1x16xf32>,
    %get3A_79 = vector.shape_cast %get3A_78 : vector<1x16xf32> to vector<16xf32>
    %get3A_80 = arith.constant 0 : i32
    %get3A_81 = arith.index_cast %get3A_80 : i32 to index
    %get3A_82 = arith.constant 0 : index
    %get3A_83 = tpu.vector_load %arg8[%get3A_81, %get3A_82] {strides = array<i32>} : memref<4x64xf32, #tpu.memory_space<vmem>>, vector<1x16xf32>,
    %get3A_84 = vector.shape_cast %get3A_83 : vector<1x16xf32> to vector<16xf32>
    %get3A_85 = arith.constant 1 : i32
    %get3A_86 = arith.index_cast %get3A_85 : i32 to index
    %get3A_87 = arith.constant 0 : index
    %get3A_88 = tpu.vector_load %arg8[%get3A_86, %get3A_87] {strides = array<i32>} : memref<4x64xf32, #tpu.memory_space<vmem>>, vector<1x16xf32>,
    %get3A_89 = vector.shape_cast %get3A_88 : vector<1x16xf32> to vector<16xf32>
    %get3A_90 = arith.constant 2 : i32
    %get3A_91 = arith.index_cast %get3A_90 : i32 to index
    %get3A_92 = arith.constant 0 : index
    %get3A_93 = tpu.vector_load %arg8[%get3A_91, %get3A_92] {strides = array<i32>} : memref<4x64xf32, #tpu.memory_space<vmem>>, vector<1x16xf32>,
    %get3A_94 = vector.shape_cast %get3A_93 : vector<1x16xf32> to vector<16xf32>
    %get3A_95 = arith.constant 3 : i32
    %get3A_96 = arith.index_cast %get3A_95 : i32 to index
    %get3A_97 = arith.constant 0 : index
    %get3A_98 = tpu.vector_load %arg8[%get3A_96, %get3A_97] {strides = array<i32>} : memref<4x64xf32, #tpu.memory_space<vmem>>, vector<1x16xf32>,
    %get3A_99 = vector.shape_cast %get3A_98 : vector<1x16xf32> to vector<16xf32>
    %max3A = arith.maximumf %get3A_84, %get3A_89 : vector<16xf32>
    %max3A_100 = arith.maximumf %get3A_94, %get3A_99 : vector<16xf32>
    %max3A_101 = arith.maximumf %max3A, %max3A_100 : vector<16xf32>
    %eq3A = arith.cmpf oeq, %get3A_84, %max3A_101 : vector<16xf32>
    %eq3A_102 = arith.cmpf oeq, %get3A_89, %max3A_101 : vector<16xf32>
    %eq3A_103 = arith.cmpf oeq, %get3A_94, %max3A_101 : vector<16xf32>
    %jit3A = arith.constant 2 : i32
    %jit3A_104 = arith.constant 3 : i32
    %broadcast_in_dim3A = vector.broadcast %jit3A : i32 to vector<16xi32>
    %broadcast_in_dim3A_105 = vector.broadcast %jit3A_104 : i32 to vector<16xi32>
    %select_n3A = arith.select %eq3A_103, %broadcast_in_dim3A, %broadcast_in_dim3A_105 : vector<16xi1>, vector<16xi32>
    %jit3A_106 = arith.constant 1 : i32
    %broadcast_in_dim3A_107 = vector.broadcast %jit3A_106 : i32 to vector<16xi32>
    %select_n3A_108 = arith.select %eq3A_102, %broadcast_in_dim3A_107, %select_n3A : vector<16xi1>, vector<16xi32>
    %jit3A_109 = arith.constant 0 : i32
    %broadcast_in_dim3A_110 = vector.broadcast %jit3A_109 : i32 to vector<16xi32>
    %select_n3A_111 = arith.select %eq3A, %broadcast_in_dim3A_110, %select_n3A_108 : vector<16xi1>, vector<16xi32>
    %eq3A_112 = arith.constant 0 : i32
    %eq3A_113 = vector.broadcast %eq3A_112 : i32 to vector<16xi32>
    %eq3A_114 = arith.cmpi eq, %select_n3A_111, %eq3A_113 : vector<16xi32>
    %jit3A_115 = arith.constant 0xFF800000 : f32
    %broadcast_in_dim3A_116 = vector.broadcast %jit3A_115 : f32 to vector<16xf32>
    %select_n3A_117 = arith.select %eq3A_114, %broadcast_in_dim3A_116, %get3A_84 : vector<16xi1>, vector<16xf32>
    %eq3A_118 = arith.constant 1 : i32
    %eq3A_119 = vector.broadcast %eq3A_118 : i32 to vector<16xi32>
    %eq3A_120 = arith.cmpi eq, %select_n3A_111, %eq3A_119 : vector<16xi32>
    %jit3A_121 = arith.constant 0xFF800000 : f32
    %broadcast_in_dim3A_122 = vector.broadcast %jit3A_121 : f32 to vector<16xf32>
    %select_n3A_123 = arith.select %eq3A_120, %broadcast_in_dim3A_122, %get3A_89 : vector<16xi1>, vector<16xf32>
    %eq3A_124 = arith.constant 2 : i32
    %eq3A_125 = vector.broadcast %eq3A_124 : i32 to vector<16xi32>
    %eq3A_126 = arith.cmpi eq, %select_n3A_111, %eq3A_125 : vector<16xi32>
    %jit3A_127 = arith.constant 0xFF800000 : f32
    %broadcast_in_dim3A_128 = vector.broadcast %jit3A_127 : f32 to vector<16xf32>
    %select_n3A_129 = arith.select %eq3A_126, %broadcast_in_dim3A_128, %get3A_94 : vector<16xi1>, vector<16xf32>
    %eq3A_130 = arith.constant 3 : i32
    %eq3A_131 = vector.broadcast %eq3A_130 : i32 to vector<16xi32>
    %eq3A_132 = arith.cmpi eq, %select_n3A_111, %eq3A_131 : vector<16xi32>
    %jit3A_133 = arith.constant 0xFF800000 : f32
    %broadcast_in_dim3A_134 = vector.broadcast %jit3A_133 : f32 to vector<16xf32>
    %select_n3A_135 = arith.select %eq3A_132, %broadcast_in_dim3A_134, %get3A_99 : vector<16xi1>, vector<16xf32>
    %max3A_136 = arith.maximumf %select_n3A_117, %select_n3A_123 : vector<16xf32>
    %max3A_137 = arith.maximumf %select_n3A_129, %select_n3A_135 : vector<16xf32>
    %max3A_138 = arith.maximumf %max3A_136, %max3A_137 : vector<16xf32>
    %eq3A_139 = arith.cmpf oeq, %select_n3A_117, %max3A_138 : vector<16xf32>
    %eq3A_140 = arith.cmpf oeq, %select_n3A_123, %max3A_138 : vector<16xf32>
    %eq3A_141 = arith.cmpf oeq, %select_n3A_129, %max3A_138 : vector<16xf32>
    %jit3A_142 = arith.constant 2 : i32
    %jit3A_143 = arith.constant 3 : i32
    %broadcast_in_dim3A_144 = vector.broadcast %jit3A_142 : i32 to vector<16xi32>
    %broadcast_in_dim3A_145 = vector.broadcast %jit3A_143 : i32 to vector<16xi32>
    %select_n3A_146 = arith.select %eq3A_141, %broadcast_in_dim3A_144, %broadcast_in_dim3A_145 : vector<16xi1>, vector<16xi32>
    %jit3A_147 = arith.constant 1 : i32
    %broadcast_in_dim3A_148 = vector.broadcast %jit3A_147 : i32 to vector<16xi32>
    %select_n3A_149 = arith.select %eq3A_140, %broadcast_in_dim3A_148, %select_n3A_146 : vector<16xi1>, vector<16xi32>
    %jit3A_150 = arith.constant 0 : i32
    %broadcast_in_dim3A_151 = vector.broadcast %jit3A_150 : i32 to vector<16xi32>
    %select_n3A_152 = arith.select %eq3A_139, %broadcast_in_dim3A_151, %select_n3A_149 : vector<16xi1>, vector<16xi32>
    %eq3A_153 = arith.constant 0 : i32
    %eq3A_154 = vector.broadcast %eq3A_153 : i32 to vector<16xi32>
    %eq3A_155 = arith.cmpi eq, %select_n3A_111, %eq3A_154 : vector<16xi32>
    %eq3A_156 = arith.constant 0 : i32
    %eq3A_157 = vector.broadcast %eq3A_156 : i32 to vector<16xi32>
    %eq3A_158 = arith.cmpi eq, %select_n3A_152, %eq3A_157 : vector<16xi32>
    %or3A = arith.ori %eq3A_155, %eq3A_158 : vector<16xi1>
    %jit3A_159 = arith.constant 0.000000e+00 : f32
    %broadcast_in_dim3A_160 = vector.broadcast %jit3A_159 : f32 to vector<16xf32>
    %select_n3A_161 = arith.select %or3A, %get3A_44, %broadcast_in_dim3A_160 : vector<16xi1>, vector<16xf32>
    %eq3A_162 = arith.constant 0 : i32
    %eq3A_163 = vector.broadcast %eq3A_162 : i32 to vector<16xi32>
    %eq3A_164 = arith.cmpi eq, %select_n3A_111, %eq3A_163 : vector<16xi32>
    %eq3A_165 = arith.constant 0 : i32
    %eq3A_166 = vector.broadcast %eq3A_165 : i32 to vector<16xi32>
    %eq3A_167 = arith.cmpi eq, %select_n3A_152, %eq3A_166 : vector<16xi32>
    %or3A_168 = arith.ori %eq3A_164, %eq3A_167 : vector<16xi1>
    %jit3A_169 = arith.constant 0.000000e+00 : f32
    %broadcast_in_dim3A_170 = vector.broadcast %jit3A_169 : f32 to vector<16xf32>
    %select_n3A_171 = arith.select %or3A_168, %get3A_49, %broadcast_in_dim3A_170 : vector<16xi1>, vector<16xf32>
    %eq3A_172 = arith.constant 1 : i32
    %eq3A_173 = vector.broadcast %eq3A_172 : i32 to vector<16xi32>
    %eq3A_174 = arith.cmpi eq, %select_n3A_111, %eq3A_173 : vector<16xi32>
    %eq3A_175 = arith.constant 1 : i32
    %eq3A_176 = vector.broadcast %eq3A_175 : i32 to vector<16xi32>
    %eq3A_177 = arith.cmpi eq, %select_n3A_152, %eq3A_176 : vector<16xi32>
    %or3A_178 = arith.ori %eq3A_174, %eq3A_177 : vector<16xi1>
    %jit3A_179 = arith.constant 0.000000e+00 : f32
    %broadcast_in_dim3A_180 = vector.broadcast %jit3A_179 : f32 to vector<16xf32>
    %select_n3A_181 = arith.select %or3A_178, %get3A_54, %broadcast_in_dim3A_180 : vector<16xi1>, vector<16xf32>
    %eq3A_182 = arith.constant 1 : i32
    %eq3A_183 = vector.broadcast %eq3A_182 : i32 to vector<16xi32>
    %eq3A_184 = arith.cmpi eq, %select_n3A_111, %eq3A_183 : vector<16xi32>
    %eq3A_185 = arith.constant 1 : i32
    %eq3A_186 = vector.broadcast %eq3A_185 : i32 to vector<16xi32>
    %eq3A_187 = arith.cmpi eq, %select_n3A_152, %eq3A_186 : vector<16xi32>
    %or3A_188 = arith.ori %eq3A_184, %eq3A_187 : vector<16xi1>
    %jit3A_189 = arith.constant 0.000000e+00 : f32
    %broadcast_in_dim3A_190 = vector.broadcast %jit3A_189 : f32 to vector<16xf32>
    %select_n3A_191 = arith.select %or3A_188, %get3A_59, %broadcast_in_dim3A_190 : vector<16xi1>, vector<16xf32>
    %eq3A_192 = arith.constant 2 : i32
    %eq3A_193 = vector.broadcast %eq3A_192 : i32 to vector<16xi32>
    %eq3A_194 = arith.cmpi eq, %select_n3A_111, %eq3A_193 : vector<16xi32>
    %eq3A_195 = arith.constant 2 : i32
    %eq3A_196 = vector.broadcast %eq3A_195 : i32 to vector<16xi32>
    %eq3A_197 = arith.cmpi eq, %select_n3A_152, %eq3A_196 : vector<16xi32>
    %or3A_198 = arith.ori %eq3A_194, %eq3A_197 : vector<16xi1>
    %jit3A_199 = arith.constant 0.000000e+00 : f32
    %broadcast_in_dim3A_200 = vector.broadcast %jit3A_199 : f32 to vector<16xf32>
    %select_n3A_201 = arith.select %or3A_198, %get3A_64, %broadcast_in_dim3A_200 : vector<16xi1>, vector<16xf32>
    %eq3A_202 = arith.constant 2 : i32
    %eq3A_203 = vector.broadcast %eq3A_202 : i32 to vector<16xi32>
    %eq3A_204 = arith.cmpi eq, %select_n3A_111, %eq3A_203 : vector<16xi32>
    %eq3A_205 = arith.constant 2 : i32
    %eq3A_206 = vector.broadcast %eq3A_205 : i32 to vector<16xi32>
    %eq3A_207 = arith.cmpi eq, %select_n3A_152, %eq3A_206 : vector<16xi32>
    %or3A_208 = arith.ori %eq3A_204, %eq3A_207 : vector<16xi1>
    %jit3A_209 = arith.constant 0.000000e+00 : f32
    %broadcast_in_dim3A_210 = vector.broadcast %jit3A_209 : f32 to vector<16xf32>
    %select_n3A_211 = arith.select %or3A_208, %get3A_69, %broadcast_in_dim3A_210 : vector<16xi1>, vector<16xf32>
    %eq3A_212 = arith.constant 3 : i32
    %eq3A_213 = vector.broadcast %eq3A_212 : i32 to vector<16xi32>
    %eq3A_214 = arith.cmpi eq, %select_n3A_111, %eq3A_213 : vector<16xi32>
    %eq3A_215 = arith.constant 3 : i32
    %eq3A_216 = vector.broadcast %eq3A_215 : i32 to vector<16xi32>
    %eq3A_217 = arith.cmpi eq, %select_n3A_152, %eq3A_216 : vector<16xi32>
    %or3A_218 = arith.ori %eq3A_214, %eq3A_217 : vector<16xi1>
    %jit3A_219 = arith.constant 0.000000e+00 : f32
    %broadcast_in_dim3A_220 = vector.broadcast %jit3A_219 : f32 to vector<16xf32>
    %select_n3A_221 = arith.select %or3A_218, %get3A_74, %broadcast_in_dim3A_220 : vector<16xi1>, vector<16xf32>
    %eq3A_222 = arith.constant 3 : i32
    %eq3A_223 = vector.broadcast %eq3A_222 : i32 to vector<16xi32>
    %eq3A_224 = arith.cmpi eq, %select_n3A_111, %eq3A_223 : vector<16xi32>
    %eq3A_225 = arith.constant 3 : i32
    %eq3A_226 = vector.broadcast %eq3A_225 : i32 to vector<16xi32>
    %eq3A_227 = arith.cmpi eq, %select_n3A_152, %eq3A_226 : vector<16xi32>
    %or3A_228 = arith.ori %eq3A_224, %eq3A_227 : vector<16xi1>
    %jit3A_229 = arith.constant 0.000000e+00 : f32
    %broadcast_in_dim3A_230 = vector.broadcast %jit3A_229 : f32 to vector<16xf32>
    %select_n3A_231 = arith.select %or3A_228, %get3A_79, %broadcast_in_dim3A_230 : vector<16xi1>, vector<16xf32>
    %max3A_232 = arith.maximumf %select_n3A_161, %select_n3A_171 : vector<16xf32>
    %max3A_233 = arith.maximumf %max3A_232, %select_n3A_181 : vector<16xf32>
    %max3A_234 = arith.maximumf %max3A_233, %select_n3A_191 : vector<16xf32>
    %max3A_235 = arith.maximumf %max3A_234, %select_n3A_201 : vector<16xf32>
    %max3A_236 = arith.maximumf %max3A_235, %select_n3A_211 : vector<16xf32>
    %max3A_237 = arith.maximumf %max3A_236, %select_n3A_221 : vector<16xf32>
    %max3A_238 = arith.maximumf %max3A_237, %select_n3A_231 : vector<16xf32>
    %broadcast_in_dim3A_239 = arith.constant 7 : i32
    %broadcast_in_dim3A_240 = vector.broadcast %broadcast_in_dim3A_239 : i32 to vector<16xi32>
    %eq3A_241 = arith.cmpf oeq, %select_n3A_221, %max3A_238 : vector<16xf32>
    %jit3A_242 = arith.constant 6 : i32
    %broadcast_in_dim3A_243 = vector.broadcast %jit3A_242 : i32 to vector<16xi32>
    %select_n3A_244 = arith.select %eq3A_241, %broadcast_in_dim3A_243, %broadcast_in_dim3A_240 : vector<16xi1>, vector<16xi32>
    %eq3A_245 = arith.cmpf oeq, %select_n3A_211, %max3A_238 : vector<16xf32>
    %jit3A_246 = arith.constant 5 : i32
    %broadcast_in_dim3A_247 = vector.broadcast %jit3A_246 : i32 to vector<16xi32>
    %select_n3A_248 = arith.select %eq3A_245, %broadcast_in_dim3A_247, %select_n3A_244 : vector<16xi1>, vector<16xi32>
    %eq3A_249 = arith.cmpf oeq, %select_n3A_201, %max3A_238 : vector<16xf32>
    %jit3A_250 = arith.constant 4 : i32
    %broadcast_in_dim3A_251 = vector.broadcast %jit3A_250 : i32 to vector<16xi32>
    %select_n3A_252 = arith.select %eq3A_249, %broadcast_in_dim3A_251, %select_n3A_248 : vector<16xi1>, vector<16xi32>
    %eq3A_253 = arith.cmpf oeq, %select_n3A_191, %max3A_238 : vector<16xf32>
    %jit3A_254 = arith.constant 3 : i32
    %broadcast_in_dim3A_255 = vector.broadcast %jit3A_254 : i32 to vector<16xi32>
    %select_n3A_256 = arith.select %eq3A_253, %broadcast_in_dim3A_255, %select_n3A_252 : vector<16xi1>, vector<16xi32>
    %eq3A_257 = arith.cmpf oeq, %select_n3A_181, %max3A_238 : vector<16xf32>
    %jit3A_258 = arith.constant 2 : i32
    %broadcast_in_dim3A_259 = vector.broadcast %jit3A_258 : i32 to vector<16xi32>
    %select_n3A_260 = arith.select %eq3A_257, %broadcast_in_dim3A_259, %select_n3A_256 : vector<16xi1>, vector<16xi32>
    %eq3A_261 = arith.cmpf oeq, %select_n3A_171, %max3A_238 : vector<16xf32>
    %jit3A_262 = arith.constant 1 : i32
    %broadcast_in_dim3A_263 = vector.broadcast %jit3A_262 : i32 to vector<16xi32>
    %select_n3A_264 = arith.select %eq3A_261, %broadcast_in_dim3A_263, %select_n3A_260 : vector<16xi1>, vector<16xi32>
    %eq3A_265 = arith.cmpf oeq, %select_n3A_161, %max3A_238 : vector<16xf32>
    %jit3A_266 = arith.constant 0 : i32
    %broadcast_in_dim3A_267 = vector.broadcast %jit3A_266 : i32 to vector<16xi32>
    %select_n3A_268 = arith.select %eq3A_265, %broadcast_in_dim3A_267, %select_n3A_264 : vector<16xi1>, vector<16xi32>
    %eq3A_269 = arith.constant 0 : i32
    %eq3A_270 = vector.broadcast %eq3A_269 : i32 to vector<16xi32>
    %eq3A_271 = arith.cmpi eq, %select_n3A_268, %eq3A_270 : vector<16xi32>
    %jit3A_272 = arith.constant 0xFF800000 : f32
    %broadcast_in_dim3A_273 = vector.broadcast %jit3A_272 : f32 to vector<16xf32>
    %select_n3A_274 = arith.select %eq3A_271, %broadcast_in_dim3A_273, %select_n3A_161 : vector<16xi1>, vector<16xf32>
    %eq3A_275 = arith.constant 1 : i32
    %eq3A_276 = vector.broadcast %eq3A_275 : i32 to vector<16xi32>
    %eq3A_277 = arith.cmpi eq, %select_n3A_268, %eq3A_276 : vector<16xi32>
    %jit3A_278 = arith.constant 0xFF800000 : f32
    %broadcast_in_dim3A_279 = vector.broadcast %jit3A_278 : f32 to vector<16xf32>
    %select_n3A_280 = arith.select %eq3A_277, %broadcast_in_dim3A_279, %select_n3A_171 : vector<16xi1>, vector<16xf32>
    %eq3A_281 = arith.constant 2 : i32
    %eq3A_282 = vector.broadcast %eq3A_281 : i32 to vector<16xi32>
    %eq3A_283 = arith.cmpi eq, %select_n3A_268, %eq3A_282 : vector<16xi32>
    %jit3A_284 = arith.constant 0xFF800000 : f32
    %broadcast_in_dim3A_285 = vector.broadcast %jit3A_284 : f32 to vector<16xf32>
    %select_n3A_286 = arith.select %eq3A_283, %broadcast_in_dim3A_285, %select_n3A_181 : vector<16xi1>, vector<16xf32>
    %eq3A_287 = arith.constant 3 : i32
    %eq3A_288 = vector.broadcast %eq3A_287 : i32 to vector<16xi32>
    %eq3A_289 = arith.cmpi eq, %select_n3A_268, %eq3A_288 : vector<16xi32>
    %jit3A_290 = arith.constant 0xFF800000 : f32
    %broadcast_in_dim3A_291 = vector.broadcast %jit3A_290 : f32 to vector<16xf32>
    %select_n3A_292 = arith.select %eq3A_289, %broadcast_in_dim3A_291, %select_n3A_191 : vector<16xi1>, vector<16xf32>
    %eq3A_293 = arith.constant 4 : i32
    %eq3A_294 = vector.broadcast %eq3A_293 : i32 to vector<16xi32>
    %eq3A_295 = arith.cmpi eq, %select_n3A_268, %eq3A_294 : vector<16xi32>
    %jit3A_296 = arith.constant 0xFF800000 : f32
    %broadcast_in_dim3A_297 = vector.broadcast %jit3A_296 : f32 to vector<16xf32>
    %select_n3A_298 = arith.select %eq3A_295, %broadcast_in_dim3A_297, %select_n3A_201 : vector<16xi1>, vector<16xf32>
    %eq3A_299 = arith.constant 5 : i32
    %eq3A_300 = vector.broadcast %eq3A_299 : i32 to vector<16xi32>
    %eq3A_301 = arith.cmpi eq, %select_n3A_268, %eq3A_300 : vector<16xi32>
    %jit3A_302 = arith.constant 0xFF800000 : f32
    %broadcast_in_dim3A_303 = vector.broadcast %jit3A_302 : f32 to vector<16xf32>
    %select_n3A_304 = arith.select %eq3A_301, %broadcast_in_dim3A_303, %select_n3A_211 : vector<16xi1>, vector<16xf32>
    %eq3A_305 = arith.constant 6 : i32
    %eq3A_306 = vector.broadcast %eq3A_305 : i32 to vector<16xi32>
    %eq3A_307 = arith.cmpi eq, %select_n3A_268, %eq3A_306 : vector<16xi32>
    %jit3A_308 = arith.constant 0xFF800000 : f32
    %broadcast_in_dim3A_309 = vector.broadcast %jit3A_308 : f32 to vector<16xf32>
    %select_n3A_310 = arith.select %eq3A_307, %broadcast_in_dim3A_309, %select_n3A_221 : vector<16xi1>, vector<16xf32>
    %eq3A_311 = arith.constant 7 : i32
    %eq3A_312 = vector.broadcast %eq3A_311 : i32 to vector<16xi32>
    %eq3A_313 = arith.cmpi eq, %select_n3A_268, %eq3A_312 : vector<16xi32>
    %jit3A_314 = arith.constant 0xFF800000 : f32
    %broadcast_in_dim3A_315 = vector.broadcast %jit3A_314 : f32 to vector<16xf32>
    %select_n3A_316 = arith.select %eq3A_313, %broadcast_in_dim3A_315, %select_n3A_231 : vector<16xi1>, vector<16xf32>
    %max3A_317 = arith.maximumf %select_n3A_274, %select_n3A_280 : vector<16xf32>
    %max3A_318 = arith.maximumf %max3A_317, %select_n3A_286 : vector<16xf32>
    %max3A_319 = arith.maximumf %max3A_318, %select_n3A_292 : vector<16xf32>
    %max3A_320 = arith.maximumf %max3A_319, %select_n3A_298 : vector<16xf32>
    %max3A_321 = arith.maximumf %max3A_320, %select_n3A_304 : vector<16xf32>
    %max3A_322 = arith.maximumf %max3A_321, %select_n3A_310 : vector<16xf32>
    %max3A_323 = arith.maximumf %max3A_322, %select_n3A_316 : vector<16xf32>
    %broadcast_in_dim3A_324 = arith.constant 7 : i32
    %broadcast_in_dim3A_325 = vector.broadcast %broadcast_in_dim3A_324 : i32 to vector<16xi32>
    %eq3A_326 = arith.cmpf oeq, %select_n3A_310, %max3A_323 : vector<16xf32>
    %jit3A_327 = arith.constant 6 : i32
    %broadcast_in_dim3A_328 = vector.broadcast %jit3A_327 : i32 to vector<16xi32>
    %select_n3A_329 = arith.select %eq3A_326, %broadcast_in_dim3A_328, %broadcast_in_dim3A_325 : vector<16xi1>, vector<16xi32>
    %eq3A_330 = arith.cmpf oeq, %select_n3A_304, %max3A_323 : vector<16xf32>
    %jit3A_331 = arith.constant 5 : i32
    %broadcast_in_dim3A_332 = vector.broadcast %jit3A_331 : i32 to vector<16xi32>
    %select_n3A_333 = arith.select %eq3A_330, %broadcast_in_dim3A_332, %select_n3A_329 : vector<16xi1>, vector<16xi32>
    %eq3A_334 = arith.cmpf oeq, %select_n3A_298, %max3A_323 : vector<16xf32>
    %jit3A_335 = arith.constant 4 : i32
    %broadcast_in_dim3A_336 = vector.broadcast %jit3A_335 : i32 to vector<16xi32>
    %select_n3A_337 = arith.select %eq3A_334, %broadcast_in_dim3A_336, %select_n3A_333 : vector<16xi1>, vector<16xi32>
    %eq3A_338 = arith.cmpf oeq, %select_n3A_292, %max3A_323 : vector<16xf32>
    %jit3A_339 = arith.constant 3 : i32
    %broadcast_in_dim3A_340 = vector.broadcast %jit3A_339 : i32 to vector<16xi32>
    %select_n3A_341 = arith.select %eq3A_338, %broadcast_in_dim3A_340, %select_n3A_337 : vector<16xi1>, vector<16xi32>
    %eq3A_342 = arith.cmpf oeq, %select_n3A_286, %max3A_323 : vector<16xf32>
    %jit3A_343 = arith.constant 2 : i32
    %broadcast_in_dim3A_344 = vector.broadcast %jit3A_343 : i32 to vector<16xi32>
    %select_n3A_345 = arith.select %eq3A_342, %broadcast_in_dim3A_344, %select_n3A_341 : vector<16xi1>, vector<16xi32>
    %eq3A_346 = arith.cmpf oeq, %select_n3A_280, %max3A_323 : vector<16xf32>
    %jit3A_347 = arith.constant 1 : i32
    %broadcast_in_dim3A_348 = vector.broadcast %jit3A_347 : i32 to vector<16xi32>
    %select_n3A_349 = arith.select %eq3A_346, %broadcast_in_dim3A_348, %select_n3A_345 : vector<16xi1>, vector<16xi32>
    %eq3A_350 = arith.cmpf oeq, %select_n3A_274, %max3A_323 : vector<16xf32>
    %jit3A_351 = arith.constant 0 : i32
    %broadcast_in_dim3A_352 = vector.broadcast %jit3A_351 : i32 to vector<16xi32>
    %select_n3A_353 = arith.select %eq3A_350, %broadcast_in_dim3A_352, %select_n3A_349 : vector<16xi1>, vector<16xi32>
    %eq3A_354 = arith.constant 6 : i32
    %eq3A_355 = vector.broadcast %eq3A_354 : i32 to vector<16xi32>
    %eq3A_356 = arith.cmpi eq, %select_n3A_268, %eq3A_355 : vector<16xi32>
    %select_n3A_357 = arith.select %eq3A_356, %get3A_34, %get3A_39 : vector<16xi1>, vector<16xf32>
    %eq3A_358 = arith.constant 6 : i32
    %eq3A_359 = vector.broadcast %eq3A_358 : i32 to vector<16xi32>
    %eq3A_360 = arith.cmpi eq, %select_n3A_353, %eq3A_359 : vector<16xi32>
    %select_n3A_361 = arith.select %eq3A_360, %get3A_34, %get3A_39 : vector<16xi1>, vector<16xf32>
    %eq3A_362 = arith.constant 5 : i32
    %eq3A_363 = vector.broadcast %eq3A_362 : i32 to vector<16xi32>
    %eq3A_364 = arith.cmpi eq, %select_n3A_268, %eq3A_363 : vector<16xi32>
    %select_n3A_365 = arith.select %eq3A_364, %get3A_29, %select_n3A_357 : vector<16xi1>, vector<16xf32>
    %eq3A_366 = arith.constant 5 : i32
    %eq3A_367 = vector.broadcast %eq3A_366 : i32 to vector<16xi32>
    %eq3A_368 = arith.cmpi eq, %select_n3A_353, %eq3A_367 : vector<16xi32>
    %select_n3A_369 = arith.select %eq3A_368, %get3A_29, %select_n3A_361 : vector<16xi1>, vector<16xf32>
    %eq3A_370 = arith.constant 4 : i32
    %eq3A_371 = vector.broadcast %eq3A_370 : i32 to vector<16xi32>
    %eq3A_372 = arith.cmpi eq, %select_n3A_268, %eq3A_371 : vector<16xi32>
    %select_n3A_373 = arith.select %eq3A_372, %get3A_24, %select_n3A_365 : vector<16xi1>, vector<16xf32>
    %eq3A_374 = arith.constant 4 : i32
    %eq3A_375 = vector.broadcast %eq3A_374 : i32 to vector<16xi32>
    %eq3A_376 = arith.cmpi eq, %select_n3A_353, %eq3A_375 : vector<16xi32>
    %select_n3A_377 = arith.select %eq3A_376, %get3A_24, %select_n3A_369 : vector<16xi1>, vector<16xf32>
    %eq3A_378 = arith.constant 3 : i32
    %eq3A_379 = vector.broadcast %eq3A_378 : i32 to vector<16xi32>
    %eq3A_380 = arith.cmpi eq, %select_n3A_268, %eq3A_379 : vector<16xi32>
    %select_n3A_381 = arith.select %eq3A_380, %get3A_19, %select_n3A_373 : vector<16xi1>, vector<16xf32>
    %eq3A_382 = arith.constant 3 : i32
    %eq3A_383 = vector.broadcast %eq3A_382 : i32 to vector<16xi32>
    %eq3A_384 = arith.cmpi eq, %select_n3A_353, %eq3A_383 : vector<16xi32>
    %select_n3A_385 = arith.select %eq3A_384, %get3A_19, %select_n3A_377 : vector<16xi1>, vector<16xf32>
    %eq3A_386 = arith.constant 2 : i32
    %eq3A_387 = vector.broadcast %eq3A_386 : i32 to vector<16xi32>
    %eq3A_388 = arith.cmpi eq, %select_n3A_268, %eq3A_387 : vector<16xi32>
    %select_n3A_389 = arith.select %eq3A_388, %get3A_14, %select_n3A_381 : vector<16xi1>, vector<16xf32>
    %eq3A_390 = arith.constant 2 : i32
    %eq3A_391 = vector.broadcast %eq3A_390 : i32 to vector<16xi32>
    %eq3A_392 = arith.cmpi eq, %select_n3A_353, %eq3A_391 : vector<16xi32>
    %select_n3A_393 = arith.select %eq3A_392, %get3A_14, %select_n3A_385 : vector<16xi1>, vector<16xf32>
    %eq3A_394 = arith.constant 1 : i32
    %eq3A_395 = vector.broadcast %eq3A_394 : i32 to vector<16xi32>
    %eq3A_396 = arith.cmpi eq, %select_n3A_268, %eq3A_395 : vector<16xi32>
    %select_n3A_397 = arith.select %eq3A_396, %get3A_9, %select_n3A_389 : vector<16xi1>, vector<16xf32>
    %eq3A_398 = arith.constant 1 : i32
    %eq3A_399 = vector.broadcast %eq3A_398 : i32 to vector<16xi32>
    %eq3A_400 = arith.cmpi eq, %select_n3A_353, %eq3A_399 : vector<16xi32>
    %select_n3A_401 = arith.select %eq3A_400, %get3A_9, %select_n3A_393 : vector<16xi1>, vector<16xf32>
    %eq3A_402 = arith.constant 0 : i32
    %eq3A_403 = vector.broadcast %eq3A_402 : i32 to vector<16xi32>
    %eq3A_404 = arith.cmpi eq, %select_n3A_268, %eq3A_403 : vector<16xi32>
    %select_n3A_405 = arith.select %eq3A_404, %get3A_4, %select_n3A_397 : vector<16xi1>, vector<16xf32>
    %eq3A_406 = arith.constant 0 : i32
    %eq3A_407 = vector.broadcast %eq3A_406 : i32 to vector<16xi32>
    %eq3A_408 = arith.cmpi eq, %select_n3A_353, %eq3A_407 : vector<16xi32>
    %select_n3A_409 = arith.select %eq3A_408, %get3A_4, %select_n3A_401 : vector<16xi1>, vector<16xf32>
    %add3A_410 = arith.addf %select_n3A_405, %select_n3A_409 : vector<16xf32>
    %div3A = arith.divf %select_n3A_405, %add3A_410 : vector<16xf32>
    %div3A_411 = arith.divf %select_n3A_409, %add3A_410 : vector<16xf32>
    %eq3A_412 = arith.constant 0 : i32
    %eq3A_413 = vector.broadcast %eq3A_412 : i32 to vector<16xi32>
    %eq3A_414 = arith.cmpi eq, %select_n3A_268, %eq3A_413 : vector<16xi32>
    %eq3A_415 = arith.constant 0 : i32
    %eq3A_416 = vector.broadcast %eq3A_415 : i32 to vector<16xi32>
    %eq3A_417 = arith.cmpi eq, %select_n3A_353, %eq3A_416 : vector<16xi32>
    %jit3A_418 = arith.constant 0.000000e+00 : f32
    %broadcast_in_dim3A_419 = vector.broadcast %jit3A_418 : f32 to vector<16xf32>
    %select_n3A_420 = arith.select %eq3A_417, %div3A_411, %broadcast_in_dim3A_419 : vector<16xi1>, vector<16xf32>
    %select_n3A_421 = arith.select %eq3A_414, %div3A, %select_n3A_420 : vector<16xi1>, vector<16xf32>
    %swap3A = arith.constant 0 : i32
    %swap3A_422 = arith.index_cast %swap3A : i32 to index
    %swap3A_423 = arith.constant 0 : index
    %swap3A_424 = tpu.vector_load %arg9[%swap3A_422, %swap3A_423] {strides = array<i32>} : memref<8x64xf32, #tpu.memory_space<vmem>>, vector<1x16xf32>,
    %swap3A_425 = vector.shape_cast %swap3A_424 : vector<1x16xf32> to vector<16xf32>
    %swap3A_426 = vector.shape_cast %select_n3A_421 : vector<16xf32> to vector<1x16xf32>
    tpu.vector_store %arg9[%swap3A_422, %swap3A_423], %swap3A_426 {strides = array<i32>} : memref<8x64xf32, #tpu.memory_space<vmem>>, vector<1x16xf32>,
    %eq3A_427 = arith.constant 1 : i32
    %eq3A_428 = vector.broadcast %eq3A_427 : i32 to vector<16xi32>
    %eq3A_429 = arith.cmpi eq, %select_n3A_268, %eq3A_428 : vector<16xi32>
    %eq3A_430 = arith.constant 1 : i32
    %eq3A_431 = vector.broadcast %eq3A_430 : i32 to vector<16xi32>
    %eq3A_432 = arith.cmpi eq, %select_n3A_353, %eq3A_431 : vector<16xi32>
    %jit3A_433 = arith.constant 0.000000e+00 : f32
    %broadcast_in_dim3A_434 = vector.broadcast %jit3A_433 : f32 to vector<16xf32>
    %select_n3A_435 = arith.select %eq3A_432, %div3A_411, %broadcast_in_dim3A_434 : vector<16xi1>, vector<16xf32>
    %select_n3A_436 = arith.select %eq3A_429, %div3A, %select_n3A_435 : vector<16xi1>, vector<16xf32>
    %swap3A_437 = arith.constant 1 : i32
    %swap3A_438 = arith.index_cast %swap3A_437 : i32 to index
    %swap3A_439 = arith.constant 0 : index
    %swap3A_440 = tpu.vector_load %arg9[%swap3A_438, %swap3A_439] {strides = array<i32>} : memref<8x64xf32, #tpu.memory_space<vmem>>, vector<1x16xf32>,
    %swap3A_441 = vector.shape_cast %swap3A_440 : vector<1x16xf32> to vector<16xf32>
    %swap3A_442 = vector.shape_cast %select_n3A_436 : vector<16xf32> to vector<1x16xf32>
    tpu.vector_store %arg9[%swap3A_438, %swap3A_439], %swap3A_442 {strides = array<i32>} : memref<8x64xf32, #tpu.memory_space<vmem>>, vector<1x16xf32>,
    %eq3A_443 = arith.constant 2 : i32
    %eq3A_444 = vector.broadcast %eq3A_443 : i32 to vector<16xi32>
    %eq3A_445 = arith.cmpi eq, %select_n3A_268, %eq3A_444 : vector<16xi32>
    %eq3A_446 = arith.constant 2 : i32
    %eq3A_447 = vector.broadcast %eq3A_446 : i32 to vector<16xi32>
    %eq3A_448 = arith.cmpi eq, %select_n3A_353, %eq3A_447 : vector<16xi32>
    %jit3A_449 = arith.constant 0.000000e+00 : f32
    %broadcast_in_dim3A_450 = vector.broadcast %jit3A_449 : f32 to vector<16xf32>
    %select_n3A_451 = arith.select %eq3A_448, %div3A_411, %broadcast_in_dim3A_450 : vector<16xi1>, vector<16xf32>
    %select_n3A_452 = arith.select %eq3A_445, %div3A, %select_n3A_451 : vector<16xi1>, vector<16xf32>
    %swap3A_453 = arith.constant 2 : i32
    %swap3A_454 = arith.index_cast %swap3A_453 : i32 to index
    %swap3A_455 = arith.constant 0 : index
    %swap3A_456 = tpu.vector_load %arg9[%swap3A_454, %swap3A_455] {strides = array<i32>} : memref<8x64xf32, #tpu.memory_space<vmem>>, vector<1x16xf32>,
    %swap3A_457 = vector.shape_cast %swap3A_456 : vector<1x16xf32> to vector<16xf32>
    %swap3A_458 = vector.shape_cast %select_n3A_452 : vector<16xf32> to vector<1x16xf32>
    tpu.vector_store %arg9[%swap3A_454, %swap3A_455], %swap3A_458 {strides = array<i32>} : memref<8x64xf32, #tpu.memory_space<vmem>>, vector<1x16xf32>,
    %eq3A_459 = arith.constant 3 : i32
    %eq3A_460 = vector.broadcast %eq3A_459 : i32 to vector<16xi32>
    %eq3A_461 = arith.cmpi eq, %select_n3A_268, %eq3A_460 : vector<16xi32>
    %eq3A_462 = arith.constant 3 : i32
    %eq3A_463 = vector.broadcast %eq3A_462 : i32 to vector<16xi32>
    %eq3A_464 = arith.cmpi eq, %select_n3A_353, %eq3A_463 : vector<16xi32>
    %jit3A_465 = arith.constant 0.000000e+00 : f32
    %broadcast_in_dim3A_466 = vector.broadcast %jit3A_465 : f32 to vector<16xf32>
    %select_n3A_467 = arith.select %eq3A_464, %div3A_411, %broadcast_in_dim3A_466 : vector<16xi1>, vector<16xf32>
    %select_n3A_468 = arith.select %eq3A_461, %div3A, %select_n3A_467 : vector<16xi1>, vector<16xf32>
    %swap3A_469 = arith.constant 3 : i32
    %swap3A_470 = arith.index_cast %swap3A_469 : i32 to index
    %swap3A_471 = arith.constant 0 : index
    %swap3A_472 = tpu.vector_load %arg9[%swap3A_470, %swap3A_471] {strides = array<i32>} : memref<8x64xf32, #tpu.memory_space<vmem>>, vector<1x16xf32>,
    %swap3A_473 = vector.shape_cast %swap3A_472 : vector<1x16xf32> to vector<16xf32>
    %swap3A_474 = vector.shape_cast %select_n3A_468 : vector<16xf32> to vector<1x16xf32>
    tpu.vector_store %arg9[%swap3A_470, %swap3A_471], %swap3A_474 {strides = array<i32>} : memref<8x64xf32, #tpu.memory_space<vmem>>, vector<1x16xf32>,
    %eq3A_475 = arith.constant 4 : i32
    %eq3A_476 = vector.broadcast %eq3A_475 : i32 to vector<16xi32>
    %eq3A_477 = arith.cmpi eq, %select_n3A_268, %eq3A_476 : vector<16xi32>
    %eq3A_478 = arith.constant 4 : i32
    %eq3A_479 = vector.broadcast %eq3A_478 : i32 to vector<16xi32>
    %eq3A_480 = arith.cmpi eq, %select_n3A_353, %eq3A_479 : vector<16xi32>
    %jit3A_481 = arith.constant 0.000000e+00 : f32
    %broadcast_in_dim3A_482 = vector.broadcast %jit3A_481 : f32 to vector<16xf32>
    %select_n3A_483 = arith.select %eq3A_480, %div3A_411, %broadcast_in_dim3A_482 : vector<16xi1>, vector<16xf32>
    %select_n3A_484 = arith.select %eq3A_477, %div3A, %select_n3A_483 : vector<16xi1>, vector<16xf32>
    %swap3A_485 = arith.constant 4 : i32
    %swap3A_486 = arith.index_cast %swap3A_485 : i32 to index
    %swap3A_487 = arith.constant 0 : index
    %swap3A_488 = tpu.vector_load %arg9[%swap3A_486, %swap3A_487] {strides = array<i32>} : memref<8x64xf32, #tpu.memory_space<vmem>>, vector<1x16xf32>,
    %swap3A_489 = vector.shape_cast %swap3A_488 : vector<1x16xf32> to vector<16xf32>
    %swap3A_490 = vector.shape_cast %select_n3A_484 : vector<16xf32> to vector<1x16xf32>
    tpu.vector_store %arg9[%swap3A_486, %swap3A_487], %swap3A_490 {strides = array<i32>} : memref<8x64xf32, #tpu.memory_space<vmem>>, vector<1x16xf32>,
    %eq3A_491 = arith.constant 5 : i32
    %eq3A_492 = vector.broadcast %eq3A_491 : i32 to vector<16xi32>
    %eq3A_493 = arith.cmpi eq, %select_n3A_268, %eq3A_492 : vector<16xi32>
    %eq3A_494 = arith.constant 5 : i32
    %eq3A_495 = vector.broadcast %eq3A_494 : i32 to vector<16xi32>
    %eq3A_496 = arith.cmpi eq, %select_n3A_353, %eq3A_495 : vector<16xi32>
    %jit3A_497 = arith.constant 0.000000e+00 : f32
    %broadcast_in_dim3A_498 = vector.broadcast %jit3A_497 : f32 to vector<16xf32>
    %select_n3A_499 = arith.select %eq3A_496, %div3A_411, %broadcast_in_dim3A_498 : vector<16xi1>, vector<16xf32>
    %select_n3A_500 = arith.select %eq3A_493, %div3A, %select_n3A_499 : vector<16xi1>, vector<16xf32>
    %swap3A_501 = arith.constant 5 : i32
    %swap3A_502 = arith.index_cast %swap3A_501 : i32 to index
    %swap3A_503 = arith.constant 0 : index
    %swap3A_504 = tpu.vector_load %arg9[%swap3A_502, %swap3A_503] {strides = array<i32>} : memref<8x64xf32, #tpu.memory_space<vmem>>, vector<1x16xf32>,
    %swap3A_505 = vector.shape_cast %swap3A_504 : vector<1x16xf32> to vector<16xf32>
    %swap3A_506 = vector.shape_cast %select_n3A_500 : vector<16xf32> to vector<1x16xf32>
    tpu.vector_store %arg9[%swap3A_502, %swap3A_503], %swap3A_506 {strides = array<i32>} : memref<8x64xf32, #tpu.memory_space<vmem>>, vector<1x16xf32>,
    %eq3A_507 = arith.constant 6 : i32
    %eq3A_508 = vector.broadcast %eq3A_507 : i32 to vector<16xi32>
    %eq3A_509 = arith.cmpi eq, %select_n3A_268, %eq3A_508 : vector<16xi32>
    %eq3A_510 = arith.constant 6 : i32
    %eq3A_511 = vector.broadcast %eq3A_510 : i32 to vector<16xi32>
    %eq3A_512 = arith.cmpi eq, %select_n3A_353, %eq3A_511 : vector<16xi32>
    %jit3A_513 = arith.constant 0.000000e+00 : f32
    %broadcast_in_dim3A_514 = vector.broadcast %jit3A_513 : f32 to vector<16xf32>
    %select_n3A_515 = arith.select %eq3A_512, %div3A_411, %broadcast_in_dim3A_514 : vector<16xi1>, vector<16xf32>
    %select_n3A_516 = arith.select %eq3A_509, %div3A, %select_n3A_515 : vector<16xi1>, vector<16xf32>
    %swap3A_517 = arith.constant 6 : i32
    %swap3A_518 = arith.index_cast %swap3A_517 : i32 to index
    %swap3A_519 = arith.constant 0 : index
    %swap3A_520 = tpu.vector_load %arg9[%swap3A_518, %swap3A_519] {strides = array<i32>} : memref<8x64xf32, #tpu.memory_space<vmem>>, vector<1x16xf32>,
    %swap3A_521 = vector.shape_cast %swap3A_520 : vector<1x16xf32> to vector<16xf32>
    %swap3A_522 = vector.shape_cast %select_n3A_516 : vector<16xf32> to vector<1x16xf32>
    tpu.vector_store %arg9[%swap3A_518, %swap3A_519], %swap3A_522 {strides = array<i32>} : memref<8x64xf32, #tpu.memory_space<vmem>>, vector<1x16xf32>,
    %eq3A_523 = arith.constant 7 : i32
    %eq3A_524 = vector.broadcast %eq3A_523 : i32 to vector<16xi32>
    %eq3A_525 = arith.cmpi eq, %select_n3A_268, %eq3A_524 : vector<16xi32>
    %eq3A_526 = arith.constant 7 : i32
    %eq3A_527 = vector.broadcast %eq3A_526 : i32 to vector<16xi32>
    %eq3A_528 = arith.cmpi eq, %select_n3A_353, %eq3A_527 : vector<16xi32>
    %jit3A_529 = arith.constant 0.000000e+00 : f32
    %broadcast_in_dim3A_530 = vector.broadcast %jit3A_529 : f32 to vector<16xf32>
    %select_n3A_531 = arith.select %eq3A_528, %div3A_411, %broadcast_in_dim3A_530 : vector<16xi1>, vector<16xf32>
    %select_n3A_532 = arith.select %eq3A_525, %div3A, %select_n3A_531 : vector<16xi1>, vector<16xf32>
    %swap3A_533 = arith.constant 7 : i32
    %swap3A_534 = arith.index_cast %swap3A_533 : i32 to index
    %swap3A_535 = arith.constant 0 : index
    %swap3A_536 = tpu.vector_load %arg9[%swap3A_534, %swap3A_535] {strides = array<i32>} : memref<8x64xf32, #tpu.memory_space<vmem>>, vector<1x16xf32>,
    %swap3A_537 = vector.shape_cast %swap3A_536 : vector<1x16xf32> to vector<16xf32>
    %swap3A_538 = vector.shape_cast %select_n3A_532 : vector<16xf32> to vector<1x16xf32>
    tpu.vector_store %arg9[%swap3A_534, %swap3A_535], %swap3A_538 {strides = array<i32>} : memref<8x64xf32, #tpu.memory_space<vmem>>, vector<1x16xf32>,
    %get3A_539 = arith.constant 0 : i32
    %get3A_540 = arith.index_cast %get3A_539 : i32 to index
    %get3A_541 = arith.constant 16 : index
    %get3A_542 = tpu.vector_load %arg6[%get3A_540, %get3A_541] {strides = array<i32>} : memref<8x64xf32, #tpu.memory_space<vmem>>, vector<1x16xf32>,
    %get3A_543 = vector.shape_cast %get3A_542 : vector<1x16xf32> to vector<16xf32>
    %get3A_544 = arith.constant 1 : i32
    %get3A_545 = arith.index_cast %get3A_544 : i32 to index
    %get3A_546 = arith.constant 16 : index
    %get3A_547 = tpu.vector_load %arg6[%get3A_545, %get3A_546] {strides = array<i32>} : memref<8x64xf32, #tpu.memory_space<vmem>>, vector<1x16xf32>,
    %get3A_548 = vector.shape_cast %get3A_547 : vector<1x16xf32> to vector<16xf32>
    %get3A_549 = arith.constant 2 : i32
    %get3A_550 = arith.index_cast %get3A_549 : i32 to index
    %get3A_551 = arith.constant 16 : index
    %get3A_552 = tpu.vector_load %arg6[%get3A_550, %get3A_551] {strides = array<i32>} : memref<8x64xf32, #tpu.memory_space<vmem>>, vector<1x16xf32>,
    %get3A_553 = vector.shape_cast %get3A_552 : vector<1x16xf32> to vector<16xf32>
    %get3A_554 = arith.constant 3 : i32
    %get3A_555 = arith.index_cast %get3A_554 : i32 to index
    %get3A_556 = arith.constant 16 : index
    %get3A_557 = tpu.vector_load %arg6[%get3A_555, %get3A_556] {strides = array<i32>} : memref<8x64xf32, #tpu.memory_space<vmem>>, vector<1x16xf32>,
    %get3A_558 = vector.shape_cast %get3A_557 : vector<1x16xf32> to vector<16xf32>
    %get3A_559 = arith.constant 4 : i32
    %get3A_560 = arith.index_cast %get3A_559 : i32 to index
    %get3A_561 = arith.constant 16 : index
    %get3A_562 = tpu.vector_load %arg6[%get3A_560, %get3A_561] {strides = array<i32>} : memref<8x64xf32, #tpu.memory_space<vmem>>, vector<1x16xf32>,
    %get3A_563 = vector.shape_cast %get3A_562 : vector<1x16xf32> to vector<16xf32>
    %get3A_564 = arith.constant 5 : i32
    %get3A_565 = arith.index_cast %get3A_564 : i32 to index
    %get3A_566 = arith.constant 16 : index
    %get3A_567 = tpu.vector_load %arg6[%get3A_565, %get3A_566] {strides = array<i32>} : memref<8x64xf32, #tpu.memory_space<vmem>>, vector<1x16xf32>,
    %get3A_568 = vector.shape_cast %get3A_567 : vector<1x16xf32> to vector<16xf32>
    %get3A_569 = arith.constant 6 : i32
    %get3A_570 = arith.index_cast %get3A_569 : i32 to index
    %get3A_571 = arith.constant 16 : index
    %get3A_572 = tpu.vector_load %arg6[%get3A_570, %get3A_571] {strides = array<i32>} : memref<8x64xf32, #tpu.memory_space<vmem>>, vector<1x16xf32>,
    %get3A_573 = vector.shape_cast %get3A_572 : vector<1x16xf32> to vector<16xf32>
    %get3A_574 = arith.constant 7 : i32
    %get3A_575 = arith.index_cast %get3A_574 : i32 to index
    %get3A_576 = arith.constant 16 : index
    %get3A_577 = tpu.vector_load %arg6[%get3A_575, %get3A_576] {strides = array<i32>} : memref<8x64xf32, #tpu.memory_space<vmem>>, vector<1x16xf32>,
    %get3A_578 = vector.shape_cast %get3A_577 : vector<1x16xf32> to vector<16xf32>
    %get3A_579 = arith.constant 0 : i32
    %get3A_580 = arith.index_cast %get3A_579 : i32 to index
    %get3A_581 = arith.constant 16 : index
    %get3A_582 = tpu.vector_load %arg7[%get3A_580, %get3A_581] {strides = array<i32>} : memref<8x64xf32, #tpu.memory_space<vmem>>, vector<1x16xf32>,
    %get3A_583 = vector.shape_cast %get3A_582 : vector<1x16xf32> to vector<16xf32>
    %get3A_584 = arith.constant 1 : i32
    %get3A_585 = arith.index_cast %get3A_584 : i32 to index
    %get3A_586 = arith.constant 16 : index
    %get3A_587 = tpu.vector_load %arg7[%get3A_585, %get3A_586] {strides = array<i32>} : memref<8x64xf32, #tpu.memory_space<vmem>>, vector<1x16xf32>,
    %get3A_588 = vector.shape_cast %get3A_587 : vector<1x16xf32> to vector<16xf32>
    %get3A_589 = arith.constant 2 : i32
    %get3A_590 = arith.index_cast %get3A_589 : i32 to index
    %get3A_591 = arith.constant 16 : index
    %get3A_592 = tpu.vector_load %arg7[%get3A_590, %get3A_591] {strides = array<i32>} : memref<8x64xf32, #tpu.memory_space<vmem>>, vector<1x16xf32>,
    %get3A_593 = vector.shape_cast %get3A_592 : vector<1x16xf32> to vector<16xf32>
    %get3A_594 = arith.constant 3 : i32
    %get3A_595 = arith.index_cast %get3A_594 : i32 to index
    %get3A_596 = arith.constant 16 : index
    %get3A_597 = tpu.vector_load %arg7[%get3A_595, %get3A_596] {strides = array<i32>} : memref<8x64xf32, #tpu.memory_space<vmem>>, vector<1x16xf32>,
    %get3A_598 = vector.shape_cast %get3A_597 : vector<1x16xf32> to vector<16xf32>
    %get3A_599 = arith.constant 4 : i32
    %get3A_600 = arith.index_cast %get3A_599 : i32 to index
    %get3A_601 = arith.constant 16 : index
    %get3A_602 = tpu.vector_load %arg7[%get3A_600, %get3A_601] {strides = array<i32>} : memref<8x64xf32, #tpu.memory_space<vmem>>, vector<1x16xf32>,
    %get3A_603 = vector.shape_cast %get3A_602 : vector<1x16xf32> to vector<16xf32>
    %get3A_604 = arith.constant 5 : i32
    %get3A_605 = arith.index_cast %get3A_604 : i32 to index
    %get3A_606 = arith.constant 16 : index
    %get3A_607 = tpu.vector_load %arg7[%get3A_605, %get3A_606] {strides = array<i32>} : memref<8x64xf32, #tpu.memory_space<vmem>>, vector<1x16xf32>,
    %get3A_608 = vector.shape_cast %get3A_607 : vector<1x16xf32> to vector<16xf32>
    %get3A_609 = arith.constant 6 : i32
    %get3A_610 = arith.index_cast %get3A_609 : i32 to index
    %get3A_611 = arith.constant 16 : index
    %get3A_612 = tpu.vector_load %arg7[%get3A_610, %get3A_611] {strides = array<i32>} : memref<8x64xf32, #tpu.memory_space<vmem>>, vector<1x16xf32>,
    %get3A_613 = vector.shape_cast %get3A_612 : vector<1x16xf32> to vector<16xf32>
    %get3A_614 = arith.constant 7 : i32
    %get3A_615 = arith.index_cast %get3A_614 : i32 to index
    %get3A_616 = arith.constant 16 : index
    %get3A_617 = tpu.vector_load %arg7[%get3A_615, %get3A_616] {strides = array<i32>} : memref<8x64xf32, #tpu.memory_space<vmem>>, vector<1x16xf32>,
    %get3A_618 = vector.shape_cast %get3A_617 : vector<1x16xf32> to vector<16xf32>
    %get3A_619 = arith.constant 0 : i32
    %get3A_620 = arith.index_cast %get3A_619 : i32 to index
    %get3A_621 = arith.constant 16 : index
    %get3A_622 = tpu.vector_load %arg8[%get3A_620, %get3A_621] {strides = array<i32>} : memref<4x64xf32, #tpu.memory_space<vmem>>, vector<1x16xf32>,
    %get3A_623 = vector.shape_cast %get3A_622 : vector<1x16xf32> to vector<16xf32>
    %get3A_624 = arith.constant 1 : i32
    %get3A_625 = arith.index_cast %get3A_624 : i32 to index
    %get3A_626 = arith.constant 16 : index
    %get3A_627 = tpu.vector_load %arg8[%get3A_625, %get3A_626] {strides = array<i32>} : memref<4x64xf32, #tpu.memory_space<vmem>>, vector<1x16xf32>,
    %get3A_628 = vector.shape_cast %get3A_627 : vector<1x16xf32> to vector<16xf32>
    %get3A_629 = arith.constant 2 : i32
    %get3A_630 = arith.index_cast %get3A_629 : i32 to index
    %get3A_631 = arith.constant 16 : index
    %get3A_632 = tpu.vector_load %arg8[%get3A_630, %get3A_631] {strides = array<i32>} : memref<4x64xf32, #tpu.memory_space<vmem>>, vector<1x16xf32>,
    %get3A_633 = vector.shape_cast %get3A_632 : vector<1x16xf32> to vector<16xf32>
    %get3A_634 = arith.constant 3 : i32
    %get3A_635 = arith.index_cast %get3A_634 : i32 to index
    %get3A_636 = arith.constant 16 : index
    %get3A_637 = tpu.vector_load %arg8[%get3A_635, %get3A_636] {strides = array<i32>} : memref<4x64xf32, #tpu.memory_space<vmem>>, vector<1x16xf32>,
    %get3A_638 = vector.shape_cast %get3A_637 : vector<1x16xf32> to vector<16xf32>
    %max3A_639 = arith.maximumf %get3A_623, %get3A_628 : vector<16xf32>
    %max3A_640 = arith.maximumf %get3A_633, %get3A_638 : vector<16xf32>
    %max3A_641 = arith.maximumf %max3A_639, %max3A_640 : vector<16xf32>
    %eq3A_642 = arith.cmpf oeq, %get3A_623, %max3A_641 : vector<16xf32>
    %eq3A_643 = arith.cmpf oeq, %get3A_628, %max3A_641 : vector<16xf32>
    %eq3A_644 = arith.cmpf oeq, %get3A_633, %max3A_641 : vector<16xf32>
    %jit3A_645 = arith.constant 2 : i32
    %jit3A_646 = arith.constant 3 : i32
    %broadcast_in_dim3A_647 = vector.broadcast %jit3A_645 : i32 to vector<16xi32>
    %broadcast_in_dim3A_648 = vector.broadcast %jit3A_646 : i32 to vector<16xi32>
    %select_n3A_649 = arith.select %eq3A_644, %broadcast_in_dim3A_647, %broadcast_in_dim3A_648 : vector<16xi1>, vector<16xi32>
    %jit3A_650 = arith.constant 1 : i32
    %broadcast_in_dim3A_651 = vector.broadcast %jit3A_650 : i32 to vector<16xi32>
    %select_n3A_652 = arith.select %eq3A_643, %broadcast_in_dim3A_651, %select_n3A_649 : vector<16xi1>, vector<16xi32>
    %jit3A_653 = arith.constant 0 : i32
    %broadcast_in_dim3A_654 = vector.broadcast %jit3A_653 : i32 to vector<16xi32>
    %select_n3A_655 = arith.select %eq3A_642, %broadcast_in_dim3A_654, %select_n3A_652 : vector<16xi1>, vector<16xi32>
    %eq3A_656 = arith.constant 0 : i32
    %eq3A_657 = vector.broadcast %eq3A_656 : i32 to vector<16xi32>
    %eq3A_658 = arith.cmpi eq, %select_n3A_655, %eq3A_657 : vector<16xi32>
    %jit3A_659 = arith.constant 0xFF800000 : f32
    %broadcast_in_dim3A_660 = vector.broadcast %jit3A_659 : f32 to vector<16xf32>
    %select_n3A_661 = arith.select %eq3A_658, %broadcast_in_dim3A_660, %get3A_623 : vector<16xi1>, vector<16xf32>
    %eq3A_662 = arith.constant 1 : i32
    %eq3A_663 = vector.broadcast %eq3A_662 : i32 to vector<16xi32>
    %eq3A_664 = arith.cmpi eq, %select_n3A_655, %eq3A_663 : vector<16xi32>
    %jit3A_665 = arith.constant 0xFF800000 : f32
    %broadcast_in_dim3A_666 = vector.broadcast %jit3A_665 : f32 to vector<16xf32>
    %select_n3A_667 = arith.select %eq3A_664, %broadcast_in_dim3A_666, %get3A_628 : vector<16xi1>, vector<16xf32>
    %eq3A_668 = arith.constant 2 : i32
    %eq3A_669 = vector.broadcast %eq3A_668 : i32 to vector<16xi32>
    %eq3A_670 = arith.cmpi eq, %select_n3A_655, %eq3A_669 : vector<16xi32>
    %jit3A_671 = arith.constant 0xFF800000 : f32
    %broadcast_in_dim3A_672 = vector.broadcast %jit3A_671 : f32 to vector<16xf32>
    %select_n3A_673 = arith.select %eq3A_670, %broadcast_in_dim3A_672, %get3A_633 : vector<16xi1>, vector<16xf32>
    %eq3A_674 = arith.constant 3 : i32
    %eq3A_675 = vector.broadcast %eq3A_674 : i32 to vector<16xi32>
    %eq3A_676 = arith.cmpi eq, %select_n3A_655, %eq3A_675 : vector<16xi32>
    %jit3A_677 = arith.constant 0xFF800000 : f32
    %broadcast_in_dim3A_678 = vector.broadcast %jit3A_677 : f32 to vector<16xf32>
    %select_n3A_679 = arith.select %eq3A_676, %broadcast_in_dim3A_678, %get3A_638 : vector<16xi1>, vector<16xf32>
    %max3A_680 = arith.maximumf %select_n3A_661, %select_n3A_667 : vector<16xf32>
    %max3A_681 = arith.maximumf %select_n3A_673, %select_n3A_679 : vector<16xf32>
    %max3A_682 = arith.maximumf %max3A_680, %max3A_681 : vector<16xf32>
    %eq3A_683 = arith.cmpf oeq, %select_n3A_661, %max3A_682 : vector<16xf32>
    %eq3A_684 = arith.cmpf oeq, %select_n3A_667, %max3A_682 : vector<16xf32>
    %eq3A_685 = arith.cmpf oeq, %select_n3A_673, %max3A_682 : vector<16xf32>
    %jit3A_686 = arith.constant 2 : i32
    %jit3A_687 = arith.constant 3 : i32
    %broadcast_in_dim3A_688 = vector.broadcast %jit3A_686 : i32 to vector<16xi32>
    %broadcast_in_dim3A_689 = vector.broadcast %jit3A_687 : i32 to vector<16xi32>
    %select_n3A_690 = arith.select %eq3A_685, %broadcast_in_dim3A_688, %broadcast_in_dim3A_689 : vector<16xi1>, vector<16xi32>
    %jit3A_691 = arith.constant 1 : i32
    %broadcast_in_dim3A_692 = vector.broadcast %jit3A_691 : i32 to vector<16xi32>
    %select_n3A_693 = arith.select %eq3A_684, %broadcast_in_dim3A_692, %select_n3A_690 : vector<16xi1>, vector<16xi32>
    %jit3A_694 = arith.constant 0 : i32
    %broadcast_in_dim3A_695 = vector.broadcast %jit3A_694 : i32 to vector<16xi32>
    %select_n3A_696 = arith.select %eq3A_683, %broadcast_in_dim3A_695, %select_n3A_693 : vector<16xi1>, vector<16xi32>
    %eq3A_697 = arith.constant 0 : i32
    %eq3A_698 = vector.broadcast %eq3A_697 : i32 to vector<16xi32>
    %eq3A_699 = arith.cmpi eq, %select_n3A_655, %eq3A_698 : vector<16xi32>
    %eq3A_700 = arith.constant 0 : i32
    %eq3A_701 = vector.broadcast %eq3A_700 : i32 to vector<16xi32>
    %eq3A_702 = arith.cmpi eq, %select_n3A_696, %eq3A_701 : vector<16xi32>
    %or3A_703 = arith.ori %eq3A_699, %eq3A_702 : vector<16xi1>
    %jit3A_704 = arith.constant 0.000000e+00 : f32
    %broadcast_in_dim3A_705 = vector.broadcast %jit3A_704 : f32 to vector<16xf32>
    %select_n3A_706 = arith.select %or3A_703, %get3A_583, %broadcast_in_dim3A_705 : vector<16xi1>, vector<16xf32>
    %eq3A_707 = arith.constant 0 : i32
    %eq3A_708 = vector.broadcast %eq3A_707 : i32 to vector<16xi32>
    %eq3A_709 = arith.cmpi eq, %select_n3A_655, %eq3A_708 : vector<16xi32>
    %eq3A_710 = arith.constant 0 : i32
    %eq3A_711 = vector.broadcast %eq3A_710 : i32 to vector<16xi32>
    %eq3A_712 = arith.cmpi eq, %select_n3A_696, %eq3A_711 : vector<16xi32>
    %or3A_713 = arith.ori %eq3A_709, %eq3A_712 : vector<16xi1>
    %jit3A_714 = arith.constant 0.000000e+00 : f32
    %broadcast_in_dim3A_715 = vector.broadcast %jit3A_714 : f32 to vector<16xf32>
    %select_n3A_716 = arith.select %or3A_713, %get3A_588, %broadcast_in_dim3A_715 : vector<16xi1>, vector<16xf32>
    %eq3A_717 = arith.constant 1 : i32
    %eq3A_718 = vector.broadcast %eq3A_717 : i32 to vector<16xi32>
    %eq3A_719 = arith.cmpi eq, %select_n3A_655, %eq3A_718 : vector<16xi32>
    %eq3A_720 = arith.constant 1 : i32
    %eq3A_721 = vector.broadcast %eq3A_720 : i32 to vector<16xi32>
    %eq3A_722 = arith.cmpi eq, %select_n3A_696, %eq3A_721 : vector<16xi32>
    %or3A_723 = arith.ori %eq3A_719, %eq3A_722 : vector<16xi1>
    %jit3A_724 = arith.constant 0.000000e+00 : f32
    %broadcast_in_dim3A_725 = vector.broadcast %jit3A_724 : f32 to vector<16xf32>
    %select_n3A_726 = arith.select %or3A_723, %get3A_593, %broadcast_in_dim3A_725 : vector<16xi1>, vector<16xf32>
    %eq3A_727 = arith.constant 1 : i32
    %eq3A_728 = vector.broadcast %eq3A_727 : i32 to vector<16xi32>
    %eq3A_729 = arith.cmpi eq, %select_n3A_655, %eq3A_728 : vector<16xi32>
    %eq3A_730 = arith.constant 1 : i32
    %eq3A_731 = vector.broadcast %eq3A_730 : i32 to vector<16xi32>
    %eq3A_732 = arith.cmpi eq, %select_n3A_696, %eq3A_731 : vector<16xi32>
    %or3A_733 = arith.ori %eq3A_729, %eq3A_732 : vector<16xi1>
    %jit3A_734 = arith.constant 0.000000e+00 : f32
    %broadcast_in_dim3A_735 = vector.broadcast %jit3A_734 : f32 to vector<16xf32>
    %select_n3A_736 = arith.select %or3A_733, %get3A_598, %broadcast_in_dim3A_735 : vector<16xi1>, vector<16xf32>
    %eq3A_737 = arith.constant 2 : i32
    %eq3A_738 = vector.broadcast %eq3A_737 : i32 to vector<16xi32>
    %eq3A_739 = arith.cmpi eq, %select_n3A_655, %eq3A_738 : vector<16xi32>
    %eq3A_740 = arith.constant 2 : i32
    %eq3A_741 = vector.broadcast %eq3A_740 : i32 to vector<16xi32>
    %eq3A_742 = arith.cmpi eq, %select_n3A_696, %eq3A_741 : vector<16xi32>
    %or3A_743 = arith.ori %eq3A_739, %eq3A_742 : vector<16xi1>
    %jit3A_744 = arith.constant 0.000000e+00 : f32
    %broadcast_in_dim3A_745 = vector.broadcast %jit3A_744 : f32 to vector<16xf32>
    %select_n3A_746 = arith.select %or3A_743, %get3A_603, %broadcast_in_dim3A_745 : vector<16xi1>, vector<16xf32>
    %eq3A_747 = arith.constant 2 : i32
    %eq3A_748 = vector.broadcast %eq3A_747 : i32 to vector<16xi32>
    %eq3A_749 = arith.cmpi eq, %select_n3A_655, %eq3A_748 : vector<16xi32>
    %eq3A_750 = arith.constant 2 : i32
    %eq3A_751 = vector.broadcast %eq3A_750 : i32 to vector<16xi32>
    %eq3A_752 = arith.cmpi eq, %select_n3A_696, %eq3A_751 : vector<16xi32>
    %or3A_753 = arith.ori %eq3A_749, %eq3A_752 : vector<16xi1>
    %jit3A_754 = arith.constant 0.000000e+00 : f32
    %broadcast_in_dim3A_755 = vector.broadcast %jit3A_754 : f32 to vector<16xf32>
    %select_n3A_756 = arith.select %or3A_753, %get3A_608, %broadcast_in_dim3A_755 : vector<16xi1>, vector<16xf32>
    %eq3A_757 = arith.constant 3 : i32
    %eq3A_758 = vector.broadcast %eq3A_757 : i32 to vector<16xi32>
    %eq3A_759 = arith.cmpi eq, %select_n3A_655, %eq3A_758 : vector<16xi32>
    %eq3A_760 = arith.constant 3 : i32
    %eq3A_761 = vector.broadcast %eq3A_760 : i32 to vector<16xi32>
    %eq3A_762 = arith.cmpi eq, %select_n3A_696, %eq3A_761 : vector<16xi32>
    %or3A_763 = arith.ori %eq3A_759, %eq3A_762 : vector<16xi1>
    %jit3A_764 = arith.constant 0.000000e+00 : f32
    %broadcast_in_dim3A_765 = vector.broadcast %jit3A_764 : f32 to vector<16xf32>
    %select_n3A_766 = arith.select %or3A_763, %get3A_613, %broadcast_in_dim3A_765 : vector<16xi1>, vector<16xf32>
    %eq3A_767 = arith.constant 3 : i32
    %eq3A_768 = vector.broadcast %eq3A_767 : i32 to vector<16xi32>
    %eq3A_769 = arith.cmpi eq, %select_n3A_655, %eq3A_768 : vector<16xi32>
    %eq3A_770 = arith.constant 3 : i32
    %eq3A_771 = vector.broadcast %eq3A_770 : i32 to vector<16xi32>
    %eq3A_772 = arith.cmpi eq, %select_n3A_696, %eq3A_771 : vector<16xi32>
    %or3A_773 = arith.ori %eq3A_769, %eq3A_772 : vector<16xi1>
    %jit3A_774 = arith.constant 0.000000e+00 : f32
    %broadcast_in_dim3A_775 = vector.broadcast %jit3A_774 : f32 to vector<16xf32>
    %select_n3A_776 = arith.select %or3A_773, %get3A_618, %broadcast_in_dim3A_775 : vector<16xi1>, vector<16xf32>
    %max3A_777 = arith.maximumf %select_n3A_706, %select_n3A_716 : vector<16xf32>
    %max3A_778 = arith.maximumf %max3A_777, %select_n3A_726 : vector<16xf32>
    %max3A_779 = arith.maximumf %max3A_778, %select_n3A_736 : vector<16xf32>
    %max3A_780 = arith.maximumf %max3A_779, %select_n3A_746 : vector<16xf32>
    %max3A_781 = arith.maximumf %max3A_780, %select_n3A_756 : vector<16xf32>
    %max3A_782 = arith.maximumf %max3A_781, %select_n3A_766 : vector<16xf32>
    %max3A_783 = arith.maximumf %max3A_782, %select_n3A_776 : vector<16xf32>
    %broadcast_in_dim3A_784 = arith.constant 7 : i32
    %broadcast_in_dim3A_785 = vector.broadcast %broadcast_in_dim3A_784 : i32 to vector<16xi32>
    %eq3A_786 = arith.cmpf oeq, %select_n3A_766, %max3A_783 : vector<16xf32>
    %jit3A_787 = arith.constant 6 : i32
    %broadcast_in_dim3A_788 = vector.broadcast %jit3A_787 : i32 to vector<16xi32>
    %select_n3A_789 = arith.select %eq3A_786, %broadcast_in_dim3A_788, %broadcast_in_dim3A_785 : vector<16xi1>, vector<16xi32>
    %eq3A_790 = arith.cmpf oeq, %select_n3A_756, %max3A_783 : vector<16xf32>
    %jit3A_791 = arith.constant 5 : i32
    %broadcast_in_dim3A_792 = vector.broadcast %jit3A_791 : i32 to vector<16xi32>
    %select_n3A_793 = arith.select %eq3A_790, %broadcast_in_dim3A_792, %select_n3A_789 : vector<16xi1>, vector<16xi32>
    %eq3A_794 = arith.cmpf oeq, %select_n3A_746, %max3A_783 : vector<16xf32>
    %jit3A_795 = arith.constant 4 : i32
    %broadcast_in_dim3A_796 = vector.broadcast %jit3A_795 : i32 to vector<16xi32>
    %select_n3A_797 = arith.select %eq3A_794, %broadcast_in_dim3A_796, %select_n3A_793 : vector<16xi1>, vector<16xi32>
    %eq3A_798 = arith.cmpf oeq, %select_n3A_736, %max3A_783 : vector<16xf32>
    %jit3A_799 = arith.constant 3 : i32
    %broadcast_in_dim3A_800 = vector.broadcast %jit3A_799 : i32 to vector<16xi32>
    %select_n3A_801 = arith.select %eq3A_798, %broadcast_in_dim3A_800, %select_n3A_797 : vector<16xi1>, vector<16xi32>
    %eq3A_802 = arith.cmpf oeq, %select_n3A_726, %max3A_783 : vector<16xf32>
    %jit3A_803 = arith.constant 2 : i32
    %broadcast_in_dim3A_804 = vector.broadcast %jit3A_803 : i32 to vector<16xi32>
    %select_n3A_805 = arith.select %eq3A_802, %broadcast_in_dim3A_804, %select_n3A_801 : vector<16xi1>, vector<16xi32>
    %eq3A_806 = arith.cmpf oeq, %select_n3A_716, %max3A_783 : vector<16xf32>
    %jit3A_807 = arith.constant 1 : i32
    %broadcast_in_dim3A_808 = vector.broadcast %jit3A_807 : i32 to vector<16xi32>
    %select_n3A_809 = arith.select %eq3A_806, %broadcast_in_dim3A_808, %select_n3A_805 : vector<16xi1>, vector<16xi32>
    %eq3A_810 = arith.cmpf oeq, %select_n3A_706, %max3A_783 : vector<16xf32>
    %jit3A_811 = arith.constant 0 : i32
    %broadcast_in_dim3A_812 = vector.broadcast %jit3A_811 : i32 to vector<16xi32>
    %select_n3A_813 = arith.select %eq3A_810, %broadcast_in_dim3A_812, %select_n3A_809 : vector<16xi1>, vector<16xi32>
    %eq3A_814 = arith.constant 0 : i32
    %eq3A_815 = vector.broadcast %eq3A_814 : i32 to vector<16xi32>
    %eq3A_816 = arith.cmpi eq, %select_n3A_813, %eq3A_815 : vector<16xi32>
    %jit3A_817 = arith.constant 0xFF800000 : f32
    %broadcast_in_dim3A_818 = vector.broadcast %jit3A_817 : f32 to vector<16xf32>
    %select_n3A_819 = arith.select %eq3A_816, %broadcast_in_dim3A_818, %select_n3A_706 : vector<16xi1>, vector<16xf32>
    %eq3A_820 = arith.constant 1 : i32
    %eq3A_821 = vector.broadcast %eq3A_820 : i32 to vector<16xi32>
    %eq3A_822 = arith.cmpi eq, %select_n3A_813, %eq3A_821 : vector<16xi32>
    %jit3A_823 = arith.constant 0xFF800000 : f32
    %broadcast_in_dim3A_824 = vector.broadcast %jit3A_823 : f32 to vector<16xf32>
    %select_n3A_825 = arith.select %eq3A_822, %broadcast_in_dim3A_824, %select_n3A_716 : vector<16xi1>, vector<16xf32>
    %eq3A_826 = arith.constant 2 : i32
    %eq3A_827 = vector.broadcast %eq3A_826 : i32 to vector<16xi32>
    %eq3A_828 = arith.cmpi eq, %select_n3A_813, %eq3A_827 : vector<16xi32>
    %jit3A_829 = arith.constant 0xFF800000 : f32
    %broadcast_in_dim3A_830 = vector.broadcast %jit3A_829 : f32 to vector<16xf32>
    %select_n3A_831 = arith.select %eq3A_828, %broadcast_in_dim3A_830, %select_n3A_726 : vector<16xi1>, vector<16xf32>
    %eq3A_832 = arith.constant 3 : i32
    %eq3A_833 = vector.broadcast %eq3A_832 : i32 to vector<16xi32>
    %eq3A_834 = arith.cmpi eq, %select_n3A_813, %eq3A_833 : vector<16xi32>
    %jit3A_835 = arith.constant 0xFF800000 : f32
    %broadcast_in_dim3A_836 = vector.broadcast %jit3A_835 : f32 to vector<16xf32>
    %select_n3A_837 = arith.select %eq3A_834, %broadcast_in_dim3A_836, %select_n3A_736 : vector<16xi1>, vector<16xf32>
    %eq3A_838 = arith.constant 4 : i32
    %eq3A_839 = vector.broadcast %eq3A_838 : i32 to vector<16xi32>
    %eq3A_840 = arith.cmpi eq, %select_n3A_813, %eq3A_839 : vector<16xi32>
    %jit3A_841 = arith.constant 0xFF800000 : f32
    %broadcast_in_dim3A_842 = vector.broadcast %jit3A_841 : f32 to vector<16xf32>
    %select_n3A_843 = arith.select %eq3A_840, %broadcast_in_dim3A_842, %select_n3A_746 : vector<16xi1>, vector<16xf32>
    %eq3A_844 = arith.constant 5 : i32
    %eq3A_845 = vector.broadcast %eq3A_844 : i32 to vector<16xi32>
    %eq3A_846 = arith.cmpi eq, %select_n3A_813, %eq3A_845 : vector<16xi32>
    %jit3A_847 = arith.constant 0xFF800000 : f32
    %broadcast_in_dim3A_848 = vector.broadcast %jit3A_847 : f32 to vector<16xf32>
    %select_n3A_849 = arith.select %eq3A_846, %broadcast_in_dim3A_848, %select_n3A_756 : vector<16xi1>, vector<16xf32>
    %eq3A_850 = arith.constant 6 : i32
    %eq3A_851 = vector.broadcast %eq3A_850 : i32 to vector<16xi32>
    %eq3A_852 = arith.cmpi eq, %select_n3A_813, %eq3A_851 : vector<16xi32>
    %jit3A_853 = arith.constant 0xFF800000 : f32
    %broadcast_in_dim3A_854 = vector.broadcast %jit3A_853 : f32 to vector<16xf32>
    %select_n3A_855 = arith.select %eq3A_852, %broadcast_in_dim3A_854, %select_n3A_766 : vector<16xi1>, vector<16xf32>
    %eq3A_856 = arith.constant 7 : i32
    %eq3A_857 = vector.broadcast %eq3A_856 : i32 to vector<16xi32>
    %eq3A_858 = arith.cmpi eq, %select_n3A_813, %eq3A_857 : vector<16xi32>
    %jit3A_859 = arith.constant 0xFF800000 : f32
    %broadcast_in_dim3A_860 = vector.broadcast %jit3A_859 : f32 to vector<16xf32>
    %select_n3A_861 = arith.select %eq3A_858, %broadcast_in_dim3A_860, %select_n3A_776 : vector<16xi1>, vector<16xf32>
    %max3A_862 = arith.maximumf %select_n3A_819, %select_n3A_825 : vector<16xf32>
    %max3A_863 = arith.maximumf %max3A_862, %select_n3A_831 : vector<16xf32>
    %max3A_864 = arith.maximumf %max3A_863, %select_n3A_837 : vector<16xf32>
    %max3A_865 = arith.maximumf %max3A_864, %select_n3A_843 : vector<16xf32>
    %max3A_866 = arith.maximumf %max3A_865, %select_n3A_849 : vector<16xf32>
    %max3A_867 = arith.maximumf %max3A_866, %select_n3A_855 : vector<16xf32>
    %max3A_868 = arith.maximumf %max3A_867, %select_n3A_861 : vector<16xf32>
    %broadcast_in_dim3A_869 = arith.constant 7 : i32
    %broadcast_in_dim3A_870 = vector.broadcast %broadcast_in_dim3A_869 : i32 to vector<16xi32>
    %eq3A_871 = arith.cmpf oeq, %select_n3A_855, %max3A_868 : vector<16xf32>
    %jit3A_872 = arith.constant 6 : i32
    %broadcast_in_dim3A_873 = vector.broadcast %jit3A_872 : i32 to vector<16xi32>
    %select_n3A_874 = arith.select %eq3A_871, %broadcast_in_dim3A_873, %broadcast_in_dim3A_870 : vector<16xi1>, vector<16xi32>
    %eq3A_875 = arith.cmpf oeq, %select_n3A_849, %max3A_868 : vector<16xf32>
    %jit3A_876 = arith.constant 5 : i32
    %broadcast_in_dim3A_877 = vector.broadcast %jit3A_876 : i32 to vector<16xi32>
    %select_n3A_878 = arith.select %eq3A_875, %broadcast_in_dim3A_877, %select_n3A_874 : vector<16xi1>, vector<16xi32>
    %eq3A_879 = arith.cmpf oeq, %select_n3A_843, %max3A_868 : vector<16xf32>
    %jit3A_880 = arith.constant 4 : i32
    %broadcast_in_dim3A_881 = vector.broadcast %jit3A_880 : i32 to vector<16xi32>
    %select_n3A_882 = arith.select %eq3A_879, %broadcast_in_dim3A_881, %select_n3A_878 : vector<16xi1>, vector<16xi32>
    %eq3A_883 = arith.cmpf oeq, %select_n3A_837, %max3A_868 : vector<16xf32>
    %jit3A_884 = arith.constant 3 : i32
    %broadcast_in_dim3A_885 = vector.broadcast %jit3A_884 : i32 to vector<16xi32>
    %select_n3A_886 = arith.select %eq3A_883, %broadcast_in_dim3A_885, %select_n3A_882 : vector<16xi1>, vector<16xi32>
    %eq3A_887 = arith.cmpf oeq, %select_n3A_831, %max3A_868 : vector<16xf32>
    %jit3A_888 = arith.constant 2 : i32
    %broadcast_in_dim3A_889 = vector.broadcast %jit3A_888 : i32 to vector<16xi32>
    %select_n3A_890 = arith.select %eq3A_887, %broadcast_in_dim3A_889, %select_n3A_886 : vector<16xi1>, vector<16xi32>
    %eq3A_891 = arith.cmpf oeq, %select_n3A_825, %max3A_868 : vector<16xf32>
    %jit3A_892 = arith.constant 1 : i32
    %broadcast_in_dim3A_893 = vector.broadcast %jit3A_892 : i32 to vector<16xi32>
    %select_n3A_894 = arith.select %eq3A_891, %broadcast_in_dim3A_893, %select_n3A_890 : vector<16xi1>, vector<16xi32>
    %eq3A_895 = arith.cmpf oeq, %select_n3A_819, %max3A_868 : vector<16xf32>
    %jit3A_896 = arith.constant 0 : i32
    %broadcast_in_dim3A_897 = vector.broadcast %jit3A_896 : i32 to vector<16xi32>
    %select_n3A_898 = arith.select %eq3A_895, %broadcast_in_dim3A_897, %select_n3A_894 : vector<16xi1>, vector<16xi32>
    %eq3A_899 = arith.constant 6 : i32
    %eq3A_900 = vector.broadcast %eq3A_899 : i32 to vector<16xi32>
    %eq3A_901 = arith.cmpi eq, %select_n3A_813, %eq3A_900 : vector<16xi32>
    %select_n3A_902 = arith.select %eq3A_901, %get3A_573, %get3A_578 : vector<16xi1>, vector<16xf32>
    %eq3A_903 = arith.constant 6 : i32
    %eq3A_904 = vector.broadcast %eq3A_903 : i32 to vector<16xi32>
    %eq3A_905 = arith.cmpi eq, %select_n3A_898, %eq3A_904 : vector<16xi32>
    %select_n3A_906 = arith.select %eq3A_905, %get3A_573, %get3A_578 : vector<16xi1>, vector<16xf32>
    %eq3A_907 = arith.constant 5 : i32
    %eq3A_908 = vector.broadcast %eq3A_907 : i32 to vector<16xi32>
    %eq3A_909 = arith.cmpi eq, %select_n3A_813, %eq3A_908 : vector<16xi32>
    %select_n3A_910 = arith.select %eq3A_909, %get3A_568, %select_n3A_902 : vector<16xi1>, vector<16xf32>
    %eq3A_911 = arith.constant 5 : i32
    %eq3A_912 = vector.broadcast %eq3A_911 : i32 to vector<16xi32>
    %eq3A_913 = arith.cmpi eq, %select_n3A_898, %eq3A_912 : vector<16xi32>
    %select_n3A_914 = arith.select %eq3A_913, %get3A_568, %select_n3A_906 : vector<16xi1>, vector<16xf32>
    %eq3A_915 = arith.constant 4 : i32
    %eq3A_916 = vector.broadcast %eq3A_915 : i32 to vector<16xi32>
    %eq3A_917 = arith.cmpi eq, %select_n3A_813, %eq3A_916 : vector<16xi32>
    %select_n3A_918 = arith.select %eq3A_917, %get3A_563, %select_n3A_910 : vector<16xi1>, vector<16xf32>
    %eq3A_919 = arith.constant 4 : i32
    %eq3A_920 = vector.broadcast %eq3A_919 : i32 to vector<16xi32>
    %eq3A_921 = arith.cmpi eq, %select_n3A_898, %eq3A_920 : vector<16xi32>
    %select_n3A_922 = arith.select %eq3A_921, %get3A_563, %select_n3A_914 : vector<16xi1>, vector<16xf32>
    %eq3A_923 = arith.constant 3 : i32
    %eq3A_924 = vector.broadcast %eq3A_923 : i32 to vector<16xi32>
    %eq3A_925 = arith.cmpi eq, %select_n3A_813, %eq3A_924 : vector<16xi32>
    %select_n3A_926 = arith.select %eq3A_925, %get3A_558, %select_n3A_918 : vector<16xi1>, vector<16xf32>
    %eq3A_927 = arith.constant 3 : i32
    %eq3A_928 = vector.broadcast %eq3A_927 : i32 to vector<16xi32>
    %eq3A_929 = arith.cmpi eq, %select_n3A_898, %eq3A_928 : vector<16xi32>
    %select_n3A_930 = arith.select %eq3A_929, %get3A_558, %select_n3A_922 : vector<16xi1>, vector<16xf32>
    %eq3A_931 = arith.constant 2 : i32
    %eq3A_932 = vector.broadcast %eq3A_931 : i32 to vector<16xi32>
    %eq3A_933 = arith.cmpi eq, %select_n3A_813, %eq3A_932 : vector<16xi32>
    %select_n3A_934 = arith.select %eq3A_933, %get3A_553, %select_n3A_926 : vector<16xi1>, vector<16xf32>
    %eq3A_935 = arith.constant 2 : i32
    %eq3A_936 = vector.broadcast %eq3A_935 : i32 to vector<16xi32>
    %eq3A_937 = arith.cmpi eq, %select_n3A_898, %eq3A_936 : vector<16xi32>
    %select_n3A_938 = arith.select %eq3A_937, %get3A_553, %select_n3A_930 : vector<16xi1>, vector<16xf32>
    %eq3A_939 = arith.constant 1 : i32
    %eq3A_940 = vector.broadcast %eq3A_939 : i32 to vector<16xi32>
    %eq3A_941 = arith.cmpi eq, %select_n3A_813, %eq3A_940 : vector<16xi32>
    %select_n3A_942 = arith.select %eq3A_941, %get3A_548, %select_n3A_934 : vector<16xi1>, vector<16xf32>
    %eq3A_943 = arith.constant 1 : i32
    %eq3A_944 = vector.broadcast %eq3A_943 : i32 to vector<16xi32>
    %eq3A_945 = arith.cmpi eq, %select_n3A_898, %eq3A_944 : vector<16xi32>
    %select_n3A_946 = arith.select %eq3A_945, %get3A_548, %select_n3A_938 : vector<16xi1>, vector<16xf32>
    %eq3A_947 = arith.constant 0 : i32
    %eq3A_948 = vector.broadcast %eq3A_947 : i32 to vector<16xi32>
    %eq3A_949 = arith.cmpi eq, %select_n3A_813, %eq3A_948 : vector<16xi32>
    %select_n3A_950 = arith.select %eq3A_949, %get3A_543, %select_n3A_942 : vector<16xi1>, vector<16xf32>
    %eq3A_951 = arith.constant 0 : i32
    %eq3A_952 = vector.broadcast %eq3A_951 : i32 to vector<16xi32>
    %eq3A_953 = arith.cmpi eq, %select_n3A_898, %eq3A_952 : vector<16xi32>
    %select_n3A_954 = arith.select %eq3A_953, %get3A_543, %select_n3A_946 : vector<16xi1>, vector<16xf32>
    %add3A_955 = arith.addf %select_n3A_950, %select_n3A_954 : vector<16xf32>
    %div3A_956 = arith.divf %select_n3A_950, %add3A_955 : vector<16xf32>
    %div3A_957 = arith.divf %select_n3A_954, %add3A_955 : vector<16xf32>
    %eq3A_958 = arith.constant 0 : i32
    %eq3A_959 = vector.broadcast %eq3A_958 : i32 to vector<16xi32>
    %eq3A_960 = arith.cmpi eq, %select_n3A_813, %eq3A_959 : vector<16xi32>
    %eq3A_961 = arith.constant 0 : i32
    %eq3A_962 = vector.broadcast %eq3A_961 : i32 to vector<16xi32>
    %eq3A_963 = arith.cmpi eq, %select_n3A_898, %eq3A_962 : vector<16xi32>
    %jit3A_964 = arith.constant 0.000000e+00 : f32
    %broadcast_in_dim3A_965 = vector.broadcast %jit3A_964 : f32 to vector<16xf32>
    %select_n3A_966 = arith.select %eq3A_963, %div3A_957, %broadcast_in_dim3A_965 : vector<16xi1>, vector<16xf32>
    %select_n3A_967 = arith.select %eq3A_960, %div3A_956, %select_n3A_966 : vector<16xi1>, vector<16xf32>
    %swap3A_968 = arith.constant 0 : i32
    %swap3A_969 = arith.index_cast %swap3A_968 : i32 to index
    %swap3A_970 = arith.constant 16 : index
    %swap3A_971 = tpu.vector_load %arg9[%swap3A_969, %swap3A_970] {strides = array<i32>} : memref<8x64xf32, #tpu.memory_space<vmem>>, vector<1x16xf32>,
    %swap3A_972 = vector.shape_cast %swap3A_971 : vector<1x16xf32> to vector<16xf32>
    %swap3A_973 = vector.shape_cast %select_n3A_967 : vector<16xf32> to vector<1x16xf32>
    tpu.vector_store %arg9[%swap3A_969, %swap3A_970], %swap3A_973 {strides = array<i32>} : memref<8x64xf32, #tpu.memory_space<vmem>>, vector<1x16xf32>,
    %eq3A_974 = arith.constant 1 : i32
    %eq3A_975 = vector.broadcast %eq3A_974 : i32 to vector<16xi32>
    %eq3A_976 = arith.cmpi eq, %select_n3A_813, %eq3A_975 : vector<16xi32>
    %eq3A_977 = arith.constant 1 : i32
    %eq3A_978 = vector.broadcast %eq3A_977 : i32 to vector<16xi32>
    %eq3A_979 = arith.cmpi eq, %select_n3A_898, %eq3A_978 : vector<16xi32>
    %jit3A_980 = arith.constant 0.000000e+00 : f32
    %broadcast_in_dim3A_981 = vector.broadcast %jit3A_980 : f32 to vector<16xf32>
    %select_n3A_982 = arith.select %eq3A_979, %div3A_957, %broadcast_in_dim3A_981 : vector<16xi1>, vector<16xf32>
    %select_n3A_983 = arith.select %eq3A_976, %div3A_956, %select_n3A_982 : vector<16xi1>, vector<16xf32>
    %swap3A_984 = arith.constant 1 : i32
    %swap3A_985 = arith.index_cast %swap3A_984 : i32 to index
    %swap3A_986 = arith.constant 16 : index
    %swap3A_987 = tpu.vector_load %arg9[%swap3A_985, %swap3A_986] {strides = array<i32>} : memref<8x64xf32, #tpu.memory_space<vmem>>, vector<1x16xf32>,
    %swap3A_988 = vector.shape_cast %swap3A_987 : vector<1x16xf32> to vector<16xf32>
    %swap3A_989 = vector.shape_cast %select_n3A_983 : vector<16xf32> to vector<1x16xf32>
    tpu.vector_store %arg9[%swap3A_985, %swap3A_986], %swap3A_989 {strides = array<i32>} : memref<8x64xf32, #tpu.memory_space<vmem>>, vector<1x16xf32>,
    %eq3A_990 = arith.constant 2 : i32
    %eq3A_991 = vector.broadcast %eq3A_990 : i32 to vector<16xi32>
    %eq3A_992 = arith.cmpi eq, %select_n3A_813, %eq3A_991 : vector<16xi32>
    %eq3A_993 = arith.constant 2 : i32
    %eq3A_994 = vector.broadcast %eq3A_993 : i32 to vector<16xi32>
    %eq3A_995 = arith.cmpi eq, %select_n3A_898, %eq3A_994 : vector<16xi32>
    %jit3A_996 = arith.constant 0.000000e+00 : f32
    %broadcast_in_dim3A_997 = vector.broadcast %jit3A_996 : f32 to vector<16xf32>
    %select_n3A_998 = arith.select %eq3A_995, %div3A_957, %broadcast_in_dim3A_997 : vector<16xi1>, vector<16xf32>
    %select_n3A_999 = arith.select %eq3A_992, %div3A_956, %select_n3A_998 : vector<16xi1>, vector<16xf32>
    %swap3A_1000 = arith.constant 2 : i32
    %swap3A_1001 = arith.index_cast %swap3A_1000 : i32 to index
    %swap3A_1002 = arith.constant 16 : index
    %swap3A_1003 = tpu.vector_load %arg9[%swap3A_1001, %swap3A_1002] {strides = array<i32>} : memref<8x64xf32, #tpu.memory_space<vmem>>, vector<1x16xf32>,
    %swap3A_1004 = vector.shape_cast %swap3A_1003 : vector<1x16xf32> to vector<16xf32>
    %swap3A_1005 = vector.shape_cast %select_n3A_999 : vector<16xf32> to vector<1x16xf32>
    tpu.vector_store %arg9[%swap3A_1001, %swap3A_1002], %swap3A_1005 {strides = array<i32>} : memref<8x64xf32, #tpu.memory_space<vmem>>, vector<1x16xf32>,
    %eq3A_1006 = arith.constant 3 : i32
    %eq3A_1007 = vector.broadcast %eq3A_1006 : i32 to vector<16xi32>
    %eq3A_1008 = arith.cmpi eq, %select_n3A_813, %eq3A_1007 : vector<16xi32>
    %eq3A_1009 = arith.constant 3 : i32
    %eq3A_1010 = vector.broadcast %eq3A_1009 : i32 to vector<16xi32>
    %eq3A_1011 = arith.cmpi eq, %select_n3A_898, %eq3A_1010 : vector<16xi32>
    %jit3A_1012 = arith.constant 0.000000e+00 : f32
    %broadcast_in_dim3A_1013 = vector.broadcast %jit3A_1012 : f32 to vector<16xf32>
    %select_n3A_1014 = arith.select %eq3A_1011, %div3A_957, %broadcast_in_dim3A_1013 : vector<16xi1>, vector<16xf32>
    %select_n3A_1015 = arith.select %eq3A_1008, %div3A_956, %select_n3A_1014 : vector<16xi1>, vector<16xf32>
    %swap3A_1016 = arith.constant 3 : i32
    %swap3A_1017 = arith.index_cast %swap3A_1016 : i32 to index
    %swap3A_1018 = arith.constant 16 : index
    %swap3A_1019 = tpu.vector_load %arg9[%swap3A_1017, %swap3A_1018] {strides = array<i32>} : memref<8x64xf32, #tpu.memory_space<vmem>>, vector<1x16xf32>,
    %swap3A_1020 = vector.shape_cast %swap3A_1019 : vector<1x16xf32> to vector<16xf32>
    %swap3A_1021 = vector.shape_cast %select_n3A_1015 : vector<16xf32> to vector<1x16xf32>
    tpu.vector_store %arg9[%swap3A_1017, %swap3A_1018], %swap3A_1021 {strides = array<i32>} : memref<8x64xf32, #tpu.memory_space<vmem>>, vector<1x16xf32>,
    %eq3A_1022 = arith.constant 4 : i32
    %eq3A_1023 = vector.broadcast %eq3A_1022 : i32 to vector<16xi32>
    %eq3A_1024 = arith.cmpi eq, %select_n3A_813, %eq3A_1023 : vector<16xi32>
    %eq3A_1025 = arith.constant 4 : i32
    %eq3A_1026 = vector.broadcast %eq3A_1025 : i32 to vector<16xi32>
    %eq3A_1027 = arith.cmpi eq, %select_n3A_898, %eq3A_1026 : vector<16xi32>
    %jit3A_1028 = arith.constant 0.000000e+00 : f32
    %broadcast_in_dim3A_1029 = vector.broadcast %jit3A_1028 : f32 to vector<16xf32>
    %select_n3A_1030 = arith.select %eq3A_1027, %div3A_957, %broadcast_in_dim3A_1029 : vector<16xi1>, vector<16xf32>
    %select_n3A_1031 = arith.select %eq3A_1024, %div3A_956, %select_n3A_1030 : vector<16xi1>, vector<16xf32>
    %swap3A_1032 = arith.constant 4 : i32
    %swap3A_1033 = arith.index_cast %swap3A_1032 : i32 to index
    %swap3A_1034 = arith.constant 16 : index
    %swap3A_1035 = tpu.vector_load %arg9[%swap3A_1033, %swap3A_1034] {strides = array<i32>} : memref<8x64xf32, #tpu.memory_space<vmem>>, vector<1x16xf32>,
    %swap3A_1036 = vector.shape_cast %swap3A_1035 : vector<1x16xf32> to vector<16xf32>
    %swap3A_1037 = vector.shape_cast %select_n3A_1031 : vector<16xf32> to vector<1x16xf32>
    tpu.vector_store %arg9[%swap3A_1033, %swap3A_1034], %swap3A_1037 {strides = array<i32>} : memref<8x64xf32, #tpu.memory_space<vmem>>, vector<1x16xf32>,
    %eq3A_1038 = arith.constant 5 : i32
    %eq3A_1039 = vector.broadcast %eq3A_1038 : i32 to vector<16xi32>
    %eq3A_1040 = arith.cmpi eq, %select_n3A_813, %eq3A_1039 : vector<16xi32>
    %eq3A_1041 = arith.constant 5 : i32
    %eq3A_1042 = vector.broadcast %eq3A_1041 : i32 to vector<16xi32>
    %eq3A_1043 = arith.cmpi eq, %select_n3A_898, %eq3A_1042 : vector<16xi32>
    %jit3A_1044 = arith.constant 0.000000e+00 : f32
    %broadcast_in_dim3A_1045 = vector.broadcast %jit3A_1044 : f32 to vector<16xf32>
    %select_n3A_1046 = arith.select %eq3A_1043, %div3A_957, %broadcast_in_dim3A_1045 : vector<16xi1>, vector<16xf32>
    %select_n3A_1047 = arith.select %eq3A_1040, %div3A_956, %select_n3A_1046 : vector<16xi1>, vector<16xf32>
    %swap3A_1048 = arith.constant 5 : i32
    %swap3A_1049 = arith.index_cast %swap3A_1048 : i32 to index
    %swap3A_1050 = arith.constant 16 : index
    %swap3A_1051 = tpu.vector_load %arg9[%swap3A_1049, %swap3A_1050] {strides = array<i32>} : memref<8x64xf32, #tpu.memory_space<vmem>>, vector<1x16xf32>,
    %swap3A_1052 = vector.shape_cast %swap3A_1051 : vector<1x16xf32> to vector<16xf32>
    %swap3A_1053 = vector.shape_cast %select_n3A_1047 : vector<16xf32> to vector<1x16xf32>
    tpu.vector_store %arg9[%swap3A_1049, %swap3A_1050], %swap3A_1053 {strides = array<i32>} : memref<8x64xf32, #tpu.memory_space<vmem>>, vector<1x16xf32>,
    %eq3A_1054 = arith.constant 6 : i32
    %eq3A_1055 = vector.broadcast %eq3A_1054 : i32 to vector<16xi32>
    %eq3A_1056 = arith.cmpi eq, %select_n3A_813, %eq3A_1055 : vector<16xi32>
    %eq3A_1057 = arith.constant 6 : i32
    %eq3A_1058 = vector.broadcast %eq3A_1057 : i32 to vector<16xi32>
    %eq3A_1059 = arith.cmpi eq, %select_n3A_898, %eq3A_1058 : vector<16xi32>
    %jit3A_1060 = arith.constant 0.000000e+00 : f32
    %broadcast_in_dim3A_1061 = vector.broadcast %jit3A_1060 : f32 to vector<16xf32>
    %select_n3A_1062 = arith.select %eq3A_1059, %div3A_957, %broadcast_in_dim3A_1061 : vector<16xi1>, vector<16xf32>
    %select_n3A_1063 = arith.select %eq3A_1056, %div3A_956, %select_n3A_1062 : vector<16xi1>, vector<16xf32>
    %swap3A_1064 = arith.constant 6 : i32
    %swap3A_1065 = arith.index_cast %swap3A_1064 : i32 to index
    %swap3A_1066 = arith.constant 16 : index
    %swap3A_1067 = tpu.vector_load %arg9[%swap3A_1065, %swap3A_1066] {strides = array<i32>} : memref<8x64xf32, #tpu.memory_space<vmem>>, vector<1x16xf32>,
    %swap3A_1068 = vector.shape_cast %swap3A_1067 : vector<1x16xf32> to vector<16xf32>
    %swap3A_1069 = vector.shape_cast %select_n3A_1063 : vector<16xf32> to vector<1x16xf32>
    tpu.vector_store %arg9[%swap3A_1065, %swap3A_1066], %swap3A_1069 {strides = array<i32>} : memref<8x64xf32, #tpu.memory_space<vmem>>, vector<1x16xf32>,
    %eq3A_1070 = arith.constant 7 : i32
    %eq3A_1071 = vector.broadcast %eq3A_1070 : i32 to vector<16xi32>
    %eq3A_1072 = arith.cmpi eq, %select_n3A_813, %eq3A_1071 : vector<16xi32>
    %eq3A_1073 = arith.constant 7 : i32
    %eq3A_1074 = vector.broadcast %eq3A_1073 : i32 to vector<16xi32>
    %eq3A_1075 = arith.cmpi eq, %select_n3A_898, %eq3A_1074 : vector<16xi32>
    %jit3A_1076 = arith.constant 0.000000e+00 : f32
    %broadcast_in_dim3A_1077 = vector.broadcast %jit3A_1076 : f32 to vector<16xf32>
    %select_n3A_1078 = arith.select %eq3A_1075, %div3A_957, %broadcast_in_dim3A_1077 : vector<16xi1>, vector<16xf32>
    %select_n3A_1079 = arith.select %eq3A_1072, %div3A_956, %select_n3A_1078 : vector<16xi1>, vector<16xf32>
    %swap3A_1080 = arith.constant 7 : i32
    %swap3A_1081 = arith.index_cast %swap3A_1080 : i32 to index
    %swap3A_1082 = arith.constant 16 : index
    %swap3A_1083 = tpu.vector_load %arg9[%swap3A_1081, %swap3A_1082] {strides = array<i32>} : memref<8x64xf32, #tpu.memory_space<vmem>>, vector<1x16xf32>,
    %swap3A_1084 = vector.shape_cast %swap3A_1083 : vector<1x16xf32> to vector<16xf32>
    %swap3A_1085 = vector.shape_cast %select_n3A_1079 : vector<16xf32> to vector<1x16xf32>
    tpu.vector_store %arg9[%swap3A_1081, %swap3A_1082], %swap3A_1085 {strides = array<i32>} : memref<8x64xf32, #tpu.memory_space<vmem>>, vector<1x16xf32>,
    %get3A_1086 = arith.constant 0 : i32
    %get3A_1087 = arith.index_cast %get3A_1086 : i32 to index
    %get3A_1088 = arith.constant 32 : index
    %get3A_1089 = tpu.vector_load %arg6[%get3A_1087, %get3A_1088] {strides = array<i32>} : memref<8x64xf32, #tpu.memory_space<vmem>>, vector<1x16xf32>,
    %get3A_1090 = vector.shape_cast %get3A_1089 : vector<1x16xf32> to vector<16xf32>
    %get3A_1091 = arith.constant 1 : i32
    %get3A_1092 = arith.index_cast %get3A_1091 : i32 to index
    %get3A_1093 = arith.constant 32 : index
    %get3A_1094 = tpu.vector_load %arg6[%get3A_1092, %get3A_1093] {strides = array<i32>} : memref<8x64xf32, #tpu.memory_space<vmem>>, vector<1x16xf32>,
    %get3A_1095 = vector.shape_cast %get3A_1094 : vector<1x16xf32> to vector<16xf32>
    %get3A_1096 = arith.constant 2 : i32
    %get3A_1097 = arith.index_cast %get3A_1096 : i32 to index
    %get3A_1098 = arith.constant 32 : index
    %get3A_1099 = tpu.vector_load %arg6[%get3A_1097, %get3A_1098] {strides = array<i32>} : memref<8x64xf32, #tpu.memory_space<vmem>>, vector<1x16xf32>,
    %get3A_1100 = vector.shape_cast %get3A_1099 : vector<1x16xf32> to vector<16xf32>
    %get3A_1101 = arith.constant 3 : i32
    %get3A_1102 = arith.index_cast %get3A_1101 : i32 to index
    %get3A_1103 = arith.constant 32 : index
    %get3A_1104 = tpu.vector_load %arg6[%get3A_1102, %get3A_1103] {strides = array<i32>} : memref<8x64xf32, #tpu.memory_space<vmem>>, vector<1x16xf32>,
    %get3A_1105 = vector.shape_cast %get3A_1104 : vector<1x16xf32> to vector<16xf32>
    %get3A_1106 = arith.constant 4 : i32
    %get3A_1107 = arith.index_cast %get3A_1106 : i32 to index
    %get3A_1108 = arith.constant 32 : index
    %get3A_1109 = tpu.vector_load %arg6[%get3A_1107, %get3A_1108] {strides = array<i32>} : memref<8x64xf32, #tpu.memory_space<vmem>>, vector<1x16xf32>,
    %get3A_1110 = vector.shape_cast %get3A_1109 : vector<1x16xf32> to vector<16xf32>
    %get3A_1111 = arith.constant 5 : i32
    %get3A_1112 = arith.index_cast %get3A_1111 : i32 to index
    %get3A_1113 = arith.constant 32 : index
    %get3A_1114 = tpu.vector_load %arg6[%get3A_1112, %get3A_1113] {strides = array<i32>} : memref<8x64xf32, #tpu.memory_space<vmem>>, vector<1x16xf32>,
    %get3A_1115 = vector.shape_cast %get3A_1114 : vector<1x16xf32> to vector<16xf32>
    %get3A_1116 = arith.constant 6 : i32
    %get3A_1117 = arith.index_cast %get3A_1116 : i32 to index
    %get3A_1118 = arith.constant 32 : index
    %get3A_1119 = tpu.vector_load %arg6[%get3A_1117, %get3A_1118] {strides = array<i32>} : memref<8x64xf32, #tpu.memory_space<vmem>>, vector<1x16xf32>,
    %get3A_1120 = vector.shape_cast %get3A_1119 : vector<1x16xf32> to vector<16xf32>
    %get3A_1121 = arith.constant 7 : i32
    %get3A_1122 = arith.index_cast %get3A_1121 : i32 to index
    %get3A_1123 = arith.constant 32 : index
    %get3A_1124 = tpu.vector_load %arg6[%get3A_1122, %get3A_1123] {strides = array<i32>} : memref<8x64xf32, #tpu.memory_space<vmem>>, vector<1x16xf32>,
    %get3A_1125 = vector.shape_cast %get3A_1124 : vector<1x16xf32> to vector<16xf32>
    %get3A_1126 = arith.constant 0 : i32
    %get3A_1127 = arith.index_cast %get3A_1126 : i32 to index
    %get3A_1128 = arith.constant 32 : index
    %get3A_1129 = tpu.vector_load %arg7[%get3A_1127, %get3A_1128] {strides = array<i32>} : memref<8x64xf32, #tpu.memory_space<vmem>>, vector<1x16xf32>,
    %get3A_1130 = vector.shape_cast %get3A_1129 : vector<1x16xf32> to vector<16xf32>
    %get3A_1131 = arith.constant 1 : i32
    %get3A_1132 = arith.index_cast %get3A_1131 : i32 to index
    %get3A_1133 = arith.constant 32 : index
    %get3A_1134 = tpu.vector_load %arg7[%get3A_1132, %get3A_1133] {strides = array<i32>} : memref<8x64xf32, #tpu.memory_space<vmem>>, vector<1x16xf32>,
    %get3A_1135 = vector.shape_cast %get3A_1134 : vector<1x16xf32> to vector<16xf32>
    %get3A_1136 = arith.constant 2 : i32
    %get3A_1137 = arith.index_cast %get3A_1136 : i32 to index
    %get3A_1138 = arith.constant 32 : index
    %get3A_1139 = tpu.vector_load %arg7[%get3A_1137, %get3A_1138] {strides = array<i32>} : memref<8x64xf32, #tpu.memory_space<vmem>>, vector<1x16xf32>,
    %get3A_1140 = vector.shape_cast %get3A_1139 : vector<1x16xf32> to vector<16xf32>
    %get3A_1141 = arith.constant 3 : i32
    %get3A_1142 = arith.index_cast %get3A_1141 : i32 to index
    %get3A_1143 = arith.constant 32 : index
    %get3A_1144 = tpu.vector_load %arg7[%get3A_1142, %get3A_1143] {strides = array<i32>} : memref<8x64xf32, #tpu.memory_space<vmem>>, vector<1x16xf32>,
    %get3A_1145 = vector.shape_cast %get3A_1144 : vector<1x16xf32> to vector<16xf32>
    %get3A_1146 = arith.constant 4 : i32
    %get3A_1147 = arith.index_cast %get3A_1146 : i32 to index
    %get3A_1148 = arith.constant 32 : index
    %get3A_1149 = tpu.vector_load %arg7[%get3A_1147, %get3A_1148] {strides = array<i32>} : memref<8x64xf32, #tpu.memory_space<vmem>>, vector<1x16xf32>,
    %get3A_1150 = vector.shape_cast %get3A_1149 : vector<1x16xf32> to vector<16xf32>
    %get3A_1151 = arith.constant 5 : i32
    %get3A_1152 = arith.index_cast %get3A_1151 : i32 to index
    %get3A_1153 = arith.constant 32 : index
    %get3A_1154 = tpu.vector_load %arg7[%get3A_1152, %get3A_1153] {strides = array<i32>} : memref<8x64xf32, #tpu.memory_space<vmem>>, vector<1x16xf32>,
    %get3A_1155 = vector.shape_cast %get3A_1154 : vector<1x16xf32> to vector<16xf32>
    %get3A_1156 = arith.constant 6 : i32
    %get3A_1157 = arith.index_cast %get3A_1156 : i32 to index
    %get3A_1158 = arith.constant 32 : index
    %get3A_1159 = tpu.vector_load %arg7[%get3A_1157, %get3A_1158] {strides = array<i32>} : memref<8x64xf32, #tpu.memory_space<vmem>>, vector<1x16xf32>,
    %get3A_1160 = vector.shape_cast %get3A_1159 : vector<1x16xf32> to vector<16xf32>
    %get3A_1161 = arith.constant 7 : i32
    %get3A_1162 = arith.index_cast %get3A_1161 : i32 to index
    %get3A_1163 = arith.constant 32 : index
    %get3A_1164 = tpu.vector_load %arg7[%get3A_1162, %get3A_1163] {strides = array<i32>} : memref<8x64xf32, #tpu.memory_space<vmem>>, vector<1x16xf32>,
    %get3A_1165 = vector.shape_cast %get3A_1164 : vector<1x16xf32> to vector<16xf32>
    %get3A_1166 = arith.constant 0 : i32
    %get3A_1167 = arith.index_cast %get3A_1166 : i32 to index
    %get3A_1168 = arith.constant 32 : index
    %get3A_1169 = tpu.vector_load %arg8[%get3A_1167, %get3A_1168] {strides = array<i32>} : memref<4x64xf32, #tpu.memory_space<vmem>>, vector<1x16xf32>,
    %get3A_1170 = vector.shape_cast %get3A_1169 : vector<1x16xf32> to vector<16xf32>
    %get3A_1171 = arith.constant 1 : i32
    %get3A_1172 = arith.index_cast %get3A_1171 : i32 to index
    %get3A_1173 = arith.constant 32 : index
    %get3A_1174 = tpu.vector_load %arg8[%get3A_1172, %get3A_1173] {strides = array<i32>} : memref<4x64xf32, #tpu.memory_space<vmem>>, vector<1x16xf32>,
    %get3A_1175 = vector.shape_cast %get3A_1174 : vector<1x16xf32> to vector<16xf32>
    %get3A_1176 = arith.constant 2 : i32
    %get3A_1177 = arith.index_cast %get3A_1176 : i32 to index
    %get3A_1178 = arith.constant 32 : index
    %get3A_1179 = tpu.vector_load %arg8[%get3A_1177, %get3A_1178] {strides = array<i32>} : memref<4x64xf32, #tpu.memory_space<vmem>>, vector<1x16xf32>,
    %get3A_1180 = vector.shape_cast %get3A_1179 : vector<1x16xf32> to vector<16xf32>
    %get3A_1181 = arith.constant 3 : i32
    %get3A_1182 = arith.index_cast %get3A_1181 : i32 to index
    %get3A_1183 = arith.constant 32 : index
    %get3A_1184 = tpu.vector_load %arg8[%get3A_1182, %get3A_1183] {strides = array<i32>} : memref<4x64xf32, #tpu.memory_space<vmem>>, vector<1x16xf32>,
    %get3A_1185 = vector.shape_cast %get3A_1184 : vector<1x16xf32> to vector<16xf32>
    %max3A_1186 = arith.maximumf %get3A_1170, %get3A_1175 : vector<16xf32>
    %max3A_1187 = arith.maximumf %get3A_1180, %get3A_1185 : vector<16xf32>
    %max3A_1188 = arith.maximumf %max3A_1186, %max3A_1187 : vector<16xf32>
    %eq3A_1189 = arith.cmpf oeq, %get3A_1170, %max3A_1188 : vector<16xf32>
    %eq3A_1190 = arith.cmpf oeq, %get3A_1175, %max3A_1188 : vector<16xf32>
    %eq3A_1191 = arith.cmpf oeq, %get3A_1180, %max3A_1188 : vector<16xf32>
    %jit3A_1192 = arith.constant 2 : i32
    %jit3A_1193 = arith.constant 3 : i32
    %broadcast_in_dim3A_1194 = vector.broadcast %jit3A_1192 : i32 to vector<16xi32>
    %broadcast_in_dim3A_1195 = vector.broadcast %jit3A_1193 : i32 to vector<16xi32>
    %select_n3A_1196 = arith.select %eq3A_1191, %broadcast_in_dim3A_1194, %broadcast_in_dim3A_1195 : vector<16xi1>, vector<16xi32>
    %jit3A_1197 = arith.constant 1 : i32
    %broadcast_in_dim3A_1198 = vector.broadcast %jit3A_1197 : i32 to vector<16xi32>
    %select_n3A_1199 = arith.select %eq3A_1190, %broadcast_in_dim3A_1198, %select_n3A_1196 : vector<16xi1>, vector<16xi32>
    %jit3A_1200 = arith.constant 0 : i32
    %broadcast_in_dim3A_1201 = vector.broadcast %jit3A_1200 : i32 to vector<16xi32>
    %select_n3A_1202 = arith.select %eq3A_1189, %broadcast_in_dim3A_1201, %select_n3A_1199 : vector<16xi1>, vector<16xi32>
    %eq3A_1203 = arith.constant 0 : i32
    %eq3A_1204 = vector.broadcast %eq3A_1203 : i32 to vector<16xi32>
    %eq3A_1205 = arith.cmpi eq, %select_n3A_1202, %eq3A_1204 : vector<16xi32>
    %jit3A_1206 = arith.constant 0xFF800000 : f32
    %broadcast_in_dim3A_1207 = vector.broadcast %jit3A_1206 : f32 to vector<16xf32>
    %select_n3A_1208 = arith.select %eq3A_1205, %broadcast_in_dim3A_1207, %get3A_1170 : vector<16xi1>, vector<16xf32>
    %eq3A_1209 = arith.constant 1 : i32
    %eq3A_1210 = vector.broadcast %eq3A_1209 : i32 to vector<16xi32>
    %eq3A_1211 = arith.cmpi eq, %select_n3A_1202, %eq3A_1210 : vector<16xi32>
    %jit3A_1212 = arith.constant 0xFF800000 : f32
    %broadcast_in_dim3A_1213 = vector.broadcast %jit3A_1212 : f32 to vector<16xf32>
    %select_n3A_1214 = arith.select %eq3A_1211, %broadcast_in_dim3A_1213, %get3A_1175 : vector<16xi1>, vector<16xf32>
    %eq3A_1215 = arith.constant 2 : i32
    %eq3A_1216 = vector.broadcast %eq3A_1215 : i32 to vector<16xi32>
    %eq3A_1217 = arith.cmpi eq, %select_n3A_1202, %eq3A_1216 : vector<16xi32>
    %jit3A_1218 = arith.constant 0xFF800000 : f32
    %broadcast_in_dim3A_1219 = vector.broadcast %jit3A_1218 : f32 to vector<16xf32>
    %select_n3A_1220 = arith.select %eq3A_1217, %broadcast_in_dim3A_1219, %get3A_1180 : vector<16xi1>, vector<16xf32>
    %eq3A_1221 = arith.constant 3 : i32
    %eq3A_1222 = vector.broadcast %eq3A_1221 : i32 to vector<16xi32>
    %eq3A_1223 = arith.cmpi eq, %select_n3A_1202, %eq3A_1222 : vector<16xi32>
    %jit3A_1224 = arith.constant 0xFF800000 : f32
    %broadcast_in_dim3A_1225 = vector.broadcast %jit3A_1224 : f32 to vector<16xf32>
    %select_n3A_1226 = arith.select %eq3A_1223, %broadcast_in_dim3A_1225, %get3A_1185 : vector<16xi1>, vector<16xf32>
    %max3A_1227 = arith.maximumf %select_n3A_1208, %select_n3A_1214 : vector<16xf32>
    %max3A_1228 = arith.maximumf %select_n3A_1220, %select_n3A_1226 : vector<16xf32>
    %max3A_1229 = arith.maximumf %max3A_1227, %max3A_1228 : vector<16xf32>
    %eq3A_1230 = arith.cmpf oeq, %select_n3A_1208, %max3A_1229 : vector<16xf32>
    %eq3A_1231 = arith.cmpf oeq, %select_n3A_1214, %max3A_1229 : vector<16xf32>
    %eq3A_1232 = arith.cmpf oeq, %select_n3A_1220, %max3A_1229 : vector<16xf32>
    %jit3A_1233 = arith.constant 2 : i32
    %jit3A_1234 = arith.constant 3 : i32
    %broadcast_in_dim3A_1235 = vector.broadcast %jit3A_1233 : i32 to vector<16xi32>
    %broadcast_in_dim3A_1236 = vector.broadcast %jit3A_1234 : i32 to vector<16xi32>
    %select_n3A_1237 = arith.select %eq3A_1232, %broadcast_in_dim3A_1235, %broadcast_in_dim3A_1236 : vector<16xi1>, vector<16xi32>
    %jit3A_1238 = arith.constant 1 : i32
    %broadcast_in_dim3A_1239 = vector.broadcast %jit3A_1238 : i32 to vector<16xi32>
    %select_n3A_1240 = arith.select %eq3A_1231, %broadcast_in_dim3A_1239, %select_n3A_1237 : vector<16xi1>, vector<16xi32>
    %jit3A_1241 = arith.constant 0 : i32
    %broadcast_in_dim3A_1242 = vector.broadcast %jit3A_1241 : i32 to vector<16xi32>
    %select_n3A_1243 = arith.select %eq3A_1230, %broadcast_in_dim3A_1242, %select_n3A_1240 : vector<16xi1>, vector<16xi32>
    %eq3A_1244 = arith.constant 0 : i32
    %eq3A_1245 = vector.broadcast %eq3A_1244 : i32 to vector<16xi32>
    %eq3A_1246 = arith.cmpi eq, %select_n3A_1202, %eq3A_1245 : vector<16xi32>
    %eq3A_1247 = arith.constant 0 : i32
    %eq3A_1248 = vector.broadcast %eq3A_1247 : i32 to vector<16xi32>
    %eq3A_1249 = arith.cmpi eq, %select_n3A_1243, %eq3A_1248 : vector<16xi32>
    %or3A_1250 = arith.ori %eq3A_1246, %eq3A_1249 : vector<16xi1>
    %jit3A_1251 = arith.constant 0.000000e+00 : f32
    %broadcast_in_dim3A_1252 = vector.broadcast %jit3A_1251 : f32 to vector<16xf32>
    %select_n3A_1253 = arith.select %or3A_1250, %get3A_1130, %broadcast_in_dim3A_1252 : vector<16xi1>, vector<16xf32>
    %eq3A_1254 = arith.constant 0 : i32
    %eq3A_1255 = vector.broadcast %eq3A_1254 : i32 to vector<16xi32>
    %eq3A_1256 = arith.cmpi eq, %select_n3A_1202, %eq3A_1255 : vector<16xi32>
    %eq3A_1257 = arith.constant 0 : i32
    %eq3A_1258 = vector.broadcast %eq3A_1257 : i32 to vector<16xi32>
    %eq3A_1259 = arith.cmpi eq, %select_n3A_1243, %eq3A_1258 : vector<16xi32>
    %or3A_1260 = arith.ori %eq3A_1256, %eq3A_1259 : vector<16xi1>
    %jit3A_1261 = arith.constant 0.000000e+00 : f32
    %broadcast_in_dim3A_1262 = vector.broadcast %jit3A_1261 : f32 to vector<16xf32>
    %select_n3A_1263 = arith.select %or3A_1260, %get3A_1135, %broadcast_in_dim3A_1262 : vector<16xi1>, vector<16xf32>
    %eq3A_1264 = arith.constant 1 : i32
    %eq3A_1265 = vector.broadcast %eq3A_1264 : i32 to vector<16xi32>
    %eq3A_1266 = arith.cmpi eq, %select_n3A_1202, %eq3A_1265 : vector<16xi32>
    %eq3A_1267 = arith.constant 1 : i32
    %eq3A_1268 = vector.broadcast %eq3A_1267 : i32 to vector<16xi32>
    %eq3A_1269 = arith.cmpi eq, %select_n3A_1243, %eq3A_1268 : vector<16xi32>
    %or3A_1270 = arith.ori %eq3A_1266, %eq3A_1269 : vector<16xi1>
    %jit3A_1271 = arith.constant 0.000000e+00 : f32
    %broadcast_in_dim3A_1272 = vector.broadcast %jit3A_1271 : f32 to vector<16xf32>
    %select_n3A_1273 = arith.select %or3A_1270, %get3A_1140, %broadcast_in_dim3A_1272 : vector<16xi1>, vector<16xf32>
    %eq3A_1274 = arith.constant 1 : i32
    %eq3A_1275 = vector.broadcast %eq3A_1274 : i32 to vector<16xi32>
    %eq3A_1276 = arith.cmpi eq, %select_n3A_1202, %eq3A_1275 : vector<16xi32>
    %eq3A_1277 = arith.constant 1 : i32
    %eq3A_1278 = vector.broadcast %eq3A_1277 : i32 to vector<16xi32>
    %eq3A_1279 = arith.cmpi eq, %select_n3A_1243, %eq3A_1278 : vector<16xi32>
    %or3A_1280 = arith.ori %eq3A_1276, %eq3A_1279 : vector<16xi1>
    %jit3A_1281 = arith.constant 0.000000e+00 : f32
    %broadcast_in_dim3A_1282 = vector.broadcast %jit3A_1281 : f32 to vector<16xf32>
    %select_n3A_1283 = arith.select %or3A_1280, %get3A_1145, %broadcast_in_dim3A_1282 : vector<16xi1>, vector<16xf32>
    %eq3A_1284 = arith.constant 2 : i32
    %eq3A_1285 = vector.broadcast %eq3A_1284 : i32 to vector<16xi32>
    %eq3A_1286 = arith.cmpi eq, %select_n3A_1202, %eq3A_1285 : vector<16xi32>
    %eq3A_1287 = arith.constant 2 : i32
    %eq3A_1288 = vector.broadcast %eq3A_1287 : i32 to vector<16xi32>
    %eq3A_1289 = arith.cmpi eq, %select_n3A_1243, %eq3A_1288 : vector<16xi32>
    %or3A_1290 = arith.ori %eq3A_1286, %eq3A_1289 : vector<16xi1>
    %jit3A_1291 = arith.constant 0.000000e+00 : f32
    %broadcast_in_dim3A_1292 = vector.broadcast %jit3A_1291 : f32 to vector<16xf32>
    %select_n3A_1293 = arith.select %or3A_1290, %get3A_1150, %broadcast_in_dim3A_1292 : vector<16xi1>, vector<16xf32>
    %eq3A_1294 = arith.constant 2 : i32
    %eq3A_1295 = vector.broadcast %eq3A_1294 : i32 to vector<16xi32>
    %eq3A_1296 = arith.cmpi eq, %select_n3A_1202, %eq3A_1295 : vector<16xi32>
    %eq3A_1297 = arith.constant 2 : i32
    %eq3A_1298 = vector.broadcast %eq3A_1297 : i32 to vector<16xi32>
    %eq3A_1299 = arith.cmpi eq, %select_n3A_1243, %eq3A_1298 : vector<16xi32>
    %or3A_1300 = arith.ori %eq3A_1296, %eq3A_1299 : vector<16xi1>
    %jit3A_1301 = arith.constant 0.000000e+00 : f32
    %broadcast_in_dim3A_1302 = vector.broadcast %jit3A_1301 : f32 to vector<16xf32>
    %select_n3A_1303 = arith.select %or3A_1300, %get3A_1155, %broadcast_in_dim3A_1302 : vector<16xi1>, vector<16xf32>
    %eq3A_1304 = arith.constant 3 : i32
    %eq3A_1305 = vector.broadcast %eq3A_1304 : i32 to vector<16xi32>
    %eq3A_1306 = arith.cmpi eq, %select_n3A_1202, %eq3A_1305 : vector<16xi32>
    %eq3A_1307 = arith.constant 3 : i32
    %eq3A_1308 = vector.broadcast %eq3A_1307 : i32 to vector<16xi32>
    %eq3A_1309 = arith.cmpi eq, %select_n3A_1243, %eq3A_1308 : vector<16xi32>
    %or3A_1310 = arith.ori %eq3A_1306, %eq3A_1309 : vector<16xi1>
    %jit3A_1311 = arith.constant 0.000000e+00 : f32
    %broadcast_in_dim3A_1312 = vector.broadcast %jit3A_1311 : f32 to vector<16xf32>
    %select_n3A_1313 = arith.select %or3A_1310, %get3A_1160, %broadcast_in_dim3A_1312 : vector<16xi1>, vector<16xf32>
    %eq3A_1314 = arith.constant 3 : i32
    %eq3A_1315 = vector.broadcast %eq3A_1314 : i32 to vector<16xi32>
    %eq3A_1316 = arith.cmpi eq, %select_n3A_1202, %eq3A_1315 : vector<16xi32>
    %eq3A_1317 = arith.constant 3 : i32
    %eq3A_1318 = vector.broadcast %eq3A_1317 : i32 to vector<16xi32>
    %eq3A_1319 = arith.cmpi eq, %select_n3A_1243, %eq3A_1318 : vector<16xi32>
    %or3A_1320 = arith.ori %eq3A_1316, %eq3A_1319 : vector<16xi1>
    %jit3A_1321 = arith.constant 0.000000e+00 : f32
    %broadcast_in_dim3A_1322 = vector.broadcast %jit3A_1321 : f32 to vector<16xf32>
    %select_n3A_1323 = arith.select %or3A_1320, %get3A_1165, %broadcast_in_dim3A_1322 : vector<16xi1>, vector<16xf32>
    %max3A_1324 = arith.maximumf %select_n3A_1253, %select_n3A_1263 : vector<16xf32>
    %max3A_1325 = arith.maximumf %max3A_1324, %select_n3A_1273 : vector<16xf32>
    %max3A_1326 = arith.maximumf %max3A_1325, %select_n3A_1283 : vector<16xf32>
    %max3A_1327 = arith.maximumf %max3A_1326, %select_n3A_1293 : vector<16xf32>
    %max3A_1328 = arith.maximumf %max3A_1327, %select_n3A_1303 : vector<16xf32>
    %max3A_1329 = arith.maximumf %max3A_1328, %select_n3A_1313 : vector<16xf32>
    %max3A_1330 = arith.maximumf %max3A_1329, %select_n3A_1323 : vector<16xf32>
    %broadcast_in_dim3A_1331 = arith.constant 7 : i32
    %broadcast_in_dim3A_1332 = vector.broadcast %broadcast_in_dim3A_1331 : i32 to vector<16xi32>
    %eq3A_1333 = arith.cmpf oeq, %select_n3A_1313, %max3A_1330 : vector<16xf32>
    %jit3A_1334 = arith.constant 6 : i32
    %broadcast_in_dim3A_1335 = vector.broadcast %jit3A_1334 : i32 to vector<16xi32>
    %select_n3A_1336 = arith.select %eq3A_1333, %broadcast_in_dim3A_1335, %broadcast_in_dim3A_1332 : vector<16xi1>, vector<16xi32>
    %eq3A_1337 = arith.cmpf oeq, %select_n3A_1303, %max3A_1330 : vector<16xf32>
    %jit3A_1338 = arith.constant 5 : i32
    %broadcast_in_dim3A_1339 = vector.broadcast %jit3A_1338 : i32 to vector<16xi32>
    %select_n3A_1340 = arith.select %eq3A_1337, %broadcast_in_dim3A_1339, %select_n3A_1336 : vector<16xi1>, vector<16xi32>
    %eq3A_1341 = arith.cmpf oeq, %select_n3A_1293, %max3A_1330 : vector<16xf32>
    %jit3A_1342 = arith.constant 4 : i32
    %broadcast_in_dim3A_1343 = vector.broadcast %jit3A_1342 : i32 to vector<16xi32>
    %select_n3A_1344 = arith.select %eq3A_1341, %broadcast_in_dim3A_1343, %select_n3A_1340 : vector<16xi1>, vector<16xi32>
    %eq3A_1345 = arith.cmpf oeq, %select_n3A_1283, %max3A_1330 : vector<16xf32>
    %jit3A_1346 = arith.constant 3 : i32
    %broadcast_in_dim3A_1347 = vector.broadcast %jit3A_1346 : i32 to vector<16xi32>
    %select_n3A_1348 = arith.select %eq3A_1345, %broadcast_in_dim3A_1347, %select_n3A_1344 : vector<16xi1>, vector<16xi32>
    %eq3A_1349 = arith.cmpf oeq, %select_n3A_1273, %max3A_1330 : vector<16xf32>
    %jit3A_1350 = arith.constant 2 : i32
    %broadcast_in_dim3A_1351 = vector.broadcast %jit3A_1350 : i32 to vector<16xi32>
    %select_n3A_1352 = arith.select %eq3A_1349, %broadcast_in_dim3A_1351, %select_n3A_1348 : vector<16xi1>, vector<16xi32>
    %eq3A_1353 = arith.cmpf oeq, %select_n3A_1263, %max3A_1330 : vector<16xf32>
    %jit3A_1354 = arith.constant 1 : i32
    %broadcast_in_dim3A_1355 = vector.broadcast %jit3A_1354 : i32 to vector<16xi32>
    %select_n3A_1356 = arith.select %eq3A_1353, %broadcast_in_dim3A_1355, %select_n3A_1352 : vector<16xi1>, vector<16xi32>
    %eq3A_1357 = arith.cmpf oeq, %select_n3A_1253, %max3A_1330 : vector<16xf32>
    %jit3A_1358 = arith.constant 0 : i32
    %broadcast_in_dim3A_1359 = vector.broadcast %jit3A_1358 : i32 to vector<16xi32>
    %select_n3A_1360 = arith.select %eq3A_1357, %broadcast_in_dim3A_1359, %select_n3A_1356 : vector<16xi1>, vector<16xi32>
    %eq3A_1361 = arith.constant 0 : i32
    %eq3A_1362 = vector.broadcast %eq3A_1361 : i32 to vector<16xi32>
    %eq3A_1363 = arith.cmpi eq, %select_n3A_1360, %eq3A_1362 : vector<16xi32>
    %jit3A_1364 = arith.constant 0xFF800000 : f32
    %broadcast_in_dim3A_1365 = vector.broadcast %jit3A_1364 : f32 to vector<16xf32>
    %select_n3A_1366 = arith.select %eq3A_1363, %broadcast_in_dim3A_1365, %select_n3A_1253 : vector<16xi1>, vector<16xf32>
    %eq3A_1367 = arith.constant 1 : i32
    %eq3A_1368 = vector.broadcast %eq3A_1367 : i32 to vector<16xi32>
    %eq3A_1369 = arith.cmpi eq, %select_n3A_1360, %eq3A_1368 : vector<16xi32>
    %jit3A_1370 = arith.constant 0xFF800000 : f32
    %broadcast_in_dim3A_1371 = vector.broadcast %jit3A_1370 : f32 to vector<16xf32>
    %select_n3A_1372 = arith.select %eq3A_1369, %broadcast_in_dim3A_1371, %select_n3A_1263 : vector<16xi1>, vector<16xf32>
    %eq3A_1373 = arith.constant 2 : i32
    %eq3A_1374 = vector.broadcast %eq3A_1373 : i32 to vector<16xi32>
    %eq3A_1375 = arith.cmpi eq, %select_n3A_1360, %eq3A_1374 : vector<16xi32>
    %jit3A_1376 = arith.constant 0xFF800000 : f32
    %broadcast_in_dim3A_1377 = vector.broadcast %jit3A_1376 : f32 to vector<16xf32>
    %select_n3A_1378 = arith.select %eq3A_1375, %broadcast_in_dim3A_1377, %select_n3A_1273 : vector<16xi1>, vector<16xf32>
    %eq3A_1379 = arith.constant 3 : i32
    %eq3A_1380 = vector.broadcast %eq3A_1379 : i32 to vector<16xi32>
    %eq3A_1381 = arith.cmpi eq, %select_n3A_1360, %eq3A_1380 : vector<16xi32>
    %jit3A_1382 = arith.constant 0xFF800000 : f32
    %broadcast_in_dim3A_1383 = vector.broadcast %jit3A_1382 : f32 to vector<16xf32>
    %select_n3A_1384 = arith.select %eq3A_1381, %broadcast_in_dim3A_1383, %select_n3A_1283 : vector<16xi1>, vector<16xf32>
    %eq3A_1385 = arith.constant 4 : i32
    %eq3A_1386 = vector.broadcast %eq3A_1385 : i32 to vector<16xi32>
    %eq3A_1387 = arith.cmpi eq, %select_n3A_1360, %eq3A_1386 : vector<16xi32>
    %jit3A_1388 = arith.constant 0xFF800000 : f32
    %broadcast_in_dim3A_1389 = vector.broadcast %jit3A_1388 : f32 to vector<16xf32>
    %select_n3A_1390 = arith.select %eq3A_1387, %broadcast_in_dim3A_1389, %select_n3A_1293 : vector<16xi1>, vector<16xf32>
    %eq3A_1391 = arith.constant 5 : i32
    %eq3A_1392 = vector.broadcast %eq3A_1391 : i32 to vector<16xi32>
    %eq3A_1393 = arith.cmpi eq, %select_n3A_1360, %eq3A_1392 : vector<16xi32>
    %jit3A_1394 = arith.constant 0xFF800000 : f32
    %broadcast_in_dim3A_1395 = vector.broadcast %jit3A_1394 : f32 to vector<16xf32>
    %select_n3A_1396 = arith.select %eq3A_1393, %broadcast_in_dim3A_1395, %select_n3A_1303 : vector<16xi1>, vector<16xf32>
    %eq3A_1397 = arith.constant 6 : i32
    %eq3A_1398 = vector.broadcast %eq3A_1397 : i32 to vector<16xi32>
    %eq3A_1399 = arith.cmpi eq, %select_n3A_1360, %eq3A_1398 : vector<16xi32>
    %jit3A_1400 = arith.constant 0xFF800000 : f32
    %broadcast_in_dim3A_1401 = vector.broadcast %jit3A_1400 : f32 to vector<16xf32>
    %select_n3A_1402 = arith.select %eq3A_1399, %broadcast_in_dim3A_1401, %select_n3A_1313 : vector<16xi1>, vector<16xf32>
    %eq3A_1403 = arith.constant 7 : i32
    %eq3A_1404 = vector.broadcast %eq3A_1403 : i32 to vector<16xi32>
    %eq3A_1405 = arith.cmpi eq, %select_n3A_1360, %eq3A_1404 : vector<16xi32>
    %jit3A_1406 = arith.constant 0xFF800000 : f32
    %broadcast_in_dim3A_1407 = vector.broadcast %jit3A_1406 : f32 to vector<16xf32>
    %select_n3A_1408 = arith.select %eq3A_1405, %broadcast_in_dim3A_1407, %select_n3A_1323 : vector<16xi1>, vector<16xf32>
    %max3A_1409 = arith.maximumf %select_n3A_1366, %select_n3A_1372 : vector<16xf32>
    %max3A_1410 = arith.maximumf %max3A_1409, %select_n3A_1378 : vector<16xf32>
    %max3A_1411 = arith.maximumf %max3A_1410, %select_n3A_1384 : vector<16xf32>
    %max3A_1412 = arith.maximumf %max3A_1411, %select_n3A_1390 : vector<16xf32>
    %max3A_1413 = arith.maximumf %max3A_1412, %select_n3A_1396 : vector<16xf32>
    %max3A_1414 = arith.maximumf %max3A_1413, %select_n3A_1402 : vector<16xf32>
    %max3A_1415 = arith.maximumf %max3A_1414, %select_n3A_1408 : vector<16xf32>
    %broadcast_in_dim3A_1416 = arith.constant 7 : i32
    %broadcast_in_dim3A_1417 = vector.broadcast %broadcast_in_dim3A_1416 : i32 to vector<16xi32>
    %eq3A_1418 = arith.cmpf oeq, %select_n3A_1402, %max3A_1415 : vector<16xf32>
    %jit3A_1419 = arith.constant 6 : i32
    %broadcast_in_dim3A_1420 = vector.broadcast %jit3A_1419 : i32 to vector<16xi32>
    %select_n3A_1421 = arith.select %eq3A_1418, %broadcast_in_dim3A_1420, %broadcast_in_dim3A_1417 : vector<16xi1>, vector<16xi32>
    %eq3A_1422 = arith.cmpf oeq, %select_n3A_1396, %max3A_1415 : vector<16xf32>
    %jit3A_1423 = arith.constant 5 : i32
    %broadcast_in_dim3A_1424 = vector.broadcast %jit3A_1423 : i32 to vector<16xi32>
    %select_n3A_1425 = arith.select %eq3A_1422, %broadcast_in_dim3A_1424, %select_n3A_1421 : vector<16xi1>, vector<16xi32>
    %eq3A_1426 = arith.cmpf oeq, %select_n3A_1390, %max3A_1415 : vector<16xf32>
    %jit3A_1427 = arith.constant 4 : i32
    %broadcast_in_dim3A_1428 = vector.broadcast %jit3A_1427 : i32 to vector<16xi32>
    %select_n3A_1429 = arith.select %eq3A_1426, %broadcast_in_dim3A_1428, %select_n3A_1425 : vector<16xi1>, vector<16xi32>
    %eq3A_1430 = arith.cmpf oeq, %select_n3A_1384, %max3A_1415 : vector<16xf32>
    %jit3A_1431 = arith.constant 3 : i32
    %broadcast_in_dim3A_1432 = vector.broadcast %jit3A_1431 : i32 to vector<16xi32>
    %select_n3A_1433 = arith.select %eq3A_1430, %broadcast_in_dim3A_1432, %select_n3A_1429 : vector<16xi1>, vector<16xi32>
    %eq3A_1434 = arith.cmpf oeq, %select_n3A_1378, %max3A_1415 : vector<16xf32>
    %jit3A_1435 = arith.constant 2 : i32
    %broadcast_in_dim3A_1436 = vector.broadcast %jit3A_1435 : i32 to vector<16xi32>
    %select_n3A_1437 = arith.select %eq3A_1434, %broadcast_in_dim3A_1436, %select_n3A_1433 : vector<16xi1>, vector<16xi32>
    %eq3A_1438 = arith.cmpf oeq, %select_n3A_1372, %max3A_1415 : vector<16xf32>
    %jit3A_1439 = arith.constant 1 : i32
    %broadcast_in_dim3A_1440 = vector.broadcast %jit3A_1439 : i32 to vector<16xi32>
    %select_n3A_1441 = arith.select %eq3A_1438, %broadcast_in_dim3A_1440, %select_n3A_1437 : vector<16xi1>, vector<16xi32>
    %eq3A_1442 = arith.cmpf oeq, %select_n3A_1366, %max3A_1415 : vector<16xf32>
    %jit3A_1443 = arith.constant 0 : i32
    %broadcast_in_dim3A_1444 = vector.broadcast %jit3A_1443 : i32 to vector<16xi32>
    %select_n3A_1445 = arith.select %eq3A_1442, %broadcast_in_dim3A_1444, %select_n3A_1441 : vector<16xi1>, vector<16xi32>
    %eq3A_1446 = arith.constant 6 : i32
    %eq3A_1447 = vector.broadcast %eq3A_1446 : i32 to vector<16xi32>
    %eq3A_1448 = arith.cmpi eq, %select_n3A_1360, %eq3A_1447 : vector<16xi32>
    %select_n3A_1449 = arith.select %eq3A_1448, %get3A_1120, %get3A_1125 : vector<16xi1>, vector<16xf32>
    %eq3A_1450 = arith.constant 6 : i32
    %eq3A_1451 = vector.broadcast %eq3A_1450 : i32 to vector<16xi32>
    %eq3A_1452 = arith.cmpi eq, %select_n3A_1445, %eq3A_1451 : vector<16xi32>
    %select_n3A_1453 = arith.select %eq3A_1452, %get3A_1120, %get3A_1125 : vector<16xi1>, vector<16xf32>
    %eq3A_1454 = arith.constant 5 : i32
    %eq3A_1455 = vector.broadcast %eq3A_1454 : i32 to vector<16xi32>
    %eq3A_1456 = arith.cmpi eq, %select_n3A_1360, %eq3A_1455 : vector<16xi32>
    %select_n3A_1457 = arith.select %eq3A_1456, %get3A_1115, %select_n3A_1449 : vector<16xi1>, vector<16xf32>
    %eq3A_1458 = arith.constant 5 : i32
    %eq3A_1459 = vector.broadcast %eq3A_1458 : i32 to vector<16xi32>
    %eq3A_1460 = arith.cmpi eq, %select_n3A_1445, %eq3A_1459 : vector<16xi32>
    %select_n3A_1461 = arith.select %eq3A_1460, %get3A_1115, %select_n3A_1453 : vector<16xi1>, vector<16xf32>
    %eq3A_1462 = arith.constant 4 : i32
    %eq3A_1463 = vector.broadcast %eq3A_1462 : i32 to vector<16xi32>
    %eq3A_1464 = arith.cmpi eq, %select_n3A_1360, %eq3A_1463 : vector<16xi32>
    %select_n3A_1465 = arith.select %eq3A_1464, %get3A_1110, %select_n3A_1457 : vector<16xi1>, vector<16xf32>
    %eq3A_1466 = arith.constant 4 : i32
    %eq3A_1467 = vector.broadcast %eq3A_1466 : i32 to vector<16xi32>
    %eq3A_1468 = arith.cmpi eq, %select_n3A_1445, %eq3A_1467 : vector<16xi32>
    %select_n3A_1469 = arith.select %eq3A_1468, %get3A_1110, %select_n3A_1461 : vector<16xi1>, vector<16xf32>
    %eq3A_1470 = arith.constant 3 : i32
    %eq3A_1471 = vector.broadcast %eq3A_1470 : i32 to vector<16xi32>
    %eq3A_1472 = arith.cmpi eq, %select_n3A_1360, %eq3A_1471 : vector<16xi32>
    %select_n3A_1473 = arith.select %eq3A_1472, %get3A_1105, %select_n3A_1465 : vector<16xi1>, vector<16xf32>
    %eq3A_1474 = arith.constant 3 : i32
    %eq3A_1475 = vector.broadcast %eq3A_1474 : i32 to vector<16xi32>
    %eq3A_1476 = arith.cmpi eq, %select_n3A_1445, %eq3A_1475 : vector<16xi32>
    %select_n3A_1477 = arith.select %eq3A_1476, %get3A_1105, %select_n3A_1469 : vector<16xi1>, vector<16xf32>
    %eq3A_1478 = arith.constant 2 : i32
    %eq3A_1479 = vector.broadcast %eq3A_1478 : i32 to vector<16xi32>
    %eq3A_1480 = arith.cmpi eq, %select_n3A_1360, %eq3A_1479 : vector<16xi32>
    %select_n3A_1481 = arith.select %eq3A_1480, %get3A_1100, %select_n3A_1473 : vector<16xi1>, vector<16xf32>
    %eq3A_1482 = arith.constant 2 : i32
    %eq3A_1483 = vector.broadcast %eq3A_1482 : i32 to vector<16xi32>
    %eq3A_1484 = arith.cmpi eq, %select_n3A_1445, %eq3A_1483 : vector<16xi32>
    %select_n3A_1485 = arith.select %eq3A_1484, %get3A_1100, %select_n3A_1477 : vector<16xi1>, vector<16xf32>
    %eq3A_1486 = arith.constant 1 : i32
    %eq3A_1487 = vector.broadcast %eq3A_1486 : i32 to vector<16xi32>
    %eq3A_1488 = arith.cmpi eq, %select_n3A_1360, %eq3A_1487 : vector<16xi32>
    %select_n3A_1489 = arith.select %eq3A_1488, %get3A_1095, %select_n3A_1481 : vector<16xi1>, vector<16xf32>
    %eq3A_1490 = arith.constant 1 : i32
    %eq3A_1491 = vector.broadcast %eq3A_1490 : i32 to vector<16xi32>
    %eq3A_1492 = arith.cmpi eq, %select_n3A_1445, %eq3A_1491 : vector<16xi32>
    %select_n3A_1493 = arith.select %eq3A_1492, %get3A_1095, %select_n3A_1485 : vector<16xi1>, vector<16xf32>
    %eq3A_1494 = arith.constant 0 : i32
    %eq3A_1495 = vector.broadcast %eq3A_1494 : i32 to vector<16xi32>
    %eq3A_1496 = arith.cmpi eq, %select_n3A_1360, %eq3A_1495 : vector<16xi32>
    %select_n3A_1497 = arith.select %eq3A_1496, %get3A_1090, %select_n3A_1489 : vector<16xi1>, vector<16xf32>
    %eq3A_1498 = arith.constant 0 : i32
    %eq3A_1499 = vector.broadcast %eq3A_1498 : i32 to vector<16xi32>
    %eq3A_1500 = arith.cmpi eq, %select_n3A_1445, %eq3A_1499 : vector<16xi32>
    %select_n3A_1501 = arith.select %eq3A_1500, %get3A_1090, %select_n3A_1493 : vector<16xi1>, vector<16xf32>
    %add3A_1502 = arith.addf %select_n3A_1497, %select_n3A_1501 : vector<16xf32>
    %div3A_1503 = arith.divf %select_n3A_1497, %add3A_1502 : vector<16xf32>
    %div3A_1504 = arith.divf %select_n3A_1501, %add3A_1502 : vector<16xf32>
    %eq3A_1505 = arith.constant 0 : i32
    %eq3A_1506 = vector.broadcast %eq3A_1505 : i32 to vector<16xi32>
    %eq3A_1507 = arith.cmpi eq, %select_n3A_1360, %eq3A_1506 : vector<16xi32>
    %eq3A_1508 = arith.constant 0 : i32
    %eq3A_1509 = vector.broadcast %eq3A_1508 : i32 to vector<16xi32>
    %eq3A_1510 = arith.cmpi eq, %select_n3A_1445, %eq3A_1509 : vector<16xi32>
    %jit3A_1511 = arith.constant 0.000000e+00 : f32
    %broadcast_in_dim3A_1512 = vector.broadcast %jit3A_1511 : f32 to vector<16xf32>
    %select_n3A_1513 = arith.select %eq3A_1510, %div3A_1504, %broadcast_in_dim3A_1512 : vector<16xi1>, vector<16xf32>
    %select_n3A_1514 = arith.select %eq3A_1507, %div3A_1503, %select_n3A_1513 : vector<16xi1>, vector<16xf32>
    %swap3A_1515 = arith.constant 0 : i32
    %swap3A_1516 = arith.index_cast %swap3A_1515 : i32 to index
    %swap3A_1517 = arith.constant 32 : index
    %swap3A_1518 = tpu.vector_load %arg9[%swap3A_1516, %swap3A_1517] {strides = array<i32>} : memref<8x64xf32, #tpu.memory_space<vmem>>, vector<1x16xf32>,
    %swap3A_1519 = vector.shape_cast %swap3A_1518 : vector<1x16xf32> to vector<16xf32>
    %swap3A_1520 = vector.shape_cast %select_n3A_1514 : vector<16xf32> to vector<1x16xf32>
    tpu.vector_store %arg9[%swap3A_1516, %swap3A_1517], %swap3A_1520 {strides = array<i32>} : memref<8x64xf32, #tpu.memory_space<vmem>>, vector<1x16xf32>,
    %eq3A_1521 = arith.constant 1 : i32
    %eq3A_1522 = vector.broadcast %eq3A_1521 : i32 to vector<16xi32>
    %eq3A_1523 = arith.cmpi eq, %select_n3A_1360, %eq3A_1522 : vector<16xi32>
    %eq3A_1524 = arith.constant 1 : i32
    %eq3A_1525 = vector.broadcast %eq3A_1524 : i32 to vector<16xi32>
    %eq3A_1526 = arith.cmpi eq, %select_n3A_1445, %eq3A_1525 : vector<16xi32>
    %jit3A_1527 = arith.constant 0.000000e+00 : f32
    %broadcast_in_dim3A_1528 = vector.broadcast %jit3A_1527 : f32 to vector<16xf32>
    %select_n3A_1529 = arith.select %eq3A_1526, %div3A_1504, %broadcast_in_dim3A_1528 : vector<16xi1>, vector<16xf32>
    %select_n3A_1530 = arith.select %eq3A_1523, %div3A_1503, %select_n3A_1529 : vector<16xi1>, vector<16xf32>
    %swap3A_1531 = arith.constant 1 : i32
    %swap3A_1532 = arith.index_cast %swap3A_1531 : i32 to index
    %swap3A_1533 = arith.constant 32 : index
    %swap3A_1534 = tpu.vector_load %arg9[%swap3A_1532, %swap3A_1533] {strides = array<i32>} : memref<8x64xf32, #tpu.memory_space<vmem>>, vector<1x16xf32>,
    %swap3A_1535 = vector.shape_cast %swap3A_1534 : vector<1x16xf32> to vector<16xf32>
    %swap3A_1536 = vector.shape_cast %select_n3A_1530 : vector<16xf32> to vector<1x16xf32>
    tpu.vector_store %arg9[%swap3A_1532, %swap3A_1533], %swap3A_1536 {strides = array<i32>} : memref<8x64xf32, #tpu.memory_space<vmem>>, vector<1x16xf32>,
    %eq3A_1537 = arith.constant 2 : i32
    %eq3A_1538 = vector.broadcast %eq3A_1537 : i32 to vector<16xi32>
    %eq3A_1539 = arith.cmpi eq, %select_n3A_1360, %eq3A_1538 : vector<16xi32>
    %eq3A_1540 = arith.constant 2 : i32
    %eq3A_1541 = vector.broadcast %eq3A_1540 : i32 to vector<16xi32>
    %eq3A_1542 = arith.cmpi eq, %select_n3A_1445, %eq3A_1541 : vector<16xi32>
    %jit3A_1543 = arith.constant 0.000000e+00 : f32
    %broadcast_in_dim3A_1544 = vector.broadcast %jit3A_1543 : f32 to vector<16xf32>
    %select_n3A_1545 = arith.select %eq3A_1542, %div3A_1504, %broadcast_in_dim3A_1544 : vector<16xi1>, vector<16xf32>
    %select_n3A_1546 = arith.select %eq3A_1539, %div3A_1503, %select_n3A_1545 : vector<16xi1>, vector<16xf32>
    %swap3A_1547 = arith.constant 2 : i32
    %swap3A_1548 = arith.index_cast %swap3A_1547 : i32 to index
    %swap3A_1549 = arith.constant 32 : index
    %swap3A_1550 = tpu.vector_load %arg9[%swap3A_1548, %swap3A_1549] {strides = array<i32>} : memref<8x64xf32, #tpu.memory_space<vmem>>, vector<1x16xf32>,
    %swap3A_1551 = vector.shape_cast %swap3A_1550 : vector<1x16xf32> to vector<16xf32>
    %swap3A_1552 = vector.shape_cast %select_n3A_1546 : vector<16xf32> to vector<1x16xf32>
    tpu.vector_store %arg9[%swap3A_1548, %swap3A_1549], %swap3A_1552 {strides = array<i32>} : memref<8x64xf32, #tpu.memory_space<vmem>>, vector<1x16xf32>,
    %eq3A_1553 = arith.constant 3 : i32
    %eq3A_1554 = vector.broadcast %eq3A_1553 : i32 to vector<16xi32>
    %eq3A_1555 = arith.cmpi eq, %select_n3A_1360, %eq3A_1554 : vector<16xi32>
    %eq3A_1556 = arith.constant 3 : i32
    %eq3A_1557 = vector.broadcast %eq3A_1556 : i32 to vector<16xi32>
    %eq3A_1558 = arith.cmpi eq, %select_n3A_1445, %eq3A_1557 : vector<16xi32>
    %jit3A_1559 = arith.constant 0.000000e+00 : f32
    %broadcast_in_dim3A_1560 = vector.broadcast %jit3A_1559 : f32 to vector<16xf32>
    %select_n3A_1561 = arith.select %eq3A_1558, %div3A_1504, %broadcast_in_dim3A_1560 : vector<16xi1>, vector<16xf32>
    %select_n3A_1562 = arith.select %eq3A_1555, %div3A_1503, %select_n3A_1561 : vector<16xi1>, vector<16xf32>
    %swap3A_1563 = arith.constant 3 : i32
    %swap3A_1564 = arith.index_cast %swap3A_1563 : i32 to index
    %swap3A_1565 = arith.constant 32 : index
    %swap3A_1566 = tpu.vector_load %arg9[%swap3A_1564, %swap3A_1565] {strides = array<i32>} : memref<8x64xf32, #tpu.memory_space<vmem>>, vector<1x16xf32>,
    %swap3A_1567 = vector.shape_cast %swap3A_1566 : vector<1x16xf32> to vector<16xf32>
    %swap3A_1568 = vector.shape_cast %select_n3A_1562 : vector<16xf32> to vector<1x16xf32>
    tpu.vector_store %arg9[%swap3A_1564, %swap3A_1565], %swap3A_1568 {strides = array<i32>} : memref<8x64xf32, #tpu.memory_space<vmem>>, vector<1x16xf32>,
    %eq3A_1569 = arith.constant 4 : i32
    %eq3A_1570 = vector.broadcast %eq3A_1569 : i32 to vector<16xi32>
    %eq3A_1571 = arith.cmpi eq, %select_n3A_1360, %eq3A_1570 : vector<16xi32>
    %eq3A_1572 = arith.constant 4 : i32
    %eq3A_1573 = vector.broadcast %eq3A_1572 : i32 to vector<16xi32>
    %eq3A_1574 = arith.cmpi eq, %select_n3A_1445, %eq3A_1573 : vector<16xi32>
    %jit3A_1575 = arith.constant 0.000000e+00 : f32
    %broadcast_in_dim3A_1576 = vector.broadcast %jit3A_1575 : f32 to vector<16xf32>
    %select_n3A_1577 = arith.select %eq3A_1574, %div3A_1504, %broadcast_in_dim3A_1576 : vector<16xi1>, vector<16xf32>
    %select_n3A_1578 = arith.select %eq3A_1571, %div3A_1503, %select_n3A_1577 : vector<16xi1>, vector<16xf32>
    %swap3A_1579 = arith.constant 4 : i32
    %swap3A_1580 = arith.index_cast %swap3A_1579 : i32 to index
    %swap3A_1581 = arith.constant 32 : index
    %swap3A_1582 = tpu.vector_load %arg9[%swap3A_1580, %swap3A_1581] {strides = array<i32>} : memref<8x64xf32, #tpu.memory_space<vmem>>, vector<1x16xf32>,
    %swap3A_1583 = vector.shape_cast %swap3A_1582 : vector<1x16xf32> to vector<16xf32>
    %swap3A_1584 = vector.shape_cast %select_n3A_1578 : vector<16xf32> to vector<1x16xf32>
    tpu.vector_store %arg9[%swap3A_1580, %swap3A_1581], %swap3A_1584 {strides = array<i32>} : memref<8x64xf32, #tpu.memory_space<vmem>>, vector<1x16xf32>,
    %eq3A_1585 = arith.constant 5 : i32
    %eq3A_1586 = vector.broadcast %eq3A_1585 : i32 to vector<16xi32>
    %eq3A_1587 = arith.cmpi eq, %select_n3A_1360, %eq3A_1586 : vector<16xi32>
    %eq3A_1588 = arith.constant 5 : i32
    %eq3A_1589 = vector.broadcast %eq3A_1588 : i32 to vector<16xi32>
    %eq3A_1590 = arith.cmpi eq, %select_n3A_1445, %eq3A_1589 : vector<16xi32>
    %jit3A_1591 = arith.constant 0.000000e+00 : f32
    %broadcast_in_dim3A_1592 = vector.broadcast %jit3A_1591 : f32 to vector<16xf32>
    %select_n3A_1593 = arith.select %eq3A_1590, %div3A_1504, %broadcast_in_dim3A_1592 : vector<16xi1>, vector<16xf32>
    %select_n3A_1594 = arith.select %eq3A_1587, %div3A_1503, %select_n3A_1593 : vector<16xi1>, vector<16xf32>
    %swap3A_1595 = arith.constant 5 : i32
    %swap3A_1596 = arith.index_cast %swap3A_1595 : i32 to index
    %swap3A_1597 = arith.constant 32 : index
    %swap3A_1598 = tpu.vector_load %arg9[%swap3A_1596, %swap3A_1597] {strides = array<i32>} : memref<8x64xf32, #tpu.memory_space<vmem>>, vector<1x16xf32>,
    %swap3A_1599 = vector.shape_cast %swap3A_1598 : vector<1x16xf32> to vector<16xf32>
    %swap3A_1600 = vector.shape_cast %select_n3A_1594 : vector<16xf32> to vector<1x16xf32>
    tpu.vector_store %arg9[%swap3A_1596, %swap3A_1597], %swap3A_1600 {strides = array<i32>} : memref<8x64xf32, #tpu.memory_space<vmem>>, vector<1x16xf32>,
    %eq3A_1601 = arith.constant 6 : i32
    %eq3A_1602 = vector.broadcast %eq3A_1601 : i32 to vector<16xi32>
    %eq3A_1603 = arith.cmpi eq, %select_n3A_1360, %eq3A_1602 : vector<16xi32>
    %eq3A_1604 = arith.constant 6 : i32
    %eq3A_1605 = vector.broadcast %eq3A_1604 : i32 to vector<16xi32>
    %eq3A_1606 = arith.cmpi eq, %select_n3A_1445, %eq3A_1605 : vector<16xi32>
    %jit3A_1607 = arith.constant 0.000000e+00 : f32
    %broadcast_in_dim3A_1608 = vector.broadcast %jit3A_1607 : f32 to vector<16xf32>
    %select_n3A_1609 = arith.select %eq3A_1606, %div3A_1504, %broadcast_in_dim3A_1608 : vector<16xi1>, vector<16xf32>
    %select_n3A_1610 = arith.select %eq3A_1603, %div3A_1503, %select_n3A_1609 : vector<16xi1>, vector<16xf32>
    %swap3A_1611 = arith.constant 6 : i32
    %swap3A_1612 = arith.index_cast %swap3A_1611 : i32 to index
    %swap3A_1613 = arith.constant 32 : index
    %swap3A_1614 = tpu.vector_load %arg9[%swap3A_1612, %swap3A_1613] {strides = array<i32>} : memref<8x64xf32, #tpu.memory_space<vmem>>, vector<1x16xf32>,
    %swap3A_1615 = vector.shape_cast %swap3A_1614 : vector<1x16xf32> to vector<16xf32>
    %swap3A_1616 = vector.shape_cast %select_n3A_1610 : vector<16xf32> to vector<1x16xf32>
    tpu.vector_store %arg9[%swap3A_1612, %swap3A_1613], %swap3A_1616 {strides = array<i32>} : memref<8x64xf32, #tpu.memory_space<vmem>>, vector<1x16xf32>,
    %eq3A_1617 = arith.constant 7 : i32
    %eq3A_1618 = vector.broadcast %eq3A_1617 : i32 to vector<16xi32>
    %eq3A_1619 = arith.cmpi eq, %select_n3A_1360, %eq3A_1618 : vector<16xi32>
    %eq3A_1620 = arith.constant 7 : i32
    %eq3A_1621 = vector.broadcast %eq3A_1620 : i32 to vector<16xi32>
    %eq3A_1622 = arith.cmpi eq, %select_n3A_1445, %eq3A_1621 : vector<16xi32>
    %jit3A_1623 = arith.constant 0.000000e+00 : f32
    %broadcast_in_dim3A_1624 = vector.broadcast %jit3A_1623 : f32 to vector<16xf32>
    %select_n3A_1625 = arith.select %eq3A_1622, %div3A_1504, %broadcast_in_dim3A_1624 : vector<16xi1>, vector<16xf32>
    %select_n3A_1626 = arith.select %eq3A_1619, %div3A_1503, %select_n3A_1625 : vector<16xi1>, vector<16xf32>
    %swap3A_1627 = arith.constant 7 : i32
    %swap3A_1628 = arith.index_cast %swap3A_1627 : i32 to index
    %swap3A_1629 = arith.constant 32 : index
    %swap3A_1630 = tpu.vector_load %arg9[%swap3A_1628, %swap3A_1629] {strides = array<i32>} : memref<8x64xf32, #tpu.memory_space<vmem>>, vector<1x16xf32>,
    %swap3A_1631 = vector.shape_cast %swap3A_1630 : vector<1x16xf32> to vector<16xf32>
    %swap3A_1632 = vector.shape_cast %select_n3A_1626 : vector<16xf32> to vector<1x16xf32>
    tpu.vector_store %arg9[%swap3A_1628, %swap3A_1629], %swap3A_1632 {strides = array<i32>} : memref<8x64xf32, #tpu.memory_space<vmem>>, vector<1x16xf32>,
    %get3A_1633 = arith.constant 0 : i32
    %get3A_1634 = arith.index_cast %get3A_1633 : i32 to index
    %get3A_1635 = arith.constant 48 : index
    %get3A_1636 = tpu.vector_load %arg6[%get3A_1634, %get3A_1635] {strides = array<i32>} : memref<8x64xf32, #tpu.memory_space<vmem>>, vector<1x16xf32>,
    %get3A_1637 = vector.shape_cast %get3A_1636 : vector<1x16xf32> to vector<16xf32>
    %get3A_1638 = arith.constant 1 : i32
    %get3A_1639 = arith.index_cast %get3A_1638 : i32 to index
    %get3A_1640 = arith.constant 48 : index
    %get3A_1641 = tpu.vector_load %arg6[%get3A_1639, %get3A_1640] {strides = array<i32>} : memref<8x64xf32, #tpu.memory_space<vmem>>, vector<1x16xf32>,
    %get3A_1642 = vector.shape_cast %get3A_1641 : vector<1x16xf32> to vector<16xf32>
    %get3A_1643 = arith.constant 2 : i32
    %get3A_1644 = arith.index_cast %get3A_1643 : i32 to index
    %get3A_1645 = arith.constant 48 : index
    %get3A_1646 = tpu.vector_load %arg6[%get3A_1644, %get3A_1645] {strides = array<i32>} : memref<8x64xf32, #tpu.memory_space<vmem>>, vector<1x16xf32>,
    %get3A_1647 = vector.shape_cast %get3A_1646 : vector<1x16xf32> to vector<16xf32>
    %get3A_1648 = arith.constant 3 : i32
    %get3A_1649 = arith.index_cast %get3A_1648 : i32 to index
    %get3A_1650 = arith.constant 48 : index
    %get3A_1651 = tpu.vector_load %arg6[%get3A_1649, %get3A_1650] {strides = array<i32>} : memref<8x64xf32, #tpu.memory_space<vmem>>, vector<1x16xf32>,
    %get3A_1652 = vector.shape_cast %get3A_1651 : vector<1x16xf32> to vector<16xf32>
    %get3A_1653 = arith.constant 4 : i32
    %get3A_1654 = arith.index_cast %get3A_1653 : i32 to index
    %get3A_1655 = arith.constant 48 : index
    %get3A_1656 = tpu.vector_load %arg6[%get3A_1654, %get3A_1655] {strides = array<i32>} : memref<8x64xf32, #tpu.memory_space<vmem>>, vector<1x16xf32>,
    %get3A_1657 = vector.shape_cast %get3A_1656 : vector<1x16xf32> to vector<16xf32>
    %get3A_1658 = arith.constant 5 : i32
    %get3A_1659 = arith.index_cast %get3A_1658 : i32 to index
    %get3A_1660 = arith.constant 48 : index
    %get3A_1661 = tpu.vector_load %arg6[%get3A_1659, %get3A_1660] {strides = array<i32>} : memref<8x64xf32, #tpu.memory_space<vmem>>, vector<1x16xf32>,
    %get3A_1662 = vector.shape_cast %get3A_1661 : vector<1x16xf32> to vector<16xf32>
    %get3A_1663 = arith.constant 6 : i32
    %get3A_1664 = arith.index_cast %get3A_1663 : i32 to index
    %get3A_1665 = arith.constant 48 : index
    %get3A_1666 = tpu.vector_load %arg6[%get3A_1664, %get3A_1665] {strides = array<i32>} : memref<8x64xf32, #tpu.memory_space<vmem>>, vector<1x16xf32>,
    %get3A_1667 = vector.shape_cast %get3A_1666 : vector<1x16xf32> to vector<16xf32>
    %get3A_1668 = arith.constant 7 : i32
    %get3A_1669 = arith.index_cast %get3A_1668 : i32 to index
    %get3A_1670 = arith.constant 48 : index
    %get3A_1671 = tpu.vector_load %arg6[%get3A_1669, %get3A_1670] {strides = array<i32>} : memref<8x64xf32, #tpu.memory_space<vmem>>, vector<1x16xf32>,
    %get3A_1672 = vector.shape_cast %get3A_1671 : vector<1x16xf32> to vector<16xf32>
    %get3A_1673 = arith.constant 0 : i32
    %get3A_1674 = arith.index_cast %get3A_1673 : i32 to index
    %get3A_1675 = arith.constant 48 : index
    %get3A_1676 = tpu.vector_load %arg7[%get3A_1674, %get3A_1675] {strides = array<i32>} : memref<8x64xf32, #tpu.memory_space<vmem>>, vector<1x16xf32>,
    %get3A_1677 = vector.shape_cast %get3A_1676 : vector<1x16xf32> to vector<16xf32>
    %get3A_1678 = arith.constant 1 : i32
    %get3A_1679 = arith.index_cast %get3A_1678 : i32 to index
    %get3A_1680 = arith.constant 48 : index
    %get3A_1681 = tpu.vector_load %arg7[%get3A_1679, %get3A_1680] {strides = array<i32>} : memref<8x64xf32, #tpu.memory_space<vmem>>, vector<1x16xf32>,
    %get3A_1682 = vector.shape_cast %get3A_1681 : vector<1x16xf32> to vector<16xf32>
    %get3A_1683 = arith.constant 2 : i32
    %get3A_1684 = arith.index_cast %get3A_1683 : i32 to index
    %get3A_1685 = arith.constant 48 : index
    %get3A_1686 = tpu.vector_load %arg7[%get3A_1684, %get3A_1685] {strides = array<i32>} : memref<8x64xf32, #tpu.memory_space<vmem>>, vector<1x16xf32>,
    %get3A_1687 = vector.shape_cast %get3A_1686 : vector<1x16xf32> to vector<16xf32>
    %get3A_1688 = arith.constant 3 : i32
    %get3A_1689 = arith.index_cast %get3A_1688 : i32 to index
    %get3A_1690 = arith.constant 48 : index
    %get3A_1691 = tpu.vector_load %arg7[%get3A_1689, %get3A_1690] {strides = array<i32>} : memref<8x64xf32, #tpu.memory_space<vmem>>, vector<1x16xf32>,
    %get3A_1692 = vector.shape_cast %get3A_1691 : vector<1x16xf32> to vector<16xf32>
    %get3A_1693 = arith.constant 4 : i32
    %get3A_1694 = arith.index_cast %get3A_1693 : i32 to index
    %get3A_1695 = arith.constant 48 : index
    %get3A_1696 = tpu.vector_load %arg7[%get3A_1694, %get3A_1695] {strides = array<i32>} : memref<8x64xf32, #tpu.memory_space<vmem>>, vector<1x16xf32>,
    %get3A_1697 = vector.shape_cast %get3A_1696 : vector<1x16xf32> to vector<16xf32>
    %get3A_1698 = arith.constant 5 : i32
    %get3A_1699 = arith.index_cast %get3A_1698 : i32 to index
    %get3A_1700 = arith.constant 48 : index
    %get3A_1701 = tpu.vector_load %arg7[%get3A_1699, %get3A_1700] {strides = array<i32>} : memref<8x64xf32, #tpu.memory_space<vmem>>, vector<1x16xf32>,
    %get3A_1702 = vector.shape_cast %get3A_1701 : vector<1x16xf32> to vector<16xf32>
    %get3A_1703 = arith.constant 6 : i32
    %get3A_1704 = arith.index_cast %get3A_1703 : i32 to index
    %get3A_1705 = arith.constant 48 : index
    %get3A_1706 = tpu.vector_load %arg7[%get3A_1704, %get3A_1705] {strides = array<i32>} : memref<8x64xf32, #tpu.memory_space<vmem>>, vector<1x16xf32>,
    %get3A_1707 = vector.shape_cast %get3A_1706 : vector<1x16xf32> to vector<16xf32>
    %get3A_1708 = arith.constant 7 : i32
    %get3A_1709 = arith.index_cast %get3A_1708 : i32 to index
    %get3A_1710 = arith.constant 48 : index
    %get3A_1711 = tpu.vector_load %arg7[%get3A_1709, %get3A_1710] {strides = array<i32>} : memref<8x64xf32, #tpu.memory_space<vmem>>, vector<1x16xf32>,
    %get3A_1712 = vector.shape_cast %get3A_1711 : vector<1x16xf32> to vector<16xf32>
    %get3A_1713 = arith.constant 0 : i32
    %get3A_1714 = arith.index_cast %get3A_1713 : i32 to index
    %get3A_1715 = arith.constant 48 : index
    %get3A_1716 = tpu.vector_load %arg8[%get3A_1714, %get3A_1715] {strides = array<i32>} : memref<4x64xf32, #tpu.memory_space<vmem>>, vector<1x16xf32>,
    %get3A_1717 = vector.shape_cast %get3A_1716 : vector<1x16xf32> to vector<16xf32>
    %get3A_1718 = arith.constant 1 : i32
    %get3A_1719 = arith.index_cast %get3A_1718 : i32 to index
    %get3A_1720 = arith.constant 48 : index
    %get3A_1721 = tpu.vector_load %arg8[%get3A_1719, %get3A_1720] {strides = array<i32>} : memref<4x64xf32, #tpu.memory_space<vmem>>, vector<1x16xf32>,
    %get3A_1722 = vector.shape_cast %get3A_1721 : vector<1x16xf32> to vector<16xf32>
    %get3A_1723 = arith.constant 2 : i32
    %get3A_1724 = arith.index_cast %get3A_1723 : i32 to index
    %get3A_1725 = arith.constant 48 : index
    %get3A_1726 = tpu.vector_load %arg8[%get3A_1724, %get3A_1725] {strides = array<i32>} : memref<4x64xf32, #tpu.memory_space<vmem>>, vector<1x16xf32>,
    %get3A_1727 = vector.shape_cast %get3A_1726 : vector<1x16xf32> to vector<16xf32>
    %get3A_1728 = arith.constant 3 : i32
    %get3A_1729 = arith.index_cast %get3A_1728 : i32 to index
    %get3A_1730 = arith.constant 48 : index
    %get3A_1731 = tpu.vector_load %arg8[%get3A_1729, %get3A_1730] {strides = array<i32>} : memref<4x64xf32, #tpu.memory_space<vmem>>, vector<1x16xf32>,
    %get3A_1732 = vector.shape_cast %get3A_1731 : vector<1x16xf32> to vector<16xf32>
    %max3A_1733 = arith.maximumf %get3A_1717, %get3A_1722 : vector<16xf32>
    %max3A_1734 = arith.maximumf %get3A_1727, %get3A_1732 : vector<16xf32>
    %max3A_1735 = arith.maximumf %max3A_1733, %max3A_1734 : vector<16xf32>
    %eq3A_1736 = arith.cmpf oeq, %get3A_1717, %max3A_1735 : vector<16xf32>
    %eq3A_1737 = arith.cmpf oeq, %get3A_1722, %max3A_1735 : vector<16xf32>
    %eq3A_1738 = arith.cmpf oeq, %get3A_1727, %max3A_1735 : vector<16xf32>
    %jit3A_1739 = arith.constant 2 : i32
    %jit3A_1740 = arith.constant 3 : i32
    %broadcast_in_dim3A_1741 = vector.broadcast %jit3A_1739 : i32 to vector<16xi32>
    %broadcast_in_dim3A_1742 = vector.broadcast %jit3A_1740 : i32 to vector<16xi32>
    %select_n3A_1743 = arith.select %eq3A_1738, %broadcast_in_dim3A_1741, %broadcast_in_dim3A_1742 : vector<16xi1>, vector<16xi32>
    %jit3A_1744 = arith.constant 1 : i32
    %broadcast_in_dim3A_1745 = vector.broadcast %jit3A_1744 : i32 to vector<16xi32>
    %select_n3A_1746 = arith.select %eq3A_1737, %broadcast_in_dim3A_1745, %select_n3A_1743 : vector<16xi1>, vector<16xi32>
    %jit3A_1747 = arith.constant 0 : i32
    %broadcast_in_dim3A_1748 = vector.broadcast %jit3A_1747 : i32 to vector<16xi32>
    %select_n3A_1749 = arith.select %eq3A_1736, %broadcast_in_dim3A_1748, %select_n3A_1746 : vector<16xi1>, vector<16xi32>
    %eq3A_1750 = arith.constant 0 : i32
    %eq3A_1751 = vector.broadcast %eq3A_1750 : i32 to vector<16xi32>
    %eq3A_1752 = arith.cmpi eq, %select_n3A_1749, %eq3A_1751 : vector<16xi32>
    %jit3A_1753 = arith.constant 0xFF800000 : f32
    %broadcast_in_dim3A_1754 = vector.broadcast %jit3A_1753 : f32 to vector<16xf32>
    %select_n3A_1755 = arith.select %eq3A_1752, %broadcast_in_dim3A_1754, %get3A_1717 : vector<16xi1>, vector<16xf32>
    %eq3A_1756 = arith.constant 1 : i32
    %eq3A_1757 = vector.broadcast %eq3A_1756 : i32 to vector<16xi32>
    %eq3A_1758 = arith.cmpi eq, %select_n3A_1749, %eq3A_1757 : vector<16xi32>
    %jit3A_1759 = arith.constant 0xFF800000 : f32
    %broadcast_in_dim3A_1760 = vector.broadcast %jit3A_1759 : f32 to vector<16xf32>
    %select_n3A_1761 = arith.select %eq3A_1758, %broadcast_in_dim3A_1760, %get3A_1722 : vector<16xi1>, vector<16xf32>
    %eq3A_1762 = arith.constant 2 : i32
    %eq3A_1763 = vector.broadcast %eq3A_1762 : i32 to vector<16xi32>
    %eq3A_1764 = arith.cmpi eq, %select_n3A_1749, %eq3A_1763 : vector<16xi32>
    %jit3A_1765 = arith.constant 0xFF800000 : f32
    %broadcast_in_dim3A_1766 = vector.broadcast %jit3A_1765 : f32 to vector<16xf32>
    %select_n3A_1767 = arith.select %eq3A_1764, %broadcast_in_dim3A_1766, %get3A_1727 : vector<16xi1>, vector<16xf32>
    %eq3A_1768 = arith.constant 3 : i32
    %eq3A_1769 = vector.broadcast %eq3A_1768 : i32 to vector<16xi32>
    %eq3A_1770 = arith.cmpi eq, %select_n3A_1749, %eq3A_1769 : vector<16xi32>
    %jit3A_1771 = arith.constant 0xFF800000 : f32
    %broadcast_in_dim3A_1772 = vector.broadcast %jit3A_1771 : f32 to vector<16xf32>
    %select_n3A_1773 = arith.select %eq3A_1770, %broadcast_in_dim3A_1772, %get3A_1732 : vector<16xi1>, vector<16xf32>
    %max3A_1774 = arith.maximumf %select_n3A_1755, %select_n3A_1761 : vector<16xf32>
    %max3A_1775 = arith.maximumf %select_n3A_1767, %select_n3A_1773 : vector<16xf32>
    %max3A_1776 = arith.maximumf %max3A_1774, %max3A_1775 : vector<16xf32>
    %eq3A_1777 = arith.cmpf oeq, %select_n3A_1755, %max3A_1776 : vector<16xf32>
    %eq3A_1778 = arith.cmpf oeq, %select_n3A_1761, %max3A_1776 : vector<16xf32>
    %eq3A_1779 = arith.cmpf oeq, %select_n3A_1767, %max3A_1776 : vector<16xf32>
    %jit3A_1780 = arith.constant 2 : i32
    %jit3A_1781 = arith.constant 3 : i32
    %broadcast_in_dim3A_1782 = vector.broadcast %jit3A_1780 : i32 to vector<16xi32>
    %broadcast_in_dim3A_1783 = vector.broadcast %jit3A_1781 : i32 to vector<16xi32>
    %select_n3A_1784 = arith.select %eq3A_1779, %broadcast_in_dim3A_1782, %broadcast_in_dim3A_1783 : vector<16xi1>, vector<16xi32>
    %jit3A_1785 = arith.constant 1 : i32
    %broadcast_in_dim3A_1786 = vector.broadcast %jit3A_1785 : i32 to vector<16xi32>
    %select_n3A_1787 = arith.select %eq3A_1778, %broadcast_in_dim3A_1786, %select_n3A_1784 : vector<16xi1>, vector<16xi32>
    %jit3A_1788 = arith.constant 0 : i32
    %broadcast_in_dim3A_1789 = vector.broadcast %jit3A_1788 : i32 to vector<16xi32>
    %select_n3A_1790 = arith.select %eq3A_1777, %broadcast_in_dim3A_1789, %select_n3A_1787 : vector<16xi1>, vector<16xi32>
    %eq3A_1791 = arith.constant 0 : i32
    %eq3A_1792 = vector.broadcast %eq3A_1791 : i32 to vector<16xi32>
    %eq3A_1793 = arith.cmpi eq, %select_n3A_1749, %eq3A_1792 : vector<16xi32>
    %eq3A_1794 = arith.constant 0 : i32
    %eq3A_1795 = vector.broadcast %eq3A_1794 : i32 to vector<16xi32>
    %eq3A_1796 = arith.cmpi eq, %select_n3A_1790, %eq3A_1795 : vector<16xi32>
    %or3A_1797 = arith.ori %eq3A_1793, %eq3A_1796 : vector<16xi1>
    %jit3A_1798 = arith.constant 0.000000e+00 : f32
    %broadcast_in_dim3A_1799 = vector.broadcast %jit3A_1798 : f32 to vector<16xf32>
    %select_n3A_1800 = arith.select %or3A_1797, %get3A_1677, %broadcast_in_dim3A_1799 : vector<16xi1>, vector<16xf32>
    %eq3A_1801 = arith.constant 0 : i32
    %eq3A_1802 = vector.broadcast %eq3A_1801 : i32 to vector<16xi32>
    %eq3A_1803 = arith.cmpi eq, %select_n3A_1749, %eq3A_1802 : vector<16xi32>
    %eq3A_1804 = arith.constant 0 : i32
    %eq3A_1805 = vector.broadcast %eq3A_1804 : i32 to vector<16xi32>
    %eq3A_1806 = arith.cmpi eq, %select_n3A_1790, %eq3A_1805 : vector<16xi32>
    %or3A_1807 = arith.ori %eq3A_1803, %eq3A_1806 : vector<16xi1>
    %jit3A_1808 = arith.constant 0.000000e+00 : f32
    %broadcast_in_dim3A_1809 = vector.broadcast %jit3A_1808 : f32 to vector<16xf32>
    %select_n3A_1810 = arith.select %or3A_1807, %get3A_1682, %broadcast_in_dim3A_1809 : vector<16xi1>, vector<16xf32>
    %eq3A_1811 = arith.constant 1 : i32
    %eq3A_1812 = vector.broadcast %eq3A_1811 : i32 to vector<16xi32>
    %eq3A_1813 = arith.cmpi eq, %select_n3A_1749, %eq3A_1812 : vector<16xi32>
    %eq3A_1814 = arith.constant 1 : i32
    %eq3A_1815 = vector.broadcast %eq3A_1814 : i32 to vector<16xi32>
    %eq3A_1816 = arith.cmpi eq, %select_n3A_1790, %eq3A_1815 : vector<16xi32>
    %or3A_1817 = arith.ori %eq3A_1813, %eq3A_1816 : vector<16xi1>
    %jit3A_1818 = arith.constant 0.000000e+00 : f32
    %broadcast_in_dim3A_1819 = vector.broadcast %jit3A_1818 : f32 to vector<16xf32>
    %select_n3A_1820 = arith.select %or3A_1817, %get3A_1687, %broadcast_in_dim3A_1819 : vector<16xi1>, vector<16xf32>
    %eq3A_1821 = arith.constant 1 : i32
    %eq3A_1822 = vector.broadcast %eq3A_1821 : i32 to vector<16xi32>
    %eq3A_1823 = arith.cmpi eq, %select_n3A_1749, %eq3A_1822 : vector<16xi32>
    %eq3A_1824 = arith.constant 1 : i32
    %eq3A_1825 = vector.broadcast %eq3A_1824 : i32 to vector<16xi32>
    %eq3A_1826 = arith.cmpi eq, %select_n3A_1790, %eq3A_1825 : vector<16xi32>
    %or3A_1827 = arith.ori %eq3A_1823, %eq3A_1826 : vector<16xi1>
    %jit3A_1828 = arith.constant 0.000000e+00 : f32
    %broadcast_in_dim3A_1829 = vector.broadcast %jit3A_1828 : f32 to vector<16xf32>
    %select_n3A_1830 = arith.select %or3A_1827, %get3A_1692, %broadcast_in_dim3A_1829 : vector<16xi1>, vector<16xf32>
    %eq3A_1831 = arith.constant 2 : i32
    %eq3A_1832 = vector.broadcast %eq3A_1831 : i32 to vector<16xi32>
    %eq3A_1833 = arith.cmpi eq, %select_n3A_1749, %eq3A_1832 : vector<16xi32>
    %eq3A_1834 = arith.constant 2 : i32
    %eq3A_1835 = vector.broadcast %eq3A_1834 : i32 to vector<16xi32>
    %eq3A_1836 = arith.cmpi eq, %select_n3A_1790, %eq3A_1835 : vector<16xi32>
    %or3A_1837 = arith.ori %eq3A_1833, %eq3A_1836 : vector<16xi1>
    %jit3A_1838 = arith.constant 0.000000e+00 : f32
    %broadcast_in_dim3A_1839 = vector.broadcast %jit3A_1838 : f32 to vector<16xf32>
    %select_n3A_1840 = arith.select %or3A_1837, %get3A_1697, %broadcast_in_dim3A_1839 : vector<16xi1>, vector<16xf32>
    %eq3A_1841 = arith.constant 2 : i32
    %eq3A_1842 = vector.broadcast %eq3A_1841 : i32 to vector<16xi32>
    %eq3A_1843 = arith.cmpi eq, %select_n3A_1749, %eq3A_1842 : vector<16xi32>
    %eq3A_1844 = arith.constant 2 : i32
    %eq3A_1845 = vector.broadcast %eq3A_1844 : i32 to vector<16xi32>
    %eq3A_1846 = arith.cmpi eq, %select_n3A_1790, %eq3A_1845 : vector<16xi32>
    %or3A_1847 = arith.ori %eq3A_1843, %eq3A_1846 : vector<16xi1>
    %jit3A_1848 = arith.constant 0.000000e+00 : f32
    %broadcast_in_dim3A_1849 = vector.broadcast %jit3A_1848 : f32 to vector<16xf32>
    %select_n3A_1850 = arith.select %or3A_1847, %get3A_1702, %broadcast_in_dim3A_1849 : vector<16xi1>, vector<16xf32>
    %eq3A_1851 = arith.constant 3 : i32
    %eq3A_1852 = vector.broadcast %eq3A_1851 : i32 to vector<16xi32>
    %eq3A_1853 = arith.cmpi eq, %select_n3A_1749, %eq3A_1852 : vector<16xi32>
    %eq3A_1854 = arith.constant 3 : i32
    %eq3A_1855 = vector.broadcast %eq3A_1854 : i32 to vector<16xi32>
    %eq3A_1856 = arith.cmpi eq, %select_n3A_1790, %eq3A_1855 : vector<16xi32>
    %or3A_1857 = arith.ori %eq3A_1853, %eq3A_1856 : vector<16xi1>
    %jit3A_1858 = arith.constant 0.000000e+00 : f32
    %broadcast_in_dim3A_1859 = vector.broadcast %jit3A_1858 : f32 to vector<16xf32>
    %select_n3A_1860 = arith.select %or3A_1857, %get3A_1707, %broadcast_in_dim3A_1859 : vector<16xi1>, vector<16xf32>
    %eq3A_1861 = arith.constant 3 : i32
    %eq3A_1862 = vector.broadcast %eq3A_1861 : i32 to vector<16xi32>
    %eq3A_1863 = arith.cmpi eq, %select_n3A_1749, %eq3A_1862 : vector<16xi32>
    %eq3A_1864 = arith.constant 3 : i32
    %eq3A_1865 = vector.broadcast %eq3A_1864 : i32 to vector<16xi32>
    %eq3A_1866 = arith.cmpi eq, %select_n3A_1790, %eq3A_1865 : vector<16xi32>
    %or3A_1867 = arith.ori %eq3A_1863, %eq3A_1866 : vector<16xi1>
    %jit3A_1868 = arith.constant 0.000000e+00 : f32
    %broadcast_in_dim3A_1869 = vector.broadcast %jit3A_1868 : f32 to vector<16xf32>
    %select_n3A_1870 = arith.select %or3A_1867, %get3A_1712, %broadcast_in_dim3A_1869 : vector<16xi1>, vector<16xf32>
    %max3A_1871 = arith.maximumf %select_n3A_1800, %select_n3A_1810 : vector<16xf32>
    %max3A_1872 = arith.maximumf %max3A_1871, %select_n3A_1820 : vector<16xf32>
    %max3A_1873 = arith.maximumf %max3A_1872, %select_n3A_1830 : vector<16xf32>
    %max3A_1874 = arith.maximumf %max3A_1873, %select_n3A_1840 : vector<16xf32>
    %max3A_1875 = arith.maximumf %max3A_1874, %select_n3A_1850 : vector<16xf32>
    %max3A_1876 = arith.maximumf %max3A_1875, %select_n3A_1860 : vector<16xf32>
    %max3A_1877 = arith.maximumf %max3A_1876, %select_n3A_1870 : vector<16xf32>
    %broadcast_in_dim3A_1878 = arith.constant 7 : i32
    %broadcast_in_dim3A_1879 = vector.broadcast %broadcast_in_dim3A_1878 : i32 to vector<16xi32>
    %eq3A_1880 = arith.cmpf oeq, %select_n3A_1860, %max3A_1877 : vector<16xf32>
    %jit3A_1881 = arith.constant 6 : i32
    %broadcast_in_dim3A_1882 = vector.broadcast %jit3A_1881 : i32 to vector<16xi32>
    %select_n3A_1883 = arith.select %eq3A_1880, %broadcast_in_dim3A_1882, %broadcast_in_dim3A_1879 : vector<16xi1>, vector<16xi32>
    %eq3A_1884 = arith.cmpf oeq, %select_n3A_1850, %max3A_1877 : vector<16xf32>
    %jit3A_1885 = arith.constant 5 : i32
    %broadcast_in_dim3A_1886 = vector.broadcast %jit3A_1885 : i32 to vector<16xi32>
    %select_n3A_1887 = arith.select %eq3A_1884, %broadcast_in_dim3A_1886, %select_n3A_1883 : vector<16xi1>, vector<16xi32>
    %eq3A_1888 = arith.cmpf oeq, %select_n3A_1840, %max3A_1877 : vector<16xf32>
    %jit3A_1889 = arith.constant 4 : i32
    %broadcast_in_dim3A_1890 = vector.broadcast %jit3A_1889 : i32 to vector<16xi32>
    %select_n3A_1891 = arith.select %eq3A_1888, %broadcast_in_dim3A_1890, %select_n3A_1887 : vector<16xi1>, vector<16xi32>
    %eq3A_1892 = arith.cmpf oeq, %select_n3A_1830, %max3A_1877 : vector<16xf32>
    %jit3A_1893 = arith.constant 3 : i32
    %broadcast_in_dim3A_1894 = vector.broadcast %jit3A_1893 : i32 to vector<16xi32>
    %select_n3A_1895 = arith.select %eq3A_1892, %broadcast_in_dim3A_1894, %select_n3A_1891 : vector<16xi1>, vector<16xi32>
    %eq3A_1896 = arith.cmpf oeq, %select_n3A_1820, %max3A_1877 : vector<16xf32>
    %jit3A_1897 = arith.constant 2 : i32
    %broadcast_in_dim3A_1898 = vector.broadcast %jit3A_1897 : i32 to vector<16xi32>
    %select_n3A_1899 = arith.select %eq3A_1896, %broadcast_in_dim3A_1898, %select_n3A_1895 : vector<16xi1>, vector<16xi32>
    %eq3A_1900 = arith.cmpf oeq, %select_n3A_1810, %max3A_1877 : vector<16xf32>
    %jit3A_1901 = arith.constant 1 : i32
    %broadcast_in_dim3A_1902 = vector.broadcast %jit3A_1901 : i32 to vector<16xi32>
    %select_n3A_1903 = arith.select %eq3A_1900, %broadcast_in_dim3A_1902, %select_n3A_1899 : vector<16xi1>, vector<16xi32>
    %eq3A_1904 = arith.cmpf oeq, %select_n3A_1800, %max3A_1877 : vector<16xf32>
    %jit3A_1905 = arith.constant 0 : i32
    %broadcast_in_dim3A_1906 = vector.broadcast %jit3A_1905 : i32 to vector<16xi32>
    %select_n3A_1907 = arith.select %eq3A_1904, %broadcast_in_dim3A_1906, %select_n3A_1903 : vector<16xi1>, vector<16xi32>
    %eq3A_1908 = arith.constant 0 : i32
    %eq3A_1909 = vector.broadcast %eq3A_1908 : i32 to vector<16xi32>
    %eq3A_1910 = arith.cmpi eq, %select_n3A_1907, %eq3A_1909 : vector<16xi32>
    %jit3A_1911 = arith.constant 0xFF800000 : f32
    %broadcast_in_dim3A_1912 = vector.broadcast %jit3A_1911 : f32 to vector<16xf32>
    %select_n3A_1913 = arith.select %eq3A_1910, %broadcast_in_dim3A_1912, %select_n3A_1800 : vector<16xi1>, vector<16xf32>
    %eq3A_1914 = arith.constant 1 : i32
    %eq3A_1915 = vector.broadcast %eq3A_1914 : i32 to vector<16xi32>
    %eq3A_1916 = arith.cmpi eq, %select_n3A_1907, %eq3A_1915 : vector<16xi32>
    %jit3A_1917 = arith.constant 0xFF800000 : f32
    %broadcast_in_dim3A_1918 = vector.broadcast %jit3A_1917 : f32 to vector<16xf32>
    %select_n3A_1919 = arith.select %eq3A_1916, %broadcast_in_dim3A_1918, %select_n3A_1810 : vector<16xi1>, vector<16xf32>
    %eq3A_1920 = arith.constant 2 : i32
    %eq3A_1921 = vector.broadcast %eq3A_1920 : i32 to vector<16xi32>
    %eq3A_1922 = arith.cmpi eq, %select_n3A_1907, %eq3A_1921 : vector<16xi32>
    %jit3A_1923 = arith.constant 0xFF800000 : f32
    %broadcast_in_dim3A_1924 = vector.broadcast %jit3A_1923 : f32 to vector<16xf32>
    %select_n3A_1925 = arith.select %eq3A_1922, %broadcast_in_dim3A_1924, %select_n3A_1820 : vector<16xi1>, vector<16xf32>
    %eq3A_1926 = arith.constant 3 : i32
    %eq3A_1927 = vector.broadcast %eq3A_1926 : i32 to vector<16xi32>
    %eq3A_1928 = arith.cmpi eq, %select_n3A_1907, %eq3A_1927 : vector<16xi32>
    %jit3A_1929 = arith.constant 0xFF800000 : f32
    %broadcast_in_dim3A_1930 = vector.broadcast %jit3A_1929 : f32 to vector<16xf32>
    %select_n3A_1931 = arith.select %eq3A_1928, %broadcast_in_dim3A_1930, %select_n3A_1830 : vector<16xi1>, vector<16xf32>
    %eq3A_1932 = arith.constant 4 : i32
    %eq3A_1933 = vector.broadcast %eq3A_1932 : i32 to vector<16xi32>
    %eq3A_1934 = arith.cmpi eq, %select_n3A_1907, %eq3A_1933 : vector<16xi32>
    %jit3A_1935 = arith.constant 0xFF800000 : f32
    %broadcast_in_dim3A_1936 = vector.broadcast %jit3A_1935 : f32 to vector<16xf32>
    %select_n3A_1937 = arith.select %eq3A_1934, %broadcast_in_dim3A_1936, %select_n3A_1840 : vector<16xi1>, vector<16xf32>
    %eq3A_1938 = arith.constant 5 : i32
    %eq3A_1939 = vector.broadcast %eq3A_1938 : i32 to vector<16xi32>
    %eq3A_1940 = arith.cmpi eq, %select_n3A_1907, %eq3A_1939 : vector<16xi32>
    %jit3A_1941 = arith.constant 0xFF800000 : f32
    %broadcast_in_dim3A_1942 = vector.broadcast %jit3A_1941 : f32 to vector<16xf32>
    %select_n3A_1943 = arith.select %eq3A_1940, %broadcast_in_dim3A_1942, %select_n3A_1850 : vector<16xi1>, vector<16xf32>
    %eq3A_1944 = arith.constant 6 : i32
    %eq3A_1945 = vector.broadcast %eq3A_1944 : i32 to vector<16xi32>
    %eq3A_1946 = arith.cmpi eq, %select_n3A_1907, %eq3A_1945 : vector<16xi32>
    %jit3A_1947 = arith.constant 0xFF800000 : f32
    %broadcast_in_dim3A_1948 = vector.broadcast %jit3A_1947 : f32 to vector<16xf32>
    %select_n3A_1949 = arith.select %eq3A_1946, %broadcast_in_dim3A_1948, %select_n3A_1860 : vector<16xi1>, vector<16xf32>
    %eq3A_1950 = arith.constant 7 : i32
    %eq3A_1951 = vector.broadcast %eq3A_1950 : i32 to vector<16xi32>
    %eq3A_1952 = arith.cmpi eq, %select_n3A_1907, %eq3A_1951 : vector<16xi32>
    %jit3A_1953 = arith.constant 0xFF800000 : f32
    %broadcast_in_dim3A_1954 = vector.broadcast %jit3A_1953 : f32 to vector<16xf32>
    %select_n3A_1955 = arith.select %eq3A_1952, %broadcast_in_dim3A_1954, %select_n3A_1870 : vector<16xi1>, vector<16xf32>
    %max3A_1956 = arith.maximumf %select_n3A_1913, %select_n3A_1919 : vector<16xf32>
    %max3A_1957 = arith.maximumf %max3A_1956, %select_n3A_1925 : vector<16xf32>
    %max3A_1958 = arith.maximumf %max3A_1957, %select_n3A_1931 : vector<16xf32>
    %max3A_1959 = arith.maximumf %max3A_1958, %select_n3A_1937 : vector<16xf32>
    %max3A_1960 = arith.maximumf %max3A_1959, %select_n3A_1943 : vector<16xf32>
    %max3A_1961 = arith.maximumf %max3A_1960, %select_n3A_1949 : vector<16xf32>
    %max3A_1962 = arith.maximumf %max3A_1961, %select_n3A_1955 : vector<16xf32>
    %broadcast_in_dim3A_1963 = arith.constant 7 : i32
    %broadcast_in_dim3A_1964 = vector.broadcast %broadcast_in_dim3A_1963 : i32 to vector<16xi32>
    %eq3A_1965 = arith.cmpf oeq, %select_n3A_1949, %max3A_1962 : vector<16xf32>
    %jit3A_1966 = arith.constant 6 : i32
    %broadcast_in_dim3A_1967 = vector.broadcast %jit3A_1966 : i32 to vector<16xi32>
    %select_n3A_1968 = arith.select %eq3A_1965, %broadcast_in_dim3A_1967, %broadcast_in_dim3A_1964 : vector<16xi1>, vector<16xi32>
    %eq3A_1969 = arith.cmpf oeq, %select_n3A_1943, %max3A_1962 : vector<16xf32>
    %jit3A_1970 = arith.constant 5 : i32
    %broadcast_in_dim3A_1971 = vector.broadcast %jit3A_1970 : i32 to vector<16xi32>
    %select_n3A_1972 = arith.select %eq3A_1969, %broadcast_in_dim3A_1971, %select_n3A_1968 : vector<16xi1>, vector<16xi32>
    %eq3A_1973 = arith.cmpf oeq, %select_n3A_1937, %max3A_1962 : vector<16xf32>
    %jit3A_1974 = arith.constant 4 : i32
    %broadcast_in_dim3A_1975 = vector.broadcast %jit3A_1974 : i32 to vector<16xi32>
    %select_n3A_1976 = arith.select %eq3A_1973, %broadcast_in_dim3A_1975, %select_n3A_1972 : vector<16xi1>, vector<16xi32>
    %eq3A_1977 = arith.cmpf oeq, %select_n3A_1931, %max3A_1962 : vector<16xf32>
    %jit3A_1978 = arith.constant 3 : i32
    %broadcast_in_dim3A_1979 = vector.broadcast %jit3A_1978 : i32 to vector<16xi32>
    %select_n3A_1980 = arith.select %eq3A_1977, %broadcast_in_dim3A_1979, %select_n3A_1976 : vector<16xi1>, vector<16xi32>
    %eq3A_1981 = arith.cmpf oeq, %select_n3A_1925, %max3A_1962 : vector<16xf32>
    %jit3A_1982 = arith.constant 2 : i32
    %broadcast_in_dim3A_1983 = vector.broadcast %jit3A_1982 : i32 to vector<16xi32>
    %select_n3A_1984 = arith.select %eq3A_1981, %broadcast_in_dim3A_1983, %select_n3A_1980 : vector<16xi1>, vector<16xi32>
    %eq3A_1985 = arith.cmpf oeq, %select_n3A_1919, %max3A_1962 : vector<16xf32>
    %jit3A_1986 = arith.constant 1 : i32
    %broadcast_in_dim3A_1987 = vector.broadcast %jit3A_1986 : i32 to vector<16xi32>
    %select_n3A_1988 = arith.select %eq3A_1985, %broadcast_in_dim3A_1987, %select_n3A_1984 : vector<16xi1>, vector<16xi32>
    %eq3A_1989 = arith.cmpf oeq, %select_n3A_1913, %max3A_1962 : vector<16xf32>
    %jit3A_1990 = arith.constant 0 : i32
    %broadcast_in_dim3A_1991 = vector.broadcast %jit3A_1990 : i32 to vector<16xi32>
    %select_n3A_1992 = arith.select %eq3A_1989, %broadcast_in_dim3A_1991, %select_n3A_1988 : vector<16xi1>, vector<16xi32>
    %eq3A_1993 = arith.constant 6 : i32
    %eq3A_1994 = vector.broadcast %eq3A_1993 : i32 to vector<16xi32>
    %eq3A_1995 = arith.cmpi eq, %select_n3A_1907, %eq3A_1994 : vector<16xi32>
    %select_n3A_1996 = arith.select %eq3A_1995, %get3A_1667, %get3A_1672 : vector<16xi1>, vector<16xf32>
    %eq3A_1997 = arith.constant 6 : i32
    %eq3A_1998 = vector.broadcast %eq3A_1997 : i32 to vector<16xi32>
    %eq3A_1999 = arith.cmpi eq, %select_n3A_1992, %eq3A_1998 : vector<16xi32>
    %select_n3A_2000 = arith.select %eq3A_1999, %get3A_1667, %get3A_1672 : vector<16xi1>, vector<16xf32>
    %eq3A_2001 = arith.constant 5 : i32
    %eq3A_2002 = vector.broadcast %eq3A_2001 : i32 to vector<16xi32>
    %eq3A_2003 = arith.cmpi eq, %select_n3A_1907, %eq3A_2002 : vector<16xi32>
    %select_n3A_2004 = arith.select %eq3A_2003, %get3A_1662, %select_n3A_1996 : vector<16xi1>, vector<16xf32>
    %eq3A_2005 = arith.constant 5 : i32
    %eq3A_2006 = vector.broadcast %eq3A_2005 : i32 to vector<16xi32>
    %eq3A_2007 = arith.cmpi eq, %select_n3A_1992, %eq3A_2006 : vector<16xi32>
    %select_n3A_2008 = arith.select %eq3A_2007, %get3A_1662, %select_n3A_2000 : vector<16xi1>, vector<16xf32>
    %eq3A_2009 = arith.constant 4 : i32
    %eq3A_2010 = vector.broadcast %eq3A_2009 : i32 to vector<16xi32>
    %eq3A_2011 = arith.cmpi eq, %select_n3A_1907, %eq3A_2010 : vector<16xi32>
    %select_n3A_2012 = arith.select %eq3A_2011, %get3A_1657, %select_n3A_2004 : vector<16xi1>, vector<16xf32>
    %eq3A_2013 = arith.constant 4 : i32
    %eq3A_2014 = vector.broadcast %eq3A_2013 : i32 to vector<16xi32>
    %eq3A_2015 = arith.cmpi eq, %select_n3A_1992, %eq3A_2014 : vector<16xi32>
    %select_n3A_2016 = arith.select %eq3A_2015, %get3A_1657, %select_n3A_2008 : vector<16xi1>, vector<16xf32>
    %eq3A_2017 = arith.constant 3 : i32
    %eq3A_2018 = vector.broadcast %eq3A_2017 : i32 to vector<16xi32>
    %eq3A_2019 = arith.cmpi eq, %select_n3A_1907, %eq3A_2018 : vector<16xi32>
    %select_n3A_2020 = arith.select %eq3A_2019, %get3A_1652, %select_n3A_2012 : vector<16xi1>, vector<16xf32>
    %eq3A_2021 = arith.constant 3 : i32
    %eq3A_2022 = vector.broadcast %eq3A_2021 : i32 to vector<16xi32>
    %eq3A_2023 = arith.cmpi eq, %select_n3A_1992, %eq3A_2022 : vector<16xi32>
    %select_n3A_2024 = arith.select %eq3A_2023, %get3A_1652, %select_n3A_2016 : vector<16xi1>, vector<16xf32>
    %eq3A_2025 = arith.constant 2 : i32
    %eq3A_2026 = vector.broadcast %eq3A_2025 : i32 to vector<16xi32>
    %eq3A_2027 = arith.cmpi eq, %select_n3A_1907, %eq3A_2026 : vector<16xi32>
    %select_n3A_2028 = arith.select %eq3A_2027, %get3A_1647, %select_n3A_2020 : vector<16xi1>, vector<16xf32>
    %eq3A_2029 = arith.constant 2 : i32
    %eq3A_2030 = vector.broadcast %eq3A_2029 : i32 to vector<16xi32>
    %eq3A_2031 = arith.cmpi eq, %select_n3A_1992, %eq3A_2030 : vector<16xi32>
    %select_n3A_2032 = arith.select %eq3A_2031, %get3A_1647, %select_n3A_2024 : vector<16xi1>, vector<16xf32>
    %eq3A_2033 = arith.constant 1 : i32
    %eq3A_2034 = vector.broadcast %eq3A_2033 : i32 to vector<16xi32>
    %eq3A_2035 = arith.cmpi eq, %select_n3A_1907, %eq3A_2034 : vector<16xi32>
    %select_n3A_2036 = arith.select %eq3A_2035, %get3A_1642, %select_n3A_2028 : vector<16xi1>, vector<16xf32>
    %eq3A_2037 = arith.constant 1 : i32
    %eq3A_2038 = vector.broadcast %eq3A_2037 : i32 to vector<16xi32>
    %eq3A_2039 = arith.cmpi eq, %select_n3A_1992, %eq3A_2038 : vector<16xi32>
    %select_n3A_2040 = arith.select %eq3A_2039, %get3A_1642, %select_n3A_2032 : vector<16xi1>, vector<16xf32>
    %eq3A_2041 = arith.constant 0 : i32
    %eq3A_2042 = vector.broadcast %eq3A_2041 : i32 to vector<16xi32>
    %eq3A_2043 = arith.cmpi eq, %select_n3A_1907, %eq3A_2042 : vector<16xi32>
    %select_n3A_2044 = arith.select %eq3A_2043, %get3A_1637, %select_n3A_2036 : vector<16xi1>, vector<16xf32>
    %eq3A_2045 = arith.constant 0 : i32
    %eq3A_2046 = vector.broadcast %eq3A_2045 : i32 to vector<16xi32>
    %eq3A_2047 = arith.cmpi eq, %select_n3A_1992, %eq3A_2046 : vector<16xi32>
    %select_n3A_2048 = arith.select %eq3A_2047, %get3A_1637, %select_n3A_2040 : vector<16xi1>, vector<16xf32>
    %add3A_2049 = arith.addf %select_n3A_2044, %select_n3A_2048 : vector<16xf32>
    %div3A_2050 = arith.divf %select_n3A_2044, %add3A_2049 : vector<16xf32>
    %div3A_2051 = arith.divf %select_n3A_2048, %add3A_2049 : vector<16xf32>
    %eq3A_2052 = arith.constant 0 : i32
    %eq3A_2053 = vector.broadcast %eq3A_2052 : i32 to vector<16xi32>
    %eq3A_2054 = arith.cmpi eq, %select_n3A_1907, %eq3A_2053 : vector<16xi32>
    %eq3A_2055 = arith.constant 0 : i32
    %eq3A_2056 = vector.broadcast %eq3A_2055 : i32 to vector<16xi32>
    %eq3A_2057 = arith.cmpi eq, %select_n3A_1992, %eq3A_2056 : vector<16xi32>
    %jit3A_2058 = arith.constant 0.000000e+00 : f32
    %broadcast_in_dim3A_2059 = vector.broadcast %jit3A_2058 : f32 to vector<16xf32>
    %select_n3A_2060 = arith.select %eq3A_2057, %div3A_2051, %broadcast_in_dim3A_2059 : vector<16xi1>, vector<16xf32>
    %select_n3A_2061 = arith.select %eq3A_2054, %div3A_2050, %select_n3A_2060 : vector<16xi1>, vector<16xf32>
    %swap3A_2062 = arith.constant 0 : i32
    %swap3A_2063 = arith.index_cast %swap3A_2062 : i32 to index
    %swap3A_2064 = arith.constant 48 : index
    %swap3A_2065 = tpu.vector_load %arg9[%swap3A_2063, %swap3A_2064] {strides = array<i32>} : memref<8x64xf32, #tpu.memory_space<vmem>>, vector<1x16xf32>,
    %swap3A_2066 = vector.shape_cast %swap3A_2065 : vector<1x16xf32> to vector<16xf32>
    %swap3A_2067 = vector.shape_cast %select_n3A_2061 : vector<16xf32> to vector<1x16xf32>
    tpu.vector_store %arg9[%swap3A_2063, %swap3A_2064], %swap3A_2067 {strides = array<i32>} : memref<8x64xf32, #tpu.memory_space<vmem>>, vector<1x16xf32>,
    %eq3A_2068 = arith.constant 1 : i32
    %eq3A_2069 = vector.broadcast %eq3A_2068 : i32 to vector<16xi32>
    %eq3A_2070 = arith.cmpi eq, %select_n3A_1907, %eq3A_2069 : vector<16xi32>
    %eq3A_2071 = arith.constant 1 : i32
    %eq3A_2072 = vector.broadcast %eq3A_2071 : i32 to vector<16xi32>
    %eq3A_2073 = arith.cmpi eq, %select_n3A_1992, %eq3A_2072 : vector<16xi32>
    %jit3A_2074 = arith.constant 0.000000e+00 : f32
    %broadcast_in_dim3A_2075 = vector.broadcast %jit3A_2074 : f32 to vector<16xf32>
    %select_n3A_2076 = arith.select %eq3A_2073, %div3A_2051, %broadcast_in_dim3A_2075 : vector<16xi1>, vector<16xf32>
    %select_n3A_2077 = arith.select %eq3A_2070, %div3A_2050, %select_n3A_2076 : vector<16xi1>, vector<16xf32>
    %swap3A_2078 = arith.constant 1 : i32
    %swap3A_2079 = arith.index_cast %swap3A_2078 : i32 to index
    %swap3A_2080 = arith.constant 48 : index
    %swap3A_2081 = tpu.vector_load %arg9[%swap3A_2079, %swap3A_2080] {strides = array<i32>} : memref<8x64xf32, #tpu.memory_space<vmem>>, vector<1x16xf32>,
    %swap3A_2082 = vector.shape_cast %swap3A_2081 : vector<1x16xf32> to vector<16xf32>
    %swap3A_2083 = vector.shape_cast %select_n3A_2077 : vector<16xf32> to vector<1x16xf32>
    tpu.vector_store %arg9[%swap3A_2079, %swap3A_2080], %swap3A_2083 {strides = array<i32>} : memref<8x64xf32, #tpu.memory_space<vmem>>, vector<1x16xf32>,
    %eq3A_2084 = arith.constant 2 : i32
    %eq3A_2085 = vector.broadcast %eq3A_2084 : i32 to vector<16xi32>
    %eq3A_2086 = arith.cmpi eq, %select_n3A_1907, %eq3A_2085 : vector<16xi32>
    %eq3A_2087 = arith.constant 2 : i32
    %eq3A_2088 = vector.broadcast %eq3A_2087 : i32 to vector<16xi32>
    %eq3A_2089 = arith.cmpi eq, %select_n3A_1992, %eq3A_2088 : vector<16xi32>
    %jit3A_2090 = arith.constant 0.000000e+00 : f32
    %broadcast_in_dim3A_2091 = vector.broadcast %jit3A_2090 : f32 to vector<16xf32>
    %select_n3A_2092 = arith.select %eq3A_2089, %div3A_2051, %broadcast_in_dim3A_2091 : vector<16xi1>, vector<16xf32>
    %select_n3A_2093 = arith.select %eq3A_2086, %div3A_2050, %select_n3A_2092 : vector<16xi1>, vector<16xf32>
    %swap3A_2094 = arith.constant 2 : i32
    %swap3A_2095 = arith.index_cast %swap3A_2094 : i32 to index
    %swap3A_2096 = arith.constant 48 : index
    %swap3A_2097 = tpu.vector_load %arg9[%swap3A_2095, %swap3A_2096] {strides = array<i32>} : memref<8x64xf32, #tpu.memory_space<vmem>>, vector<1x16xf32>,
    %swap3A_2098 = vector.shape_cast %swap3A_2097 : vector<1x16xf32> to vector<16xf32>
    %swap3A_2099 = vector.shape_cast %select_n3A_2093 : vector<16xf32> to vector<1x16xf32>
    tpu.vector_store %arg9[%swap3A_2095, %swap3A_2096], %swap3A_2099 {strides = array<i32>} : memref<8x64xf32, #tpu.memory_space<vmem>>, vector<1x16xf32>,
    %eq3A_2100 = arith.constant 3 : i32
    %eq3A_2101 = vector.broadcast %eq3A_2100 : i32 to vector<16xi32>
    %eq3A_2102 = arith.cmpi eq, %select_n3A_1907, %eq3A_2101 : vector<16xi32>
    %eq3A_2103 = arith.constant 3 : i32
    %eq3A_2104 = vector.broadcast %eq3A_2103 : i32 to vector<16xi32>
    %eq3A_2105 = arith.cmpi eq, %select_n3A_1992, %eq3A_2104 : vector<16xi32>
    %jit3A_2106 = arith.constant 0.000000e+00 : f32
    %broadcast_in_dim3A_2107 = vector.broadcast %jit3A_2106 : f32 to vector<16xf32>
    %select_n3A_2108 = arith.select %eq3A_2105, %div3A_2051, %broadcast_in_dim3A_2107 : vector<16xi1>, vector<16xf32>
    %select_n3A_2109 = arith.select %eq3A_2102, %div3A_2050, %select_n3A_2108 : vector<16xi1>, vector<16xf32>
    %swap3A_2110 = arith.constant 3 : i32
    %swap3A_2111 = arith.index_cast %swap3A_2110 : i32 to index
    %swap3A_2112 = arith.constant 48 : index
    %swap3A_2113 = tpu.vector_load %arg9[%swap3A_2111, %swap3A_2112] {strides = array<i32>} : memref<8x64xf32, #tpu.memory_space<vmem>>, vector<1x16xf32>,
    %swap3A_2114 = vector.shape_cast %swap3A_2113 : vector<1x16xf32> to vector<16xf32>
    %swap3A_2115 = vector.shape_cast %select_n3A_2109 : vector<16xf32> to vector<1x16xf32>
    tpu.vector_store %arg9[%swap3A_2111, %swap3A_2112], %swap3A_2115 {strides = array<i32>} : memref<8x64xf32, #tpu.memory_space<vmem>>, vector<1x16xf32>,
    %eq3A_2116 = arith.constant 4 : i32
    %eq3A_2117 = vector.broadcast %eq3A_2116 : i32 to vector<16xi32>
    %eq3A_2118 = arith.cmpi eq, %select_n3A_1907, %eq3A_2117 : vector<16xi32>
    %eq3A_2119 = arith.constant 4 : i32
    %eq3A_2120 = vector.broadcast %eq3A_2119 : i32 to vector<16xi32>
    %eq3A_2121 = arith.cmpi eq, %select_n3A_1992, %eq3A_2120 : vector<16xi32>
    %jit3A_2122 = arith.constant 0.000000e+00 : f32
    %broadcast_in_dim3A_2123 = vector.broadcast %jit3A_2122 : f32 to vector<16xf32>
    %select_n3A_2124 = arith.select %eq3A_2121, %div3A_2051, %broadcast_in_dim3A_2123 : vector<16xi1>, vector<16xf32>
    %select_n3A_2125 = arith.select %eq3A_2118, %div3A_2050, %select_n3A_2124 : vector<16xi1>, vector<16xf32>
    %swap3A_2126 = arith.constant 4 : i32
    %swap3A_2127 = arith.index_cast %swap3A_2126 : i32 to index
    %swap3A_2128 = arith.constant 48 : index
    %swap3A_2129 = tpu.vector_load %arg9[%swap3A_2127, %swap3A_2128] {strides = array<i32>} : memref<8x64xf32, #tpu.memory_space<vmem>>, vector<1x16xf32>,
    %swap3A_2130 = vector.shape_cast %swap3A_2129 : vector<1x16xf32> to vector<16xf32>
    %swap3A_2131 = vector.shape_cast %select_n3A_2125 : vector<16xf32> to vector<1x16xf32>
    tpu.vector_store %arg9[%swap3A_2127, %swap3A_2128], %swap3A_2131 {strides = array<i32>} : memref<8x64xf32, #tpu.memory_space<vmem>>, vector<1x16xf32>,
    %eq3A_2132 = arith.constant 5 : i32
    %eq3A_2133 = vector.broadcast %eq3A_2132 : i32 to vector<16xi32>
    %eq3A_2134 = arith.cmpi eq, %select_n3A_1907, %eq3A_2133 : vector<16xi32>
    %eq3A_2135 = arith.constant 5 : i32
    %eq3A_2136 = vector.broadcast %eq3A_2135 : i32 to vector<16xi32>
    %eq3A_2137 = arith.cmpi eq, %select_n3A_1992, %eq3A_2136 : vector<16xi32>
    %jit3A_2138 = arith.constant 0.000000e+00 : f32
    %broadcast_in_dim3A_2139 = vector.broadcast %jit3A_2138 : f32 to vector<16xf32>
    %select_n3A_2140 = arith.select %eq3A_2137, %div3A_2051, %broadcast_in_dim3A_2139 : vector<16xi1>, vector<16xf32>
    %select_n3A_2141 = arith.select %eq3A_2134, %div3A_2050, %select_n3A_2140 : vector<16xi1>, vector<16xf32>
    %swap3A_2142 = arith.constant 5 : i32
    %swap3A_2143 = arith.index_cast %swap3A_2142 : i32 to index
    %swap3A_2144 = arith.constant 48 : index
    %swap3A_2145 = tpu.vector_load %arg9[%swap3A_2143, %swap3A_2144] {strides = array<i32>} : memref<8x64xf32, #tpu.memory_space<vmem>>, vector<1x16xf32>,
    %swap3A_2146 = vector.shape_cast %swap3A_2145 : vector<1x16xf32> to vector<16xf32>
    %swap3A_2147 = vector.shape_cast %select_n3A_2141 : vector<16xf32> to vector<1x16xf32>
    tpu.vector_store %arg9[%swap3A_2143, %swap3A_2144], %swap3A_2147 {strides = array<i32>} : memref<8x64xf32, #tpu.memory_space<vmem>>, vector<1x16xf32>,
    %eq3A_2148 = arith.constant 6 : i32
    %eq3A_2149 = vector.broadcast %eq3A_2148 : i32 to vector<16xi32>
    %eq3A_2150 = arith.cmpi eq, %select_n3A_1907, %eq3A_2149 : vector<16xi32>
    %eq3A_2151 = arith.constant 6 : i32
    %eq3A_2152 = vector.broadcast %eq3A_2151 : i32 to vector<16xi32>
    %eq3A_2153 = arith.cmpi eq, %select_n3A_1992, %eq3A_2152 : vector<16xi32>
    %jit3A_2154 = arith.constant 0.000000e+00 : f32
    %broadcast_in_dim3A_2155 = vector.broadcast %jit3A_2154 : f32 to vector<16xf32>
    %select_n3A_2156 = arith.select %eq3A_2153, %div3A_2051, %broadcast_in_dim3A_2155 : vector<16xi1>, vector<16xf32>
    %select_n3A_2157 = arith.select %eq3A_2150, %div3A_2050, %select_n3A_2156 : vector<16xi1>, vector<16xf32>
    %swap3A_2158 = arith.constant 6 : i32
    %swap3A_2159 = arith.index_cast %swap3A_2158 : i32 to index
    %swap3A_2160 = arith.constant 48 : index
    %swap3A_2161 = tpu.vector_load %arg9[%swap3A_2159, %swap3A_2160] {strides = array<i32>} : memref<8x64xf32, #tpu.memory_space<vmem>>, vector<1x16xf32>,
    %swap3A_2162 = vector.shape_cast %swap3A_2161 : vector<1x16xf32> to vector<16xf32>
    %swap3A_2163 = vector.shape_cast %select_n3A_2157 : vector<16xf32> to vector<1x16xf32>
    tpu.vector_store %arg9[%swap3A_2159, %swap3A_2160], %swap3A_2163 {strides = array<i32>} : memref<8x64xf32, #tpu.memory_space<vmem>>, vector<1x16xf32>,
    %eq3A_2164 = arith.constant 7 : i32
    %eq3A_2165 = vector.broadcast %eq3A_2164 : i32 to vector<16xi32>
    %eq3A_2166 = arith.cmpi eq, %select_n3A_1907, %eq3A_2165 : vector<16xi32>
    %eq3A_2167 = arith.constant 7 : i32
    %eq3A_2168 = vector.broadcast %eq3A_2167 : i32 to vector<16xi32>
    %eq3A_2169 = arith.cmpi eq, %select_n3A_1992, %eq3A_2168 : vector<16xi32>
    %jit3A_2170 = arith.constant 0.000000e+00 : f32
    %broadcast_in_dim3A_2171 = vector.broadcast %jit3A_2170 : f32 to vector<16xf32>
    %select_n3A_2172 = arith.select %eq3A_2169, %div3A_2051, %broadcast_in_dim3A_2171 : vector<16xi1>, vector<16xf32>
    %select_n3A_2173 = arith.select %eq3A_2166, %div3A_2050, %select_n3A_2172 : vector<16xi1>, vector<16xf32>
    %swap3A_2174 = arith.constant 7 : i32
    %swap3A_2175 = arith.index_cast %swap3A_2174 : i32 to index
    %swap3A_2176 = arith.constant 48 : index
    %swap3A_2177 = tpu.vector_load %arg9[%swap3A_2175, %swap3A_2176] {strides = array<i32>} : memref<8x64xf32, #tpu.memory_space<vmem>>, vector<1x16xf32>,
    %swap3A_2178 = vector.shape_cast %swap3A_2177 : vector<1x16xf32> to vector<16xf32>
    %swap3A_2179 = vector.shape_cast %select_n3A_2173 : vector<16xf32> to vector<1x16xf32>
    tpu.vector_store %arg9[%swap3A_2175, %swap3A_2176], %swap3A_2179 {strides = array<i32>} : memref<8x64xf32, #tpu.memory_space<vmem>>, vector<1x16xf32>,
    "tpu.region"() ({
      %run_scoped3A = tpu.sem_alloc : memref<!tpu.dma_semaphore, #tpu.memory_space<semaphore_mem>>
      %dma_start3A = arith.constant 0 : i32
      %dma_start3A_2180 = arith.constant 0 : i32
      %dma_start3A_2181 = tpu.memref_slice %arg5[%add3A, %dma_start3A, %dma_start3A_2180] : memref<32x8x64xf32, #tpu.memory_space<hbm>> -> memref<1x8x64xf32, #tpu.memory_space<hbm>>
      %dma_start3A_2182 = tpu.memref_squeeze %dma_start3A_2181 : memref<1x8x64xf32, #tpu.memory_space<hbm>> -> memref<8x64xf32, #tpu.memory_space<hbm>>
      %dma_start3A_2183 = arith.constant 0 : i32
      %dma_start3A_2184 = arith.constant 0 : i32
      %dma_start3A_2185 = tpu.memref_slice %arg5[%add3A, %dma_start3A_2183, %dma_start3A_2184] : memref<32x8x64xf32, #tpu.memory_space<hbm>> -> memref<1x8x64xf32, #tpu.memory_space<hbm>>
      %dma_start3A_2186 = tpu.memref_squeeze %dma_start3A_2185 : memref<1x8x64xf32, #tpu.memory_space<hbm>> -> memref<8x64xf32, #tpu.memory_space<hbm>>
      tpu.enqueue_dma source(%arg9 : memref<8x64xf32, #tpu.memory_space<vmem>>) target(%dma_start3A_2186 : memref<8x64xf32, #tpu.memory_space<hbm>>) target_semaphore(%run_scoped3A : memref<!tpu.dma_semaphore, #tpu.memory_space<semaphore_mem>>)
      %dma_wait3A = arith.constant 0 : i32
      %dma_wait3A_2187 = arith.constant 0 : i32
      %dma_wait3A_2188 = tpu.memref_slice %arg5[%add3A, %dma_wait3A, %dma_wait3A_2187] : memref<32x8x64xf32, #tpu.memory_space<hbm>> -> memref<1x8x64xf32, #tpu.memory_space<hbm>>
      %dma_wait3A_2189 = tpu.memref_squeeze %dma_wait3A_2188 : memref<1x8x64xf32, #tpu.memory_space<hbm>> -> memref<8x64xf32, #tpu.memory_space<hbm>>
      %dma_wait3A_2190 = arith.constant 0 : i32
      %dma_wait3A_2191 = arith.constant 0 : i32
      %dma_wait3A_2192 = tpu.memref_slice %arg5[%add3A, %dma_wait3A_2190, %dma_wait3A_2191] : memref<32x8x64xf32, #tpu.memory_space<hbm>> -> memref<1x8x64xf32, #tpu.memory_space<hbm>>
      %dma_wait3A_2193 = tpu.memref_squeeze %dma_wait3A_2192 : memref<1x8x64xf32, #tpu.memory_space<hbm>> -> memref<8x64xf32, #tpu.memory_space<hbm>>
      tpu.wait_dma2 semaphore(%run_scoped3A : memref<!tpu.dma_semaphore, #tpu.memory_space<semaphore_mem>>) src(%arg9 : memref<8x64xf32, #tpu.memory_space<vmem>>) dst(%dma_wait3A_2193 : memref<8x64xf32, #tpu.memory_space<hbm>>)
      tpu.yield
    }) : () -> ()
    return
  }
}

module attributes {stable_mosaic.version = 14 : i64} {
  func.func @_moe_body(%arg0: i32, %arg1: memref<1024x1024xf32, #tpu.memory_space<vmem>>, %arg2: memref<1024x8xf32, #tpu.memory_space<vmem>>, %arg3: memref<8x1024x1024xbf16, #tpu.memory_space<vmem>>, %arg4: memref<8x1024x512xbf16, #tpu.memory_space<vmem>>, %arg5: memref<1024x1024xbf16, #tpu.memory_space<vmem>>, %arg6: memref<1024x512xbf16, #tpu.memory_space<vmem>>, %arg7: memref<1024x1024xf32, #tpu.memory_space<vmem>>) attributes {dimension_semantics = [#tpu.dimension_semantics<arbitrary>], iteration_bounds = array<i64: 2>, scalar_prefetch = 0 : i64, scratch_operands = 0 : i64, tpu.core_type = #tpu.core_type<tc>, window_params = [{transform_indices = @transform_0, window_bounds = array<i64: 1024, 1024>}, {transform_indices = @transform_1, window_bounds = array<i64: 1024, 8>}, {pipeline_mode = #tpu.pipeline_mode<synchronous>, transform_indices = @transform_2, window_bounds = array<i64: 8, 1024, 1024>}, {pipeline_mode = #tpu.pipeline_mode<synchronous>, transform_indices = @transform_3, window_bounds = array<i64: 8, 1024, 512>}, {pipeline_mode = #tpu.pipeline_mode<synchronous>, transform_indices = @transform_4, window_bounds = array<i64: 1024, 1024>}, {pipeline_mode = #tpu.pipeline_mode<synchronous>, transform_indices = @transform_5, window_bounds = array<i64: 1024, 512>}, {transform_indices = @transform_6, window_bounds = array<i64: 1024, 1024>}]} {
    %get3A = arith.constant 0 : index
    %get3A_0 = arith.constant 0 : index
    %get3A_1 = vector.load %arg1[%get3A, %get3A_0] : memref<1024x1024xf32, #tpu.memory_space<vmem>>, vector<1024x1024xf32>
    %convert_element_type3A = arith.truncf %get3A_1 : vector<1024x1024xf32> to vector<1024x1024xbf16>
    %get3A_2 = arith.constant 0 : index
    %get3A_3 = arith.constant 0 : index
    %get3A_4 = vector.load %arg2[%get3A_2, %get3A_3] : memref<1024x8xf32, #tpu.memory_space<vmem>>, vector<1024x8xf32>
    %mul3A = arith.constant 2.500000e+00 : f32
    %mul3A_5 = vector.broadcast %mul3A : f32 to vector<1024x8xf32>
    %mul3A_6 = arith.mulf %mul3A_5, %get3A_4 : vector<1024x8xf32>
    %get3A_7 = arith.constant 0 : index
    %get3A_8 = arith.constant 0 : index
    %get3A_9 = vector.load %arg5[%get3A_7, %get3A_8] : memref<1024x1024xbf16, #tpu.memory_space<vmem>>, vector<1024x1024xbf16>
    %dot_general3A = arith.constant dense<0.000000e+00> : vector<1024x1024xf32>
    %dot_general3A_10 = tpu.matmul %convert_element_type3A, %get3A_9, %dot_general3A {dimension_numbers = #tpu.dot_dimension_numbers<[1], [1], [0], [0], [0, 0, 1, 0], [], []>, transpose_lhs_hint = false} : vector<1024x1024xbf16>, vector<1024x1024xbf16>, vector<1024x1024xf32> -> vector<1024x1024xf32>
    %slice3A = vector.extract_strided_slice %dot_general3A_10 {offsets = [0, 0], sizes = [1024, 512], strides = [1, 1]} : vector<1024x1024xf32> to vector<1024x512xf32>
    %logistic3A = arith.negf %slice3A : vector<1024x512xf32>
    %logistic3A_11 = math.exp %logistic3A : vector<1024x512xf32>
    %logistic3A_12 = arith.constant 1.000000e+00 : f32
    %logistic3A_13 = vector.broadcast %logistic3A_12 : f32 to vector<1024x512xf32>
    %logistic3A_14 = arith.addf %logistic3A_13, %logistic3A_11 : vector<1024x512xf32>
    %logistic3A_15 = arith.divf %logistic3A_13, %logistic3A_14 : vector<1024x512xf32>
    %mul3A_16 = arith.mulf %slice3A, %logistic3A_15 : vector<1024x512xf32>
    %slice3A_17 = vector.extract_strided_slice %dot_general3A_10 {offsets = [0, 512], sizes = [1024, 512], strides = [1, 1]} : vector<1024x1024xf32> to vector<1024x512xf32>
    %mul3A_18 = arith.mulf %mul3A_16, %slice3A_17 : vector<1024x512xf32>
    %convert_element_type3A_19 = arith.truncf %mul3A_18 : vector<1024x512xf32> to vector<1024x512xbf16>
    %get3A_20 = arith.constant 0 : index
    %get3A_21 = arith.constant 0 : index
    %get3A_22 = vector.load %arg6[%get3A_20, %get3A_21] : memref<1024x512xbf16, #tpu.memory_space<vmem>>, vector<1024x512xbf16>
    %dot_general3A_23 = arith.constant dense<0.000000e+00> : vector<1024x1024xf32>
    %dot_general3A_24 = tpu.matmul %convert_element_type3A_19, %get3A_22, %dot_general3A_23 {dimension_numbers = #tpu.dot_dimension_numbers<[1], [1], [0], [0], [0, 0, 1, 0], [], []>, transpose_lhs_hint = false} : vector<1024x512xbf16>, vector<1024x512xbf16>, vector<1024x1024xf32> -> vector<1024x1024xf32>
    %get3A_25 = arith.constant 0 : index
    %get3A_26 = arith.constant 0 : index
    %get3A_27 = arith.constant 0 : index
    %get3A_28 = vector.load %arg3[%get3A_25, %get3A_26, %get3A_27] : memref<8x1024x1024xbf16, #tpu.memory_space<vmem>>, vector<1x1024x1024xbf16>
    %get3A_29 = vector.shape_cast %get3A_28 : vector<1x1024x1024xbf16> to vector<1024x1024xbf16>
    %dot_general3A_30 = arith.constant dense<0.000000e+00> : vector<1024x1024xf32>
    %dot_general3A_31 = tpu.matmul %convert_element_type3A, %get3A_29, %dot_general3A_30 {dimension_numbers = #tpu.dot_dimension_numbers<[1], [1], [0], [0], [0, 0, 1, 0], [], []>, transpose_lhs_hint = false} : vector<1024x1024xbf16>, vector<1024x1024xbf16>, vector<1024x1024xf32> -> vector<1024x1024xf32>
    %slice3A_32 = vector.extract_strided_slice %dot_general3A_31 {offsets = [0, 0], sizes = [1024, 512], strides = [1, 1]} : vector<1024x1024xf32> to vector<1024x512xf32>
    %logistic3A_33 = arith.negf %slice3A_32 : vector<1024x512xf32>
    %logistic3A_34 = math.exp %logistic3A_33 : vector<1024x512xf32>
    %logistic3A_35 = arith.constant 1.000000e+00 : f32
    %logistic3A_36 = vector.broadcast %logistic3A_35 : f32 to vector<1024x512xf32>
    %logistic3A_37 = arith.addf %logistic3A_36, %logistic3A_34 : vector<1024x512xf32>
    %logistic3A_38 = arith.divf %logistic3A_36, %logistic3A_37 : vector<1024x512xf32>
    %mul3A_39 = arith.mulf %slice3A_32, %logistic3A_38 : vector<1024x512xf32>
    %slice3A_40 = vector.extract_strided_slice %dot_general3A_31 {offsets = [0, 512], sizes = [1024, 512], strides = [1, 1]} : vector<1024x1024xf32> to vector<1024x512xf32>
    %mul3A_41 = arith.mulf %mul3A_39, %slice3A_40 : vector<1024x512xf32>
    %convert_element_type3A_42 = arith.truncf %mul3A_41 : vector<1024x512xf32> to vector<1024x512xbf16>
    %get3A_43 = arith.constant 0 : index
    %get3A_44 = arith.constant 0 : index
    %get3A_45 = arith.constant 0 : index
    %get3A_46 = vector.load %arg4[%get3A_43, %get3A_44, %get3A_45] : memref<8x1024x512xbf16, #tpu.memory_space<vmem>>, vector<1x1024x512xbf16>
    %get3A_47 = vector.shape_cast %get3A_46 : vector<1x1024x512xbf16> to vector<1024x512xbf16>
    %dot_general3A_48 = arith.constant dense<0.000000e+00> : vector<1024x1024xf32>
    %dot_general3A_49 = tpu.matmul %convert_element_type3A_42, %get3A_47, %dot_general3A_48 {dimension_numbers = #tpu.dot_dimension_numbers<[1], [1], [0], [0], [0, 0, 1, 0], [], []>, transpose_lhs_hint = false} : vector<1024x512xbf16>, vector<1024x512xbf16>, vector<1024x1024xf32> -> vector<1024x1024xf32>
    %slice3A_50 = vector.extract_strided_slice %mul3A_6 {offsets = [0, 0], sizes = [1024, 1], strides = [1, 1]} : vector<1024x8xf32> to vector<1024x1xf32>
    %mul3A_51 = vector.broadcast %slice3A_50 : vector<1024x1xf32> to vector<1024x1024xf32>
    %mul3A_52 = arith.mulf %mul3A_51, %dot_general3A_49 : vector<1024x1024xf32>
    %add3A = arith.addf %dot_general3A_24, %mul3A_52 : vector<1024x1024xf32>
    %get3A_53 = arith.constant 1 : index
    %get3A_54 = arith.constant 0 : index
    %get3A_55 = arith.constant 0 : index
    %get3A_56 = vector.load %arg3[%get3A_53, %get3A_54, %get3A_55] : memref<8x1024x1024xbf16, #tpu.memory_space<vmem>>, vector<1x1024x1024xbf16>
    %get3A_57 = vector.shape_cast %get3A_56 : vector<1x1024x1024xbf16> to vector<1024x1024xbf16>
    %dot_general3A_58 = arith.constant dense<0.000000e+00> : vector<1024x1024xf32>
    %dot_general3A_59 = tpu.matmul %convert_element_type3A, %get3A_57, %dot_general3A_58 {dimension_numbers = #tpu.dot_dimension_numbers<[1], [1], [0], [0], [0, 0, 1, 0], [], []>, transpose_lhs_hint = false} : vector<1024x1024xbf16>, vector<1024x1024xbf16>, vector<1024x1024xf32> -> vector<1024x1024xf32>
    %slice3A_60 = vector.extract_strided_slice %dot_general3A_59 {offsets = [0, 0], sizes = [1024, 512], strides = [1, 1]} : vector<1024x1024xf32> to vector<1024x512xf32>
    %logistic3A_61 = arith.negf %slice3A_60 : vector<1024x512xf32>
    %logistic3A_62 = math.exp %logistic3A_61 : vector<1024x512xf32>
    %logistic3A_63 = arith.constant 1.000000e+00 : f32
    %logistic3A_64 = vector.broadcast %logistic3A_63 : f32 to vector<1024x512xf32>
    %logistic3A_65 = arith.addf %logistic3A_64, %logistic3A_62 : vector<1024x512xf32>
    %logistic3A_66 = arith.divf %logistic3A_64, %logistic3A_65 : vector<1024x512xf32>
    %mul3A_67 = arith.mulf %slice3A_60, %logistic3A_66 : vector<1024x512xf32>
    %slice3A_68 = vector.extract_strided_slice %dot_general3A_59 {offsets = [0, 512], sizes = [1024, 512], strides = [1, 1]} : vector<1024x1024xf32> to vector<1024x512xf32>
    %mul3A_69 = arith.mulf %mul3A_67, %slice3A_68 : vector<1024x512xf32>
    %convert_element_type3A_70 = arith.truncf %mul3A_69 : vector<1024x512xf32> to vector<1024x512xbf16>
    %get3A_71 = arith.constant 1 : index
    %get3A_72 = arith.constant 0 : index
    %get3A_73 = arith.constant 0 : index
    %get3A_74 = vector.load %arg4[%get3A_71, %get3A_72, %get3A_73] : memref<8x1024x512xbf16, #tpu.memory_space<vmem>>, vector<1x1024x512xbf16>
    %get3A_75 = vector.shape_cast %get3A_74 : vector<1x1024x512xbf16> to vector<1024x512xbf16>
    %dot_general3A_76 = arith.constant dense<0.000000e+00> : vector<1024x1024xf32>
    %dot_general3A_77 = tpu.matmul %convert_element_type3A_70, %get3A_75, %dot_general3A_76 {dimension_numbers = #tpu.dot_dimension_numbers<[1], [1], [0], [0], [0, 0, 1, 0], [], []>, transpose_lhs_hint = false} : vector<1024x512xbf16>, vector<1024x512xbf16>, vector<1024x1024xf32> -> vector<1024x1024xf32>
    %slice3A_78 = vector.extract_strided_slice %mul3A_6 {offsets = [0, 1], sizes = [1024, 1], strides = [1, 1]} : vector<1024x8xf32> to vector<1024x1xf32>
    %mul3A_79 = vector.broadcast %slice3A_78 : vector<1024x1xf32> to vector<1024x1024xf32>
    %mul3A_80 = arith.mulf %mul3A_79, %dot_general3A_77 : vector<1024x1024xf32>
    %add3A_81 = arith.addf %add3A, %mul3A_80 : vector<1024x1024xf32>
    %get3A_82 = arith.constant 2 : index
    %get3A_83 = arith.constant 0 : index
    %get3A_84 = arith.constant 0 : index
    %get3A_85 = vector.load %arg3[%get3A_82, %get3A_83, %get3A_84] : memref<8x1024x1024xbf16, #tpu.memory_space<vmem>>, vector<1x1024x1024xbf16>
    %get3A_86 = vector.shape_cast %get3A_85 : vector<1x1024x1024xbf16> to vector<1024x1024xbf16>
    %dot_general3A_87 = arith.constant dense<0.000000e+00> : vector<1024x1024xf32>
    %dot_general3A_88 = tpu.matmul %convert_element_type3A, %get3A_86, %dot_general3A_87 {dimension_numbers = #tpu.dot_dimension_numbers<[1], [1], [0], [0], [0, 0, 1, 0], [], []>, transpose_lhs_hint = false} : vector<1024x1024xbf16>, vector<1024x1024xbf16>, vector<1024x1024xf32> -> vector<1024x1024xf32>
    %slice3A_89 = vector.extract_strided_slice %dot_general3A_88 {offsets = [0, 0], sizes = [1024, 512], strides = [1, 1]} : vector<1024x1024xf32> to vector<1024x512xf32>
    %logistic3A_90 = arith.negf %slice3A_89 : vector<1024x512xf32>
    %logistic3A_91 = math.exp %logistic3A_90 : vector<1024x512xf32>
    %logistic3A_92 = arith.constant 1.000000e+00 : f32
    %logistic3A_93 = vector.broadcast %logistic3A_92 : f32 to vector<1024x512xf32>
    %logistic3A_94 = arith.addf %logistic3A_93, %logistic3A_91 : vector<1024x512xf32>
    %logistic3A_95 = arith.divf %logistic3A_93, %logistic3A_94 : vector<1024x512xf32>
    %mul3A_96 = arith.mulf %slice3A_89, %logistic3A_95 : vector<1024x512xf32>
    %slice3A_97 = vector.extract_strided_slice %dot_general3A_88 {offsets = [0, 512], sizes = [1024, 512], strides = [1, 1]} : vector<1024x1024xf32> to vector<1024x512xf32>
    %mul3A_98 = arith.mulf %mul3A_96, %slice3A_97 : vector<1024x512xf32>
    %convert_element_type3A_99 = arith.truncf %mul3A_98 : vector<1024x512xf32> to vector<1024x512xbf16>
    %get3A_100 = arith.constant 2 : index
    %get3A_101 = arith.constant 0 : index
    %get3A_102 = arith.constant 0 : index
    %get3A_103 = vector.load %arg4[%get3A_100, %get3A_101, %get3A_102] : memref<8x1024x512xbf16, #tpu.memory_space<vmem>>, vector<1x1024x512xbf16>
    %get3A_104 = vector.shape_cast %get3A_103 : vector<1x1024x512xbf16> to vector<1024x512xbf16>
    %dot_general3A_105 = arith.constant dense<0.000000e+00> : vector<1024x1024xf32>
    %dot_general3A_106 = tpu.matmul %convert_element_type3A_99, %get3A_104, %dot_general3A_105 {dimension_numbers = #tpu.dot_dimension_numbers<[1], [1], [0], [0], [0, 0, 1, 0], [], []>, transpose_lhs_hint = false} : vector<1024x512xbf16>, vector<1024x512xbf16>, vector<1024x1024xf32> -> vector<1024x1024xf32>
    %slice3A_107 = vector.extract_strided_slice %mul3A_6 {offsets = [0, 2], sizes = [1024, 1], strides = [1, 1]} : vector<1024x8xf32> to vector<1024x1xf32>
    %mul3A_108 = vector.broadcast %slice3A_107 : vector<1024x1xf32> to vector<1024x1024xf32>
    %mul3A_109 = arith.mulf %mul3A_108, %dot_general3A_106 : vector<1024x1024xf32>
    %add3A_110 = arith.addf %add3A_81, %mul3A_109 : vector<1024x1024xf32>
    %get3A_111 = arith.constant 3 : index
    %get3A_112 = arith.constant 0 : index
    %get3A_113 = arith.constant 0 : index
    %get3A_114 = vector.load %arg3[%get3A_111, %get3A_112, %get3A_113] : memref<8x1024x1024xbf16, #tpu.memory_space<vmem>>, vector<1x1024x1024xbf16>
    %get3A_115 = vector.shape_cast %get3A_114 : vector<1x1024x1024xbf16> to vector<1024x1024xbf16>
    %dot_general3A_116 = arith.constant dense<0.000000e+00> : vector<1024x1024xf32>
    %dot_general3A_117 = tpu.matmul %convert_element_type3A, %get3A_115, %dot_general3A_116 {dimension_numbers = #tpu.dot_dimension_numbers<[1], [1], [0], [0], [0, 0, 1, 0], [], []>, transpose_lhs_hint = false} : vector<1024x1024xbf16>, vector<1024x1024xbf16>, vector<1024x1024xf32> -> vector<1024x1024xf32>
    %slice3A_118 = vector.extract_strided_slice %dot_general3A_117 {offsets = [0, 0], sizes = [1024, 512], strides = [1, 1]} : vector<1024x1024xf32> to vector<1024x512xf32>
    %logistic3A_119 = arith.negf %slice3A_118 : vector<1024x512xf32>
    %logistic3A_120 = math.exp %logistic3A_119 : vector<1024x512xf32>
    %logistic3A_121 = arith.constant 1.000000e+00 : f32
    %logistic3A_122 = vector.broadcast %logistic3A_121 : f32 to vector<1024x512xf32>
    %logistic3A_123 = arith.addf %logistic3A_122, %logistic3A_120 : vector<1024x512xf32>
    %logistic3A_124 = arith.divf %logistic3A_122, %logistic3A_123 : vector<1024x512xf32>
    %mul3A_125 = arith.mulf %slice3A_118, %logistic3A_124 : vector<1024x512xf32>
    %slice3A_126 = vector.extract_strided_slice %dot_general3A_117 {offsets = [0, 512], sizes = [1024, 512], strides = [1, 1]} : vector<1024x1024xf32> to vector<1024x512xf32>
    %mul3A_127 = arith.mulf %mul3A_125, %slice3A_126 : vector<1024x512xf32>
    %convert_element_type3A_128 = arith.truncf %mul3A_127 : vector<1024x512xf32> to vector<1024x512xbf16>
    %get3A_129 = arith.constant 3 : index
    %get3A_130 = arith.constant 0 : index
    %get3A_131 = arith.constant 0 : index
    %get3A_132 = vector.load %arg4[%get3A_129, %get3A_130, %get3A_131] : memref<8x1024x512xbf16, #tpu.memory_space<vmem>>, vector<1x1024x512xbf16>
    %get3A_133 = vector.shape_cast %get3A_132 : vector<1x1024x512xbf16> to vector<1024x512xbf16>
    %dot_general3A_134 = arith.constant dense<0.000000e+00> : vector<1024x1024xf32>
    %dot_general3A_135 = tpu.matmul %convert_element_type3A_128, %get3A_133, %dot_general3A_134 {dimension_numbers = #tpu.dot_dimension_numbers<[1], [1], [0], [0], [0, 0, 1, 0], [], []>, transpose_lhs_hint = false} : vector<1024x512xbf16>, vector<1024x512xbf16>, vector<1024x1024xf32> -> vector<1024x1024xf32>
    %slice3A_136 = vector.extract_strided_slice %mul3A_6 {offsets = [0, 3], sizes = [1024, 1], strides = [1, 1]} : vector<1024x8xf32> to vector<1024x1xf32>
    %mul3A_137 = vector.broadcast %slice3A_136 : vector<1024x1xf32> to vector<1024x1024xf32>
    %mul3A_138 = arith.mulf %mul3A_137, %dot_general3A_135 : vector<1024x1024xf32>
    %add3A_139 = arith.addf %add3A_110, %mul3A_138 : vector<1024x1024xf32>
    %get3A_140 = arith.constant 4 : index
    %get3A_141 = arith.constant 0 : index
    %get3A_142 = arith.constant 0 : index
    %get3A_143 = vector.load %arg3[%get3A_140, %get3A_141, %get3A_142] : memref<8x1024x1024xbf16, #tpu.memory_space<vmem>>, vector<1x1024x1024xbf16>
    %get3A_144 = vector.shape_cast %get3A_143 : vector<1x1024x1024xbf16> to vector<1024x1024xbf16>
    %dot_general3A_145 = arith.constant dense<0.000000e+00> : vector<1024x1024xf32>
    %dot_general3A_146 = tpu.matmul %convert_element_type3A, %get3A_144, %dot_general3A_145 {dimension_numbers = #tpu.dot_dimension_numbers<[1], [1], [0], [0], [0, 0, 1, 0], [], []>, transpose_lhs_hint = false} : vector<1024x1024xbf16>, vector<1024x1024xbf16>, vector<1024x1024xf32> -> vector<1024x1024xf32>
    %slice3A_147 = vector.extract_strided_slice %dot_general3A_146 {offsets = [0, 0], sizes = [1024, 512], strides = [1, 1]} : vector<1024x1024xf32> to vector<1024x512xf32>
    %logistic3A_148 = arith.negf %slice3A_147 : vector<1024x512xf32>
    %logistic3A_149 = math.exp %logistic3A_148 : vector<1024x512xf32>
    %logistic3A_150 = arith.constant 1.000000e+00 : f32
    %logistic3A_151 = vector.broadcast %logistic3A_150 : f32 to vector<1024x512xf32>
    %logistic3A_152 = arith.addf %logistic3A_151, %logistic3A_149 : vector<1024x512xf32>
    %logistic3A_153 = arith.divf %logistic3A_151, %logistic3A_152 : vector<1024x512xf32>
    %mul3A_154 = arith.mulf %slice3A_147, %logistic3A_153 : vector<1024x512xf32>
    %slice3A_155 = vector.extract_strided_slice %dot_general3A_146 {offsets = [0, 512], sizes = [1024, 512], strides = [1, 1]} : vector<1024x1024xf32> to vector<1024x512xf32>
    %mul3A_156 = arith.mulf %mul3A_154, %slice3A_155 : vector<1024x512xf32>
    %convert_element_type3A_157 = arith.truncf %mul3A_156 : vector<1024x512xf32> to vector<1024x512xbf16>
    %get3A_158 = arith.constant 4 : index
    %get3A_159 = arith.constant 0 : index
    %get3A_160 = arith.constant 0 : index
    %get3A_161 = vector.load %arg4[%get3A_158, %get3A_159, %get3A_160] : memref<8x1024x512xbf16, #tpu.memory_space<vmem>>, vector<1x1024x512xbf16>
    %get3A_162 = vector.shape_cast %get3A_161 : vector<1x1024x512xbf16> to vector<1024x512xbf16>
    %dot_general3A_163 = arith.constant dense<0.000000e+00> : vector<1024x1024xf32>
    %dot_general3A_164 = tpu.matmul %convert_element_type3A_157, %get3A_162, %dot_general3A_163 {dimension_numbers = #tpu.dot_dimension_numbers<[1], [1], [0], [0], [0, 0, 1, 0], [], []>, transpose_lhs_hint = false} : vector<1024x512xbf16>, vector<1024x512xbf16>, vector<1024x1024xf32> -> vector<1024x1024xf32>
    %slice3A_165 = vector.extract_strided_slice %mul3A_6 {offsets = [0, 4], sizes = [1024, 1], strides = [1, 1]} : vector<1024x8xf32> to vector<1024x1xf32>
    %mul3A_166 = vector.broadcast %slice3A_165 : vector<1024x1xf32> to vector<1024x1024xf32>
    %mul3A_167 = arith.mulf %mul3A_166, %dot_general3A_164 : vector<1024x1024xf32>
    %add3A_168 = arith.addf %add3A_139, %mul3A_167 : vector<1024x1024xf32>
    %get3A_169 = arith.constant 5 : index
    %get3A_170 = arith.constant 0 : index
    %get3A_171 = arith.constant 0 : index
    %get3A_172 = vector.load %arg3[%get3A_169, %get3A_170, %get3A_171] : memref<8x1024x1024xbf16, #tpu.memory_space<vmem>>, vector<1x1024x1024xbf16>
    %get3A_173 = vector.shape_cast %get3A_172 : vector<1x1024x1024xbf16> to vector<1024x1024xbf16>
    %dot_general3A_174 = arith.constant dense<0.000000e+00> : vector<1024x1024xf32>
    %dot_general3A_175 = tpu.matmul %convert_element_type3A, %get3A_173, %dot_general3A_174 {dimension_numbers = #tpu.dot_dimension_numbers<[1], [1], [0], [0], [0, 0, 1, 0], [], []>, transpose_lhs_hint = false} : vector<1024x1024xbf16>, vector<1024x1024xbf16>, vector<1024x1024xf32> -> vector<1024x1024xf32>
    %slice3A_176 = vector.extract_strided_slice %dot_general3A_175 {offsets = [0, 0], sizes = [1024, 512], strides = [1, 1]} : vector<1024x1024xf32> to vector<1024x512xf32>
    %logistic3A_177 = arith.negf %slice3A_176 : vector<1024x512xf32>
    %logistic3A_178 = math.exp %logistic3A_177 : vector<1024x512xf32>
    %logistic3A_179 = arith.constant 1.000000e+00 : f32
    %logistic3A_180 = vector.broadcast %logistic3A_179 : f32 to vector<1024x512xf32>
    %logistic3A_181 = arith.addf %logistic3A_180, %logistic3A_178 : vector<1024x512xf32>
    %logistic3A_182 = arith.divf %logistic3A_180, %logistic3A_181 : vector<1024x512xf32>
    %mul3A_183 = arith.mulf %slice3A_176, %logistic3A_182 : vector<1024x512xf32>
    %slice3A_184 = vector.extract_strided_slice %dot_general3A_175 {offsets = [0, 512], sizes = [1024, 512], strides = [1, 1]} : vector<1024x1024xf32> to vector<1024x512xf32>
    %mul3A_185 = arith.mulf %mul3A_183, %slice3A_184 : vector<1024x512xf32>
    %convert_element_type3A_186 = arith.truncf %mul3A_185 : vector<1024x512xf32> to vector<1024x512xbf16>
    %get3A_187 = arith.constant 5 : index
    %get3A_188 = arith.constant 0 : index
    %get3A_189 = arith.constant 0 : index
    %get3A_190 = vector.load %arg4[%get3A_187, %get3A_188, %get3A_189] : memref<8x1024x512xbf16, #tpu.memory_space<vmem>>, vector<1x1024x512xbf16>
    %get3A_191 = vector.shape_cast %get3A_190 : vector<1x1024x512xbf16> to vector<1024x512xbf16>
    %dot_general3A_192 = arith.constant dense<0.000000e+00> : vector<1024x1024xf32>
    %dot_general3A_193 = tpu.matmul %convert_element_type3A_186, %get3A_191, %dot_general3A_192 {dimension_numbers = #tpu.dot_dimension_numbers<[1], [1], [0], [0], [0, 0, 1, 0], [], []>, transpose_lhs_hint = false} : vector<1024x512xbf16>, vector<1024x512xbf16>, vector<1024x1024xf32> -> vector<1024x1024xf32>
    %slice3A_194 = vector.extract_strided_slice %mul3A_6 {offsets = [0, 5], sizes = [1024, 1], strides = [1, 1]} : vector<1024x8xf32> to vector<1024x1xf32>
    %mul3A_195 = vector.broadcast %slice3A_194 : vector<1024x1xf32> to vector<1024x1024xf32>
    %mul3A_196 = arith.mulf %mul3A_195, %dot_general3A_193 : vector<1024x1024xf32>
    %add3A_197 = arith.addf %add3A_168, %mul3A_196 : vector<1024x1024xf32>
    %get3A_198 = arith.constant 6 : index
    %get3A_199 = arith.constant 0 : index
    %get3A_200 = arith.constant 0 : index
    %get3A_201 = vector.load %arg3[%get3A_198, %get3A_199, %get3A_200] : memref<8x1024x1024xbf16, #tpu.memory_space<vmem>>, vector<1x1024x1024xbf16>
    %get3A_202 = vector.shape_cast %get3A_201 : vector<1x1024x1024xbf16> to vector<1024x1024xbf16>
    %dot_general3A_203 = arith.constant dense<0.000000e+00> : vector<1024x1024xf32>
    %dot_general3A_204 = tpu.matmul %convert_element_type3A, %get3A_202, %dot_general3A_203 {dimension_numbers = #tpu.dot_dimension_numbers<[1], [1], [0], [0], [0, 0, 1, 0], [], []>, transpose_lhs_hint = false} : vector<1024x1024xbf16>, vector<1024x1024xbf16>, vector<1024x1024xf32> -> vector<1024x1024xf32>
    %slice3A_205 = vector.extract_strided_slice %dot_general3A_204 {offsets = [0, 0], sizes = [1024, 512], strides = [1, 1]} : vector<1024x1024xf32> to vector<1024x512xf32>
    %logistic3A_206 = arith.negf %slice3A_205 : vector<1024x512xf32>
    %logistic3A_207 = math.exp %logistic3A_206 : vector<1024x512xf32>
    %logistic3A_208 = arith.constant 1.000000e+00 : f32
    %logistic3A_209 = vector.broadcast %logistic3A_208 : f32 to vector<1024x512xf32>
    %logistic3A_210 = arith.addf %logistic3A_209, %logistic3A_207 : vector<1024x512xf32>
    %logistic3A_211 = arith.divf %logistic3A_209, %logistic3A_210 : vector<1024x512xf32>
    %mul3A_212 = arith.mulf %slice3A_205, %logistic3A_211 : vector<1024x512xf32>
    %slice3A_213 = vector.extract_strided_slice %dot_general3A_204 {offsets = [0, 512], sizes = [1024, 512], strides = [1, 1]} : vector<1024x1024xf32> to vector<1024x512xf32>
    %mul3A_214 = arith.mulf %mul3A_212, %slice3A_213 : vector<1024x512xf32>
    %convert_element_type3A_215 = arith.truncf %mul3A_214 : vector<1024x512xf32> to vector<1024x512xbf16>
    %get3A_216 = arith.constant 6 : index
    %get3A_217 = arith.constant 0 : index
    %get3A_218 = arith.constant 0 : index
    %get3A_219 = vector.load %arg4[%get3A_216, %get3A_217, %get3A_218] : memref<8x1024x512xbf16, #tpu.memory_space<vmem>>, vector<1x1024x512xbf16>
    %get3A_220 = vector.shape_cast %get3A_219 : vector<1x1024x512xbf16> to vector<1024x512xbf16>
    %dot_general3A_221 = arith.constant dense<0.000000e+00> : vector<1024x1024xf32>
    %dot_general3A_222 = tpu.matmul %convert_element_type3A_215, %get3A_220, %dot_general3A_221 {dimension_numbers = #tpu.dot_dimension_numbers<[1], [1], [0], [0], [0, 0, 1, 0], [], []>, transpose_lhs_hint = false} : vector<1024x512xbf16>, vector<1024x512xbf16>, vector<1024x1024xf32> -> vector<1024x1024xf32>
    %slice3A_223 = vector.extract_strided_slice %mul3A_6 {offsets = [0, 6], sizes = [1024, 1], strides = [1, 1]} : vector<1024x8xf32> to vector<1024x1xf32>
    %mul3A_224 = vector.broadcast %slice3A_223 : vector<1024x1xf32> to vector<1024x1024xf32>
    %mul3A_225 = arith.mulf %mul3A_224, %dot_general3A_222 : vector<1024x1024xf32>
    %add3A_226 = arith.addf %add3A_197, %mul3A_225 : vector<1024x1024xf32>
    %get3A_227 = arith.constant 7 : index
    %get3A_228 = arith.constant 0 : index
    %get3A_229 = arith.constant 0 : index
    %get3A_230 = vector.load %arg3[%get3A_227, %get3A_228, %get3A_229] : memref<8x1024x1024xbf16, #tpu.memory_space<vmem>>, vector<1x1024x1024xbf16>
    %get3A_231 = vector.shape_cast %get3A_230 : vector<1x1024x1024xbf16> to vector<1024x1024xbf16>
    %dot_general3A_232 = arith.constant dense<0.000000e+00> : vector<1024x1024xf32>
    %dot_general3A_233 = tpu.matmul %convert_element_type3A, %get3A_231, %dot_general3A_232 {dimension_numbers = #tpu.dot_dimension_numbers<[1], [1], [0], [0], [0, 0, 1, 0], [], []>, transpose_lhs_hint = false} : vector<1024x1024xbf16>, vector<1024x1024xbf16>, vector<1024x1024xf32> -> vector<1024x1024xf32>
    %slice3A_234 = vector.extract_strided_slice %dot_general3A_233 {offsets = [0, 0], sizes = [1024, 512], strides = [1, 1]} : vector<1024x1024xf32> to vector<1024x512xf32>
    %logistic3A_235 = arith.negf %slice3A_234 : vector<1024x512xf32>
    %logistic3A_236 = math.exp %logistic3A_235 : vector<1024x512xf32>
    %logistic3A_237 = arith.constant 1.000000e+00 : f32
    %logistic3A_238 = vector.broadcast %logistic3A_237 : f32 to vector<1024x512xf32>
    %logistic3A_239 = arith.addf %logistic3A_238, %logistic3A_236 : vector<1024x512xf32>
    %logistic3A_240 = arith.divf %logistic3A_238, %logistic3A_239 : vector<1024x512xf32>
    %mul3A_241 = arith.mulf %slice3A_234, %logistic3A_240 : vector<1024x512xf32>
    %slice3A_242 = vector.extract_strided_slice %dot_general3A_233 {offsets = [0, 512], sizes = [1024, 512], strides = [1, 1]} : vector<1024x1024xf32> to vector<1024x512xf32>
    %mul3A_243 = arith.mulf %mul3A_241, %slice3A_242 : vector<1024x512xf32>
    %convert_element_type3A_244 = arith.truncf %mul3A_243 : vector<1024x512xf32> to vector<1024x512xbf16>
    %get3A_245 = arith.constant 7 : index
    %get3A_246 = arith.constant 0 : index
    %get3A_247 = arith.constant 0 : index
    %get3A_248 = vector.load %arg4[%get3A_245, %get3A_246, %get3A_247] : memref<8x1024x512xbf16, #tpu.memory_space<vmem>>, vector<1x1024x512xbf16>
    %get3A_249 = vector.shape_cast %get3A_248 : vector<1x1024x512xbf16> to vector<1024x512xbf16>
    %dot_general3A_250 = arith.constant dense<0.000000e+00> : vector<1024x1024xf32>
    %dot_general3A_251 = tpu.matmul %convert_element_type3A_244, %get3A_249, %dot_general3A_250 {dimension_numbers = #tpu.dot_dimension_numbers<[1], [1], [0], [0], [0, 0, 1, 0], [], []>, transpose_lhs_hint = false} : vector<1024x512xbf16>, vector<1024x512xbf16>, vector<1024x1024xf32> -> vector<1024x1024xf32>
    %slice3A_252 = vector.extract_strided_slice %mul3A_6 {offsets = [0, 7], sizes = [1024, 1], strides = [1, 1]} : vector<1024x8xf32> to vector<1024x1xf32>
    %mul3A_253 = vector.broadcast %slice3A_252 : vector<1024x1xf32> to vector<1024x1024xf32>
    %mul3A_254 = arith.mulf %mul3A_253, %dot_general3A_251 : vector<1024x1024xf32>
    %add3A_255 = arith.addf %add3A_226, %mul3A_254 : vector<1024x1024xf32>
    %swap3A = arith.constant 0 : index
    %swap3A_256 = arith.constant 0 : index
    %swap3A_257 = vector.load %arg7[%swap3A, %swap3A_256] : memref<1024x1024xf32, #tpu.memory_space<vmem>>, vector<1024x1024xf32>
    tpu.vector_store %arg7[%swap3A, %swap3A_256], %add3A_255 {strides = array<i32>} : memref<1024x1024xf32, #tpu.memory_space<vmem>>, vector<1024x1024xf32>,
    return
  }
  func.func @transform_0(%arg0: i32) -> (i32, i32) {
    %c0_i32 = arith.constant 0 : i32
    %c0_i32_0 = arith.constant 0 : i32
    return %arg0, %c0_i32 : i32, i32
  }
  func.func @transform_1(%arg0: i32) -> (i32, i32) {
    %c0_i32 = arith.constant 0 : i32
    %c0_i32_0 = arith.constant 0 : i32
    return %arg0, %c0_i32 : i32, i32
  }
  func.func @transform_2(%arg0: i32) -> (i32, i32, i32) {
    %c0_i32 = arith.constant 0 : i32
    %c0_i32_0 = arith.constant 0 : i32
    %c0_i32_1 = arith.constant 0 : i32
    %c0_i32_2 = arith.constant 0 : i32
    return %c0_i32, %c0_i32_0, %c0_i32_1 : i32, i32, i32
  }
  func.func @transform_3(%arg0: i32) -> (i32, i32, i32) {
    %c0_i32 = arith.constant 0 : i32
    %c0_i32_0 = arith.constant 0 : i32
    %c0_i32_1 = arith.constant 0 : i32
    %c0_i32_2 = arith.constant 0 : i32
    return %c0_i32, %c0_i32_0, %c0_i32_1 : i32, i32, i32
  }
  func.func @transform_4(%arg0: i32) -> (i32, i32) {
    %c0_i32 = arith.constant 0 : i32
    %c0_i32_0 = arith.constant 0 : i32
    %c0_i32_1 = arith.constant 0 : i32
    return %c0_i32, %c0_i32_0 : i32, i32
  }
  func.func @transform_5(%arg0: i32) -> (i32, i32) {
    %c0_i32 = arith.constant 0 : i32
    %c0_i32_0 = arith.constant 0 : i32
    %c0_i32_1 = arith.constant 0 : i32
    return %c0_i32, %c0_i32_0 : i32, i32
  }
  func.func @transform_6(%arg0: i32) -> (i32, i32) {
    %c0_i32 = arith.constant 0 : i32
    %c0_i32_0 = arith.constant 0 : i32
    return %arg0, %c0_i32 : i32, i32
  }
}

</mosaic_0001>

<sc_bundles>
// kernel: _glm4_moe.4.cloned.1.call-start
scs
__scs_entry_jumppad:
0x0: {  	(pc) =	sbr.rel $0x88, $3  }
0x1: {  	(tag) =	ssettag $0x0;
	lr =	simm.s32 $0x1  }
0x2: {  	[smem:$0x3F9A] =	sst lr;
	_ =	strace $0xD0000000  }
0x3: {  	_ = 	snop  }
0x4: {  	_ = 	snop  }
0x5: {  	_ = 	snop  }
0x6: {  	_ = 	snop  }
0x7: {  	_ = 	snop  }
__scs_overlays_trampoline_lowered:
0x8: {  	[smem:$0x3FA9] =	sst s0  }
0x9: {  	[smem:$0x3FAA] =	sst s1  }
0xa: {  	[smem:$0x3FAB] =	sst s2  }
0xb: {  	[smem:$0x3FAC] =	sst s3  }
0xc: {  	[smem:$0x3FAD] =	sst s4  }
0xd: {  	[smem:$0x3FAE] =	sst s5  }
0xe: {  	[smem:$0x3FAF] =	sst s6  }
0xf: {  	[smem:$0x3FB0] =	sst s7  }
0x10: {  	[smem:$0x3FB1] =	sst s8  }
0x11: {  	[smem:$0x3FB2] =	sst s9;
	s0 =	simm.s32 @!p0 $0x0  }
0x12: {  	s1 =	sld [smem:$0x3F98];
	s0 =	simm.s32 @p0 $0x1  }
0x13: {  	[smem:$0x3FB3] =	sst s0;
	s0 =	simm.s32 @!p1 $0x0  }
0x14: {  	s2 =	sld [smem:$0x3F97];
	s0 =	simm.s32 @p1 $0x1  }
0x15: {  	[smem:$0x3FB4] =	sst s0;
	s0 =	simm.s32 @!p2 $0x0  }
0x16: {  	s3 =	sld [smem:$0x3FDB];
	s0 =	simm.s32 @p2 $0x1  }
0x17: {  	s4 =	simm.s32 $0x1BF5;
	[smem:$0x3FB6] =	sst s0  }
0x18: {  	s0 =	sld [smem:$0x3F99];
	_ =	swait.ge [sflag:s4], $0x0  }
0x19: {  	s7 =	sld [smem:$0x3F9A]  }
0x1a: {  	s8 =	sadd.s32 $0xFFFFE003, lr  }
0x1b: {  	s9 =	sadd.s32 $0xFFFFFEF7, lr;
	s5 =	simm.s32 $0xFFFFFFFF;
	p2 =	slt.u32 s8, $0xFFFFF086  }
0x1c: {  	p1 =	slt.u32 s9, $0xF7A;
	s5 =	simm.s32 @!p2 $0x0  }
0x1d: {  	s5 =	simm.s32 @p1 $0x1;
	p0 =	seq.s32 s7, s2  }
0x1e: {  	s7 =	smul.u32 @!p0 $0xF7A, s2;
	p2 =	seq.s32 @!p0 s5, $0x0  }
0x1f: {  	s9 =	smul.u32 $0xF7A, s1;
	s8 =	simm.s32 @!p0 $0x1BF5;
	p2 =	por !p2, p0  }
0x20: {  	[sflag:s8] =	ssyncset.s32 @!p0 $0xFFFFF086;
	s6 =	sadd.s32 @!p0 s3, s7;
	s7 =	simm.s32 @!p0 $0x108  }
0x21: {  	s3 =	sadd.s32 s3, s9;
	s6 =	sadd.s32 @!p0 $0x88, s6;
	s7 =	simm.s32 @p2 $0x1082  }
0x22: {  	[simem:s7], [sflag:s8] =	dma.local @!p0 [hbm:s6], $0xF7A  }
0x23: {  	s9 =	sor.u32 $0xD0000000, s2;
	s6 =	simm.s32 $0x108;
	_ =	swait.ge @!p0 [sflag:s8], $0x0  }
0x24: {  	s3 =	sadd.s32 $0x88, s3;
	s6 =	simm.s32 @!p1 $0x1082;
	[sflag:s4] =	ssyncset.s32 $0xFFFFF086  }
0x25: {  	[simem:s6], [sflag:s4] =	dma.local [hbm:s3], $0xF7A  }
0x26: {  	[smem:$0x3F9A] =	sst s1;
	(tag) =	ssettag s2;
	_ =	strace s9  }
0x27: {  	s1 =	sld [smem:$0x3FAA]  }
0x28: {  	s2 =	sld [smem:$0x3FAB]  }
0x29: {  	s4 =	sld [smem:$0x3FAD]  }
0x2a: {  	p0 =	seq.s32 s5, $0x0;
	s5 =	sld [smem:$0x3FAE]  }
0x2b: {  	s6 =	sld [smem:$0x3FAF]  }
0x2c: {  	s7 =	sld [smem:$0x3FB0]  }
0x2d: {  	s3 =	simm.s32 $0x108;
	s8 =	sld [smem:$0x3FB1]  }
0x2e: {  	s3 =	simm.s32 @!p0 $0x1082;
	s9 =	sld [smem:$0x3FB2]  }
0x2f: {  	lr =	sadd.s32 s0, s3;
	s0 =	sld [smem:$0x3FA9]  }
0x30: {  	s3 =	sld [smem:$0x3FAC]  }
0x31: {  	[smem:$0x3FB5] =	sst s10  }
0x32: {  	s10 =	sld [smem:$0x3FB3];
	_ =	sdelay $0x3  }
0x33: {  	p0 =	seq.s32 s10, $0x1;
	s10 =	sld [smem:$0x3FB5];
	_ =	sdelay $0x3  }
0x34: {  	[smem:$0x3FB5] =	sst s10  }
0x35: {  	s10 =	sld [smem:$0x3FB4];
	_ =	sdelay $0x3  }
0x36: {  	p1 =	seq.s32 s10, $0x1;
	s10 =	sld [smem:$0x3FB5];
	_ =	sdelay $0x3  }
0x37: {  	[smem:$0x3FB5] =	sst s10  }
0x38: {  	s10 =	sld [smem:$0x3FB6]  }
0x39: {  	_ = 	snop;
	(pc) =	sbr.ind lr, $3  }
0x3a: {  	_ = 	snop  }
0x3b: {  	_ = 	snop  }
0x3c: {  	p2 =	seq.s32 s10, $0x1;
	s10 =	sld [smem:$0x3FB5]  }
0x3d: {  	_ =	shalt  }
0x3e: {  	_ =	shalt  }
0x3f: {  	_ =	shalt  }
0x40: {  	_ =	shalt  }
0x41: {  	_ =	shalt  }
0x42: {  	_ =	shalt  }
0x43: {  	_ =	shalt  }
0x44: {  	_ =	shalt  }
0x45: {  	_ =	shalt  }
0x46: {  	_ =	shalt  }
0x47: {  	_ =	shalt  }
0x48: {  	_ =	shalt  }
0x49: {  	_ =	shalt  }
0x4a: {  	_ =	shalt  }
0x4b: {  	_ =	shalt  }
0x4c: {  	_ =	shalt  }
0x4d: {  	_ =	shalt  }
0x4e: {  	_ =	shalt  }
0x4f: {  	_ =	shalt  }
0x50: {  	_ =	shalt  }
0x51: {  	_ =	shalt  }
0x52: {  	_ =	shalt  }
0x53: {  	_ =	shalt  }
0x54: {  	_ =	shalt  }
0x55: {  	_ =	shalt  }
0x56: {  	_ =	shalt  }
0x57: {  	_ =	shalt  }
0x58: {  	_ =	shalt  }
0x59: {  	_ =	shalt  }
0x5a: {  	_ =	shalt  }
0x5b: {  	_ =	shalt  }
0x5c: {  	_ =	shalt  }
0x5d: {  	_ =	shalt  }
0x5e: {  	_ =	shalt  }
0x5f: {  	_ =	shalt  }
0x60: {  	_ =	shalt  }
0x61: {  	_ =	shalt  }
0x62: {  	_ =	shalt  }
0x63: {  	_ =	shalt  }
0x64: {  	_ =	shalt  }
0x65: {  	_ =	shalt  }
0x66: {  	_ =	shalt  }
0x67: {  	_ =	shalt  }
0x68: {  	_ =	shalt  }
0x69: {  	_ =	shalt  }
0x6a: {  	_ =	shalt  }
0x6b: {  	_ =	shalt  }
0x6c: {  	_ =	shalt  }
0x6d: {  	_ =	shalt  }
0x6e: {  	_ =	shalt  }
0x6f: {  	_ =	shalt  }
0x70: {  	_ =	shalt  }
0x71: {  	_ =	shalt  }
0x72: {  	_ =	shalt  }
0x73: {  	_ =	shalt  }
0x74: {  	_ =	shalt  }
0x75: {  	_ =	shalt  }
0x76: {  	_ =	shalt  }
0x77: {  	_ =	shalt  }
0x78: {  	_ =	shalt  }
0x79: {  	_ =	shalt  }
0x7a: {  	_ =	shalt  }
0x7b: {  	_ =	shalt  }
0x7c: {  	_ =	shalt  }
0x7d: {  	_ =	shalt  }
0x7e: {  	_ =	shalt  }
0x7f: {  	_ =	shalt  }
0x80: {  	_ =	shalt  }
0x81: {  	_ =	shalt  }
0x82: {  	_ =	shalt  }
0x83: {  	_ =	shalt  }
0x84: {  	_ =	shalt  }
0x85: {  	_ =	shalt  }
0x86: {  	_ =	shalt  }
0x87: {  	_ =	shalt  }
.Lfunc_end0:
.L_simem_size_0:
called_computation_lowered:
.L_overlay_start_0:
0x88: {  	s2 =	sld [smem:$0x3FD9]  }
0x89: {  	s3 =	sld [smem:$0x3FFE];
	_ =	sdelay $0x1  }
0x8a: {  	s1 =	srdreg.scid  }
0x8b: {  	s0 =	sand.u32 $0x1, s1  }
0x8c: {  	s17 =	sshll.u32 s0, $0xA;
	s2 =	sadd.s32 s3, s2  }
0x8d: {  	s2 =	sadd.s32 s2, s17  }
0x8e: {  	[smem:$0x3FC1] =	sst s2  }
0x8f: {  	_ = 	snop  }
0x90: {  	s2 =	sld [smem:$0x3FD0];
	(tm) =	ssettm $0x1  }
0x91: {  	s18 =	sld [smem:$0x3FFB];
	_ =	sdelay $0x3  }
0x92: {  	_ =	strace s18  }
0x93: {  	s3 =	sld [smem:$0x3FFC];
	_ =	sdelay $0x3  }
0x94: {  	_ =	strace s3  }
0x95: {  	s3 =	sld [smem:$0x3FFD];
	_ =	sdelay $0x3  }
0x96: {  	_ =	strace s3  }
0x97: {  	_ =	strace $0x8FFFFFFF  }
0x98: {  	s19 =	sld [smem:$0x3FDB];
	_ =	sdelay $0x1  }
0x99: {  	s4 =	simm.s32 $_scs_section_size  }
0x9a: {  	s5 =	simm.s32 $_size__tile_overlayer_lowered;
	s6 =	simm.s32 $_tile_overlayer_lowered  }
0x9b: {  	s22 =	simm.s32 $0x1BFF;
	s21 =	sshll.u32 s6, $0x1;
	s3 =	sadd.s32 s4, s19  }
0x9c: {  	s7 =	simm.s32 $0x0;
	s20 =	sshll.u32 s5, $0x1;
	s5 =	sadd.s32 s21, s3  }
0x9d: {  	[timem:s7], [sflag:s22] =	dma.local [hbm:s5], s20  }
0x9e: {  	_ =	swait.ge [sflag:s22], s20  }
0x9f: {  	s4 =	ssub.s32 $0x0, s20;
	[sflag:s22] =	ssyncset.done $0x0  }
0xa0: {  	[sflag:s22] =	ssyncadd.s32 s4;
	_ =	sdelay $0x1  }
0xa1: {  	s23 =	simm.s32 $0x1B8B  }
0xa2: {  	_ =	swait.ge [sflag:s23], $0x1  }
0xa3: {  	[sflag:s23] =	ssyncset.done $0x0  }
0xa4: {  	s25 =	simm.s32 $0x1B8E;
	s24 =	sld [smem:$0x3FFE];
	[sflag:s23] =	ssyncadd.s32 $0xFFFFFFFF  }
0xa5: {  	s26 =	simm.s32 $execute0_lowered;
	[smem:$0x3FD2] =	sst s25  }
0xa6: {  	s5 =	sshll.u32 s26, $0x1;
	_ =	strace $0x80000046;
	[dreg:$0x1] =	wrdreg $0xFFFFFFFF  }
0xa7: {  	s28 =	simm.s32 $_size_execute0_lowered;
	s3 =	sadd.s32 s3, s5;
	[dreg:$0x0] =	wrdreg $0x0  }
0xa8: {  	s5 =	sshll.u32 s28, $0x1;
	[dreg:$0x2] =	wrdreg s3  }
0xa9: {  	[dreg:$0x3] =	wrdreg s5  }
0xaa: {  	[dreg:$0x4] =	wrdreg $0xC0  }
0xab: {  	_ =	task [dreg:s7], $0x5FFFF  }
0xac: {  	[dreg:$0x1] =	wrdreg $0xFFFFFFFF  }
0xad: {  	[dreg:$0x0] =	wrdreg $0x60  }
0xae: {  	[dreg:$0x2] =	wrdreg s24  }
0xaf: {  	[dreg:$0x3] =	wrdreg s2  }
0xb0: {  	[dreg:$0x4] =	wrdreg $0x9  }
0xb1: {  	_ =	task.clear_ibuf [dreg:s7], $0x5FFFF;
	_ =	strace $0x90000046  }
0xb2: {  	s29 =	simm.s32 $0x9;
	_ =	strace $0x80000048  }
0xb3: {  	_ =	swait.ge [sflag:s29], $0x1  }
0xb4: {  	[sflag:s29] =	ssyncadd.s32 $0xFFFFFFFF  }
0xb5: {  	_ =	strace $0x90000048  }
0xb6: {  	_ =	sfence  }
0xb7: {  	s30 =	sld [smem:$0x0];
	_ =	sdelay $0x2  }
0xb8: {  	s31 =	sshll.u32 s1, $0xD;
	s1 =	sshrl.u32 s1, $0x2  }
0xb9: {  	s3 =	sand.u32 $0x4000, s31;
	s1 =	sadd.s32 s1, s30  }
0xba: {  	s0 =	sor.u32 s3, s0;
	s1 =	sshll.u32 s1, $0x11  }
0xbb: {  	s0 =	sor.u32 s1, s0  }
0xbc: {  	s0 =	sadd.s32 $0x8F2B, s0  }
0xbd: {  	[sflag:s0] =	ssyncadd.remote.s32 $0x1  }
0xbe: {  	_ =	sfence.sel $0xFFFF  }
0xbf: {  	[dreg:$0x0] =	wrdreg $0xFFFFFFFF;
	(pc) =	sbr.abs _section_cstart, $3  }
0xc0: {  	[dreg:$0x1] =	wrdreg $0xFFFFFFFF  }
0xc1: {  	_ =	task.clear_ibuf [dreg:s7], $0x2FFFF;
	_ =	strace $0x9FFFFFFF  }
0xc2: {  	(tm) =	ssettm $0x7FFFFFFF  }
0xc3: {  	_ =	shalt  }
tec
execute0_lowered:
.L_overlay_start_1:
0x0: {  	(tag) =	ssettag $0x1  }
0x1: {  	s3 =	rddreg [dreg:$0x0]  }
0x2: {  	s4 =	rddreg [dreg:$0x1]  }
0x3: {  	s0 =	rddreg [dreg:$0x2]  }
0x4: {  	s2 =	simm.s32 $0x0;
	s5 =	srdreg.scid;
	s1 =	stileid.u32  }
0x5: {  	s10 =	simm.s32 $0x800;
	s5 =	sand.u32 $0x1, s5;
	s6 =	sshll.u32 s1, $0x1  }
0x6: {  	s11 =	simm.s32 $0xA00;
	[smem:$0x7FF] =	sst s2;
	s6 =	sor.u32 s5, s6  }
0x7: {  	_ =	strace $0x80000047;
	s5 =	ssub.s32 $0x2, s5;
	s7 =	sshll.u32 s6, $0x6  }
0x8: {  	s6 =	sshll.u32 s6, $0x7;
	s8 =	sshrl.u32 s5, $0x1;
	s7 =	sadd.s32 s7, s3  }
0x9: {  	s9 =	sadd.s32 s6, s3;
	s8 =	ssub.s32 s5, s8;
	s4 =	sadd.s32 s4, s6  }
0xa: {  	s3 =	sadd.s32 $0x1C00, s9;
	s5 =	sadd.s32 $0x1400, s7;
	s6 =	sadd.s32 $0x2C00, s9  }
0xb: {  	v0 =	vimm.s32 $0x3;
	v1 =	vimm.s32 $0x7;
	s7 =	smax.u32 s8, $0x1;
	s8 =	simm.s32 $0x1;
	s9 =	simm.s32 $0x400  }
.LBB2_1:
0xc: {  	[tilespmem:s2], [sflag:$0x1] =	stream.linear.gather [hbm4b:s3+s2], $0x400, $0x38;
	[tilespmem:$0xE00] =	vst v63  }
0xd: {  	_ =	swait.ge [sflag:s8], $0x400  }
0xe: {  	[sflag:s8] =	ssyncset.done $0x0  }
0xf: {  	[sflag:s8] =	ssyncadd.s32 $0xFFFFFC00  }
0x10: {  	[tilespmem:s9], [sflag:$0x1] =	stream.linear.gather [hbm4b:s4+s2], $0x400, $0x38;
	[tilespmem:$0xE00] =	vst v63  }
0x11: {  	_ =	swait.ge [sflag:s8], $0x400  }
0x12: {  	[sflag:s8] =	ssyncset.done $0x0  }
0x13: {  	[sflag:s8] =	ssyncadd.s32 $0xFFFFFC00  }
0x14: {  	[tilespmem:s10], [sflag:$0x1] =	stream.linear.gather [hbm4b:s5+s2], $0x200, $0x38;
	[tilespmem:$0xE00] =	vst v63  }
0x15: {  	_ =	swait.ge [sflag:s8], $0x200  }
0x16: {  	[sflag:s8] =	ssyncset.done $0x0  }
0x17: {  	[sflag:s8] =	ssyncadd.s32 $0xFFFFFE00  }
0x18: {  	v2 =	vld [tilespmem:$0x800]  }
0x19: {  	v3 =	vld [tilespmem:$0x880]  }
0x1a: {  	v4 =	vld [tilespmem:$0x900]  }
0x1b: {  	v5 =	vld [tilespmem:$0x980];
	_ =	sdelay $0x4  }
0x1c: {  	v6 =	vmax.f32 v2, v3;
	v7 =	vmax.f32 v4, v5  }
0x1d: {  	v6 =	vmax.f32 v6, v7  }
0x1e: {  	vm0 =	veq.f32 v4, v6  }
0x1f: {  	vm2 =	veq.f32 v3, v6;
	v52 =	vsel vm0, $0x2, v0  }
0x20: {  	vm3 =	veq.f32 v2, v6;
	v7 =	vsel vm2, $0x1, v52  }
0x21: {  	v7 =	vsel vm3, $0x0, v7  }
0x22: {  	vm12 =	vne.f32 v2, v6;
	vm1 =	veq.s32 v7, $0x2  }
0x23: {  	v2 =	vsel vm3, $0xFF800000, v2;
	vm2 =	vmand vm12, vm2;
	v53 =	vsel vm1, $0xFF800000, v4  }
0x24: {  	v54 =	vld [tilespmem:$0x400];
	v3 =	vsel vm2, $0xFF800000, v3;
	vm13 =	veq.s32 v7, $0x3;
	v5 =	vmax.f32 v53, v5  }
0x25: {  	v55 =	vld [tilespmem:$0x480];
	v8 =	vmax.f32 v2, v3;
	v4 =	vsel vm13, v4, v5  }
0x26: {  	v56 =	vld [tilespmem:$0x500];
	v4 =	vmax.f32 v8, v4  }
0x27: {  	v57 =	vld [tilespmem:$0x580];
	vm4 =	veq.f32 v53, v4;
	vm5 =	veq.f32 v3, v4;
	vm6 =	veq.f32 v2, v4  }
0x28: {  	v9 =	vld [tilespmem:$0x600];
	vm14 =	vne.f32 v2, v4;
	v3 =	vsel vm4, $0x2, v0;
	vm3 =	vmor vm3, vm6  }
0x29: {  	vm4 =	vmand vm14, vm5;
	v2 =	vsel vm5, $0x1, v3;
	v3 =	vld [tilespmem:$0x680];
	v7 =	vnsel vm3, $0x0, v54  }
0x2a: {  	v58 =	vld [tilespmem:$0x700];
	v5 =	vnsel vm3, $0x0, v55;
	vm2 =	vmor vm2, vm4;
	v2 =	vsel vm6, $0x0, v2  }
0x2b: {  	v10 =	vld [tilespmem:$0x780];
	v8 =	vnsel vm2, $0x0, v56;
	v11 =	vmax.f32 v7, v5;
	vm15 =	veq.s32 v2, $0x2  }
0x2c: {  	v6 =	vnsel vm2, $0x0, v57;
	v11 =	vmax.f32 v11, v8;
	vm1 =	vmor vm1, vm15  }
0x2d: {  	vm4 =	veq.s32 v2, $0x3;
	v2 =	vmax.f32 v11, v6;
	v9 =	vnsel vm1, $0x0, v9  }
0x2e: {  	vm0 =	vmor vm13, vm4;
	v3 =	vnsel vm1, $0x0, v3;
	v2 =	vmax.f32 v2, v9  }
0x2f: {  	v4 =	vnsel vm0, $0x0, v58;
	v2 =	vmax.f32 v2, v3  }
0x30: {  	v10 =	vnsel vm0, $0x0, v10;
	v2 =	vmax.f32 v2, v4  }
0x31: {  	v2 =	vmax.f32 v2, v10  }
0x32: {  	vm5 =	veq.f32 v4, v2  }
0x33: {  	v12 =	vimm.s32 $0x0;
	vm6 =	veq.f32 v3, v2;
	v59 =	vsel vm5, $0x6, v1  }
0x34: {  	v61 =	vimm.s32 $0x0;
	vm7 =	veq.f32 v9, v2;
	v11 =	vsel vm6, $0x5, v59  }
0x35: {  	v62 =	vimm.s32 $0x0;
	vm8 =	veq.f32 v6, v2;
	v11 =	vsel vm7, $0x4, v11  }
0x36: {  	v14 =	vimm.s32 $0x0;
	vm9 =	veq.f32 v8, v2;
	v11 =	vsel vm8, $0x3, v11  }
0x37: {  	vm10 =	veq.f32 v5, v2;
	vm5 =	vne.f32 v7, v2;
	v11 =	vsel vm9, $0x2, v11  }
0x38: {  	v26 =	vimm.s32 $0x0;
	vm6 =	vmand vm5, vm10;
	v11 =	vsel vm10, $0x1, v11  }
0x39: {  	v19 =	vld [tilespmem:$0x810];
	v7 =	vnsel vm5, $0xFF800000, v7;
	v5 =	vsel vm6, $0xFF800000, v5;
	v2 =	vnsel vm5, $0x0, v11  }
0x3a: {  	v20 =	vld [tilespmem:$0x890];
	v60 =	vmax.f32 v7, v5;
	vm4 =	veq.s32 v2, $0x2;
	vm8 =	veq.s32 v2, $0x3  }
0x3b: {  	v21 =	vld [tilespmem:$0x910];
	vm2 =	veq.s32 v2, $0x4;
	vm3 =	veq.s32 v2, $0x5;
	v8 =	vsel vm4, $0xFF800000, v8  }
0x3c: {  	v22 =	vld [tilespmem:$0x990];
	vm1 =	veq.s32 v2, $0x6;
	v6 =	vsel vm8, $0xFF800000, v6;
	v11 =	vmax.f32 v60, v8  }
0x3d: {  	vm11 =	veq.s32 v2, $0x7;
	v9 =	vsel vm2, $0xFF800000, v9;
	v11 =	vmax.f32 v11, v6  }
0x3e: {  	v2 =	vimm.s32 $0x0;
	v3 =	vsel vm3, $0xFF800000, v3;
	v11 =	vmax.f32 v11, v9  }
0x3f: {  	v12 =	vsel vm2, $0xFFFFFFFF, v12;
	v4 =	vsel vm1, $0xFF800000, v4;
	v11 =	vmax.f32 v11, v3  }
0x40: {  	v27 =	vmax.f32 v19, v20;
	v2 =	vsel vm11, $0xFFFFFFFF, v2;
	[tilespmem:$0x1FD90] =	vst v12;
	v11 =	vmax.f32 v11, v4  }
0x41: {  	v28 =	vmax.f32 v21, v22;
	v12 =	vsel vm3, $0xFFFFFFFF, v61;
	[tilespmem:$0x1FDF0] =	vst v2;
	v2 =	vmax.f32 v11, v10  }
0x42: {  	v17 =	vld [tilespmem:$0x300];
	v59 =	vimm.s32 $0x0;
	[tilespmem:$0x1FDA0] =	vst v12;
	v12 =	vsel vm1, $0xFFFFFFFF, v62;
	v2 =	vsel vm11, v11, v2  }
0x43: {  	v10 =	vmax.f32 v27, v28;
	vm0 =	veq.f32 v4, v2;
	vm12 =	veq.f32 v3, v2;
	v3 =	vld [tilespmem:$0x380]  }
0x44: {  	v16 =	vld [tilespmem:$0x280];
	v27 =	vimm.s32 $0x0;
	vm13 =	veq.f32 v9, v2;
	v18 =	vsel vm0, $0x6, v1  }
0x45: {  	[tilespmem:$0x1FDC0] =	vst v12;
	vm14 =	veq.f32 v6, v2;
	vm15 =	veq.f32 v8, v2;
	v12 =	vsel vm12, $0x5, v18  }
0x46: {  	v63 =	vld [tilespmem:$0x200];
	vm7 =	veq.f32 v5, v2;
	vm10 =	vne.f32 v7, v2;
	v9 =	vsel vm13, $0x4, v12  }
0x47: {  	vm12 =	veq.f32 v21, v10;
	vm13 =	vne.f32 v19, v10;
	v9 =	vsel vm14, $0x3, v9  }
0x48: {  	v23 =	vld [tilespmem:$0x180];
	v31 =	vsel vm12, $0x2, v0;
	v9 =	vsel vm15, $0x2, v9;
	v13 =	vsel vm1, v17, v3  }
0x49: {  	vm1 =	veq.f32 v19, v10;
	v9 =	vsel vm7, $0x1, v9;
	v25 =	vsel vm3, v16, v13  }
0x4a: {  	vm3 =	veq.f32 v20, v10;
	v6 =	vsel vm1, $0xFF800000, v19;
	v2 =	vnsel vm10, $0x0, v9  }
0x4b: {  	v24 =	vld [tilespmem:$0x100];
	v4 =	vsel vm2, v63, v25;
	v12 =	vsel vm3, $0x1, v31;
	v31 =	vimm.s32 $0x0  }
0x4c: {  	vm14 =	veq.s32 v2, $0x6;
	vm15 =	veq.s32 v2, $0x5;
	vm9 =	veq.s32 v2, $0x4  }
0x4d: {  	v29 =	vld [tilespmem:$0x80];
	v4 =	vsel vm8, v23, v4;
	vm11 =	veq.s32 v2, $0x3;
	v3 =	vsel vm14, v17, v3  }
0x4e: {  	v30 =	vld [tilespmem:$0x0];
	vm12 =	veq.s32 v2, $0x2;
	v32 =	vsel vm1, $0x0, v12;
	v3 =	vsel vm15, v16, v3  }
0x4f: {  	v14 =	vsel vm14, $0xFFFFFFFF, v14;
	v13 =	vsel vm15, $0xFFFFFFFF, v26;
	v3 =	vsel vm9, v63, v3  }
0x50: {  	v4 =	vsel vm4, v24, v4;
	vm14 =	vmand vm13, vm3;
	v3 =	vsel vm11, v23, v3  }
0x51: {  	vm13 =	vmand vm10, vm7;
	vm3 =	veq.s32 v32, $0x3;
	v3 =	vsel vm12, v24, v3  }
0x52: {  	v4 =	vsel vm6, v29, v4;
	vm15 =	veq.s32 v32, $0x2;
	v3 =	vsel vm13, v29, v3  }
0x53: {  	v4 =	vsel vm5, v4, v30;
	v34 =	vsel vm15, $0xFF800000, v21;
	v3 =	vsel vm10, v3, v30  }
0x54: {  	v8 =	vsel vm14, $0xFF800000, v20;
	v7 =	vmax.f32 v34, v22;
	v33 =	vadd.f32 v3, v4  }
0x55: {  	v35 =	vld [tilespmem:$0x410];
	v26 =	vimm.s32 $0x0;
	v36 =	vmax.f32 v6, v8;
	v5 =	vsel vm3, v21, v7  }
0x56: {  	v37 =	vld [tilespmem:$0x490];
	v32 =	vimm.s32 $0x0;
	v5 =	vmax.f32 v36, v5;
	(erf) = vrcp.f32 v33  }
0x57: {  	v38 =	vld [tilespmem:$0x510];
	v29 =	vimm.s32 $0x0;
	v36 =	vimm.s32 $0x0;
	vm7 =	veq.f32 v34, v5  }
0x58: {  	v39 =	vld [tilespmem:$0x590];
	vm2 =	vne.f32 v6, v5;
	v11 =	vsel vm7, $0x2, v0;
	vm7 =	veq.f32 v8, v5  }
0x59: {  	v40 =	vld [tilespmem:$0x610];
	vm0 =	veq.f32 v6, v5;
	v30 =	vimm.s32 $0x0;
	v11 =	vsel vm7, $0x1, v11  }
0x5a: {  	v41 =	vld [tilespmem:$0x690];
	vm7 =	vmand vm2, vm7;
	v5 =	vsel vm0, $0x0, v11;
	vm0 =	vmor vm1, vm0  }
0x5b: {  	v44 =	vld [tilespmem:$0x710];
	vm14 =	vmor vm14, vm7;
	v42 =	vnsel vm0, $0x0, v35;
	v43 =	vnsel vm0, $0x0, v37  }
0x5c: {  	v45 =	vld [tilespmem:$0x790];
	v10 =	vnsel vm14, $0x0, v38;
	vm7 =	veq.s32 v5, $0x2;
	v46 =	vmax.f32 v42, v43  }
0x5d: {  	v15 =	vnsel vm14, $0x0, v39;
	vm14 =	vmor vm15, vm7;
	v11 =	vmax.f32 v46, v10  }
0x5e: {  	vm15 =	veq.s32 v5, $0x3;
	v16 =	vnsel vm14, $0x0, v40;
	v47 =	vmax.f32 v11, v15  }
0x5f: {  	v61 =	vld [tilespmem:$0x1FDA0];
	v17 =	vnsel vm14, $0x0, v41;
	vm7 =	vmor vm3, vm15;
	v49 =	vmax.f32 v47, v16;
	v48 =	vpop (erf)  }
0x60: {  	v18 =	vnsel vm7, $0x0, v44;
	v11 =	vmul.f32 v48, v3;
	v3 =	vmax.f32 v49, v17  }
0x61: {  	[tilespmem:$0x1FD80] =	vst v13;
	v19 =	vnsel vm7, $0x0, v45;
	v6 =	vmul.f32 v48, v4;
	v3 =	vmax.f32 v3, v18  }
0x62: {  	v20 =	vld [tilespmem:$0x1FD80];
	v50 =	vsel vm10, $0x0, v11;
	v51 =	vnsel vm13, $0x0, v11;
	v52 =	vmax.f32 v3, v19  }
0x63: {  	v60 =	vld [tilespmem:$0x1FD90];
	[tilespmem:$0x1FDB0] =	vst v14;
	v53 =	vnsel vm12, $0x0, v11;
	v55 =	vnsel vm11, $0x0, v11;
	v58 =	vnsel vm9, $0x0, v11  }
0x64: {  	v25 =	vld [tilespmem:$0x1FDB0];
	vm9 =	vnez.u8 v61;
	v7 =	vsel vm5, v50, v6;
	v3 =	vsel vm6, v6, v51  }
0x65: {  	v34 =	vld [tilespmem:$0x1FDC0];
	vm10 =	veq.f32 v18, v52;
	vm13 =	veq.f32 v17, v52;
	v4 =	vsel vm4, v6, v53  }
0x66: {  	v49 =	vld [tilespmem:$0x830];
	vm14 =	veq.f32 v16, v52;
	vm15 =	veq.f32 v15, v52;
	vm4 =	veq.f32 v10, v52  }
0x67: {  	vm5 =	veq.f32 v43, v52;
	vm6 =	vnez.u8 v20;
	vm7 =	vne.f32 v42, v52;
	v51 =	vld [tilespmem:$0x8B0]  }
0x68: {  	v52 =	vld [tilespmem:$0x930];
	v54 =	vsel vm10, $0x6, v1;
	v20 =	vnsel vm6, $0x0, v11;
	v8 =	vsel vm7, $0xFFFFFFFF, v59  }
0x69: {  	v53 =	vld [tilespmem:$0x9B0];
	vm10 =	vnez.u8 v25;
	vm11 =	vmand vm7, vm5;
	v5 =	vsel vm13, $0x5, v54  }
0x6a: {  	[tilespmem:$0x1FDD0] =	vst v8;
	v8 =	vsel vm9, v6, v20;
	v23 =	vnsel vm10, $0x0, v11;
	v56 =	vsel vm14, $0x4, v5  }
0x6b: {  	v12 =	vsel vm11, $0xFFFFFFFF, v26;
	v13 =	vsel vm11, $0xFF800000, v43;
	v57 =	vsel vm15, $0x3, v56  }
0x6c: {  	vm13 =	vnez.u8 v34;
	v5 =	vsel vm8, v6, v55;
	v9 =	vsel vm4, $0x2, v57  }
0x6d: {  	v63 =	vld [tilespmem:$0x8A0];
	vm8 =	vnez.u8 v60;
	v57 =	vmax.f32 v49, v51;
	v21 =	vsel vm5, $0x1, v9  }
0x6e: {  	v22 =	vld [tilespmem:$0x820];
	v9 =	vsel vm8, v6, v58;
	v58 =	vmax.f32 v52, v53;
	v62 =	vnsel vm7, $0x0, v21  }
0x6f: {  	v24 =	vld [tilespmem:$0x920];
	vm12 =	veq.s32 v62, $0x2;
	vm15 =	veq.s32 v62, $0x3;
	vm14 =	veq.s32 v62, $0x4  }
0x70: {  	v25 =	vld [tilespmem:$0x9A0];
	vm11 =	veq.s32 v62, $0x5;
	vm8 =	veq.s32 v62, $0x6;
	vm4 =	veq.s32 v62, $0x7  }
0x71: {  	[tilespmem:$0x1FE40] =	vst v12;
	v12 =	vsel vm12, $0xFFFFFFFF, v27;
	v14 =	vsel vm12, $0xFF800000, v10;
	v26 =	vsel vm15, $0xFF800000, v15  }
0x72: {  	v15 =	vsel vm15, $0xFFFFFFFF, v29;
	v16 =	vsel vm14, $0xFF800000, v16;
	v17 =	vsel vm11, $0xFF800000, v17  }
0x73: {  	v18 =	vsel vm8, $0xFF800000, v18;
	v27 =	vmax.f32 v22, v63;
	[tilespmem:$0x1FE70] =	vst v12;
	v12 =	vnsel vm7, $0xFF800000, v42  }
0x74: {  	v20 =	vsel vm4, $0xFFFFFFFF, v36;
	[tilespmem:$0x1FE80] =	vst v15;
	v15 =	vsel vm14, $0xFFFFFFFF, v30;
	v28 =	vmax.f32 v12, v13  }
0x75: {  	[tilespmem:$0x1FEB0] =	vst v15;
	v15 =	vsel vm11, $0xFFFFFFFF, v31;
	v10 =	vmax.f32 v28, v14;
	v28 =	vmax.f32 v24, v25  }
0x76: {  	[tilespmem:$0x1FEC0] =	vst v15;
	v15 =	vsel vm8, $0xFFFFFFFF, v32;
	v10 =	vmax.f32 v10, v26;
	v35 =	vmax.f32 v27, v28  }
0x77: {  	v10 =	vmax.f32 v10, v16;
	vm5 =	veq.f32 v24, v35;
	vm6 =	veq.f32 v63, v35  }
0x78: {  	vm2 =	veq.f32 v22, v35;
	vm10 =	vne.f32 v22, v35;
	v33 =	vmax.f32 v10, v17  }
0x79: {  	[tilespmem:$0x1FEE0] =	vst v15;
	v10 =	vsel vm13, v6, v23;
	v37 =	vsel vm5, $0x2, v0;
	v15 =	vmax.f32 v33, v18  }
0x7a: {  	v22 =	vsel vm2, $0xFF800000, v22;
	vm3 =	vmand vm10, vm6;
	v19 =	vmax.f32 v15, v19  }
0x7b: {  	v38 =	vsel vm6, $0x1, v37;
	v21 =	vsel vm3, $0xFF800000, v63;
	v15 =	vsel vm4, v15, v19  }
0x7c: {  	vm7 =	veq.f32 v18, v15;
	vm9 =	veq.f32 v17, v15;
	v18 =	vsel vm2, $0x0, v38  }
0x7d: {  	vm12 =	veq.f32 v16, v15;
	v39 =	vsel vm7, $0x6, v1;
	vm0 =	veq.s32 v18, $0x2  }
0x7e: {  	vm13 =	veq.f32 v26, v15;
	v19 =	vsel vm9, $0x5, v39;
	v43 =	vsel vm0, $0xFF800000, v24  }
0x7f: {  	v40 =	vld [tilespmem:$0x420];
	vm1 =	veq.s32 v18, $0x3;
	v45 =	vmax.f32 v43, v25;
	v19 =	vsel vm12, $0x4, v19  }
0x80: {  	v41 =	vld [tilespmem:$0x4A0];
	v47 =	vmax.f32 v22, v21;
	v18 =	vsel vm1, v24, v45;
	v19 =	vsel vm13, $0x3, v19  }
0x81: {  	v44 =	vld [tilespmem:$0x5A0];
	v24 =	vmax.f32 v57, v58;
	v18 =	vmax.f32 v47, v18;
	v47 =	vimm.s32 $0x0  }
0x82: {  	v42 =	vld [tilespmem:$0x520];
	vm9 =	vne.f32 v22, v18;
	vm10 =	veq.f32 v43, v18;
	vm12 =	veq.f32 v22, v18  }
0x83: {  	vm13 =	veq.f32 v21, v18;
	v43 =	vimm.s32 $0x0;
	v50 =	vsel vm10, $0x2, v0  }
0x84: {  	vm2 =	vmor vm2, vm12;
	vm4 =	vmand vm9, vm13;
	v21 =	vsel vm13, $0x1, v50  }
0x85: {  	v46 =	vld [tilespmem:$0x620];
	[tilespmem:$0x1FEF0] =	vst v20;
	v17 =	vnsel vm2, $0x0, v40;
	vm3 =	vmor vm3, vm4;
	v20 =	vnsel vm2, $0x0, v41  }
0x86: {  	v48 =	vld [tilespmem:$0x6A0];
	vm13 =	veq.f32 v51, v24;
	v41 =	vimm.s32 $0x0;
	v50 =	vimm.s32 $0x0  }
0x87: {  	v54 =	vld [tilespmem:$0x720];
	v21 =	vsel vm12, $0x0, v21;
	v23 =	vnsel vm3, $0x0, v42;
	v28 =	vnsel vm3, $0x0, v44  }
0x88: {  	v29 =	vld [tilespmem:$0x7A0];
	v30 =	vmax.f32 v17, v20;
	vm12 =	veq.f32 v52, v24;
	vm3 =	veq.f32 v49, v24  }
0x89: {  	v42 =	vimm.s32 $0x0;
	vm7 =	veq.s32 v21, $0x2;
	vm9 =	veq.s32 v21, $0x3  }
0x8a: {  	v55 =	vmax.f32 v30, v23;
	v59 =	vsel vm12, $0x2, v0;
	v60 =	vsel vm3, $0xFF800000, v49  }
0x8b: {  	vm0 =	vmor vm0, vm7;
	vm10 =	vmor vm1, vm9;
	v16 =	vmax.f32 v55, v28  }
0x8c: {  	v30 =	vsel vm13, $0x1, v59;
	vm9 =	vne.f32 v49, v24;
	v31 =	vnsel vm0, $0x0, v46  }
0x8d: {  	v56 =	vnsel vm0, $0x0, v48;
	v27 =	vnsel vm10, $0x0, v54;
	v29 =	vnsel vm10, $0x0, v29  }
0x8e: {  	v30 =	vsel vm3, $0x0, v30;
	vm2 =	vmand vm9, vm13;
	v46 =	vimm.s32 $0x0  }
0x8f: {  	v54 =	vimm.s32 $0x0;
	v16 =	vmax.f32 v16, v31;
	vm1 =	veq.s32 v30, $0x2  }
0x90: {  	v18 =	vsel vm2, $0xFF800000, v51;
	v16 =	vmax.f32 v16, v56;
	v61 =	vsel vm1, $0xFF800000, v52  }
0x91: {  	vm0 =	veq.s32 v30, $0x3;
	v16 =	vmax.f32 v16, v27;
	v26 =	vmax.f32 v61, v53  }
0x92: {  	v62 =	vmax.f32 v60, v18;
	v16 =	vmax.f32 v16, v29;
	v22 =	vsel vm0, v52, v26  }
0x93: {  	vm6 =	veq.f32 v27, v16;
	vm7 =	veq.f32 v56, v16;
	vm10 =	veq.f32 v31, v16  }
0x94: {  	vm12 =	veq.f32 v28, v16;
	v22 =	vmax.f32 v62, v22;
	vm13 =	veq.f32 v23, v16  }
0x95: {  	v36 =	vld [tilespmem:$0x430];
	v32 =	vsel vm6, $0x6, v1;
	vm9 =	veq.f32 v61, v22;
	vm4 =	veq.f32 v18, v22  }
0x96: {  	v37 =	vld [tilespmem:$0x4B0];
	v32 =	vsel vm7, $0x5, v32;
	v39 =	vsel vm9, $0x2, v0;
	vm9 =	vne.f32 v60, v22  }
0x97: {  	v63 =	vsel vm10, $0x4, v32;
	vm10 =	veq.f32 v20, v16;
	v18 =	vsel vm4, $0x1, v39  }
0x98: {  	v39 =	vimm.s32 $0x0;
	v26 =	vsel vm12, $0x3, v63;
	vm12 =	veq.f32 v60, v22  }
0x99: {  	v38 =	vsel vm13, $0x2, v26;
	v18 =	vsel vm12, $0x0, v18;
	vm13 =	vne.f32 v17, v16  }
0x9a: {  	v34 =	vld [tilespmem:$0x630];
	vm3 =	vmor vm3, vm12;
	v25 =	vsel vm10, $0x1, v38;
	v16 =	vsel vm13, $0xFFFFFFFF, v41  }
0x9b: {  	v33 =	vld [tilespmem:$0x5B0];
	v32 =	vnsel vm3, $0x0, v36;
	v30 =	vnsel vm3, $0x0, v37;
	vm5 =	vmand vm13, vm10  }
0x9c: {  	v35 =	vld [tilespmem:$0x6B0];
	vm3 =	vmand vm9, vm4;
	vm10 =	veq.s32 v18, $0x2;
	vm4 =	veq.s32 v18, $0x3  }
0x9d: {  	v45 =	vld [tilespmem:$0x7B0];
	v36 =	vimm.s32 $0x0;
	[tilespmem:$0x1FF00] =	vst v16;
	v25 =	vnsel vm13, $0x0, v25;
	v16 =	vnsel vm13, $0xFF800000, v17  }
0x9e: {  	v17 =	vsel vm5, $0xFFFFFFFF, v42;
	vm2 =	vmor vm2, vm3;
	vm1 =	vmor vm1, vm10  }
0x9f: {  	vm0 =	vmor vm0, vm4;
	v49 =	vmax.f32 v32, v30;
	v42 =	vimm.s32 $0x0  }
0xa0: {  	v40 =	vld [tilespmem:$0x530];
	[tilespmem:$0x1FDE0] =	vst v17;
	vm9 =	veq.s32 v25, $0x2;
	v17 =	vsel vm5, $0xFF800000, v20;
	v24 =	vnsel vm2, $0x0, v33  }
0xa1: {  	vm12 =	veq.s32 v25, $0x3;
	vm13 =	veq.s32 v25, $0x4;
	v33 =	vnsel vm1, $0x0, v34  }
0xa2: {  	v34 =	vnsel vm1, $0x0, v35;
	vm6 =	veq.s32 v25, $0x5;
	v26 =	vnsel vm0, $0x0, v45  }
0xa3: {  	vm10 =	veq.s32 v25, $0x6;
	vm5 =	veq.f32 v14, v15;
	vm7 =	veq.s32 v25, $0x7  }
0xa4: {  	v44 =	vld [tilespmem:$0x730];
	v45 =	vimm.s32 $0x0;
	v20 =	vsel vm9, $0xFF800000, v23;
	v22 =	vsel vm9, $0xFFFFFFFF, v43  }
0xa5: {  	v23 =	vnsel vm2, $0x0, v40;
	v18 =	vsel vm12, $0xFF800000, v28;
	v28 =	vsel vm12, $0xFFFFFFFF, v46  }
0xa6: {  	v48 =	vmax.f32 v16, v17;
	v21 =	vsel vm6, $0xFF800000, v56;
	v36 =	vsel vm6, $0xFFFFFFFF, v36  }
0xa7: {  	v27 =	vsel vm10, $0xFF800000, v27;
	v14 =	vsel vm5, $0x2, v19;
	v25 =	vsel vm7, $0xFFFFFFFF, v54;
	[tilespmem:$0x1FF10] =	vst v22  }
0xa8: {  	v53 =	vld [tilespmem:$0x310];
	v40 =	vimm.s32 $0x0;
	v43 =	vimm.s32 $0x0;
	[tilespmem:$0x1FF30] =	vst v28;
	v28 =	vsel vm13, $0xFF800000, v31  }
0xa9: {  	v56 =	vld [tilespmem:$0x390];
	v31 =	vsel vm13, $0xFFFFFFFF, v47;
	[tilespmem:$0x1FF70] =	vst v36;
	v35 =	vmax.f32 v49, v23;
	v22 =	vnsel vm0, $0x0, v44  }
0xaa: {  	v57 =	vld [tilespmem:$0x290];
	v36 =	vsel vm10, $0xFFFFFFFF, v50;
	vm0 =	veq.f32 v13, v15;
	[tilespmem:$0x1FF60] =	vst v31;
	v31 =	vmax.f32 v48, v20  }
0xab: {  	v37 =	vld [tilespmem:$0x210];
	v47 =	vimm.s32 $0x0;
	v35 =	vmax.f32 v35, v24;
	v31 =	vmax.f32 v31, v18  }
0xac: {  	v14 =	vsel vm0, $0x1, v14;
	v35 =	vmax.f32 v35, v33;
	v31 =	vmax.f32 v31, v28  }
0xad: {  	v48 =	vimm.s32 $0x0;
	v35 =	vmax.f32 v35, v34;
	v31 =	vmax.f32 v31, v21  }
0xae: {  	v35 =	vmax.f32 v35, v22;
	v38 =	vsel vm8, v53, v56;
	v51 =	vmax.f32 v31, v27  }
0xaf: {  	v52 =	vmax.f32 v35, v26;
	v63 =	vsel vm11, v57, v38;
	v29 =	vmax.f32 v51, v29  }
0xb0: {  	vm4 =	veq.f32 v22, v52;
	vm5 =	veq.f32 v34, v52;
	v41 =	vsel vm14, v37, v63  }
0xb1: {  	v55 =	vsel vm4, $0x6, v1;
	v19 =	vsel vm7, v51, v29;
	vm4 =	veq.f32 v33, v52  }
0xb2: {  	[tilespmem:$0x1FFA0] =	vst v25;
	v51 =	vimm.s32 $0x0;
	v25 =	vsel vm5, $0x5, v55;
	vm7 =	veq.f32 v27, v19  }
0xb3: {  	v44 =	vld [tilespmem:$0x1FE70];
	vm5 =	veq.f32 v24, v52;
	v55 =	vimm.s32 $0x0;
	vm1 =	veq.f32 v28, v19  }
0xb4: {  	vm3 =	vne.f32 v16, v19;
	v27 =	vsel vm7, $0x6, v1;
	v25 =	vsel vm4, $0x4, v25  }
0xb5: {  	vm4 =	vne.f32 v12, v15;
	vm7 =	veq.f32 v23, v52;
	v59 =	vsel vm5, $0x3, v25  }
0xb6: {  	v58 =	vld [tilespmem:$0x190];
	v12 =	vnsel vm4, $0x0, v14;
	vm0 =	vmand vm4, vm0;
	v61 =	vsel vm7, $0x2, v59  }
0xb7: {  	v46 =	vld [tilespmem:$0x1FE40];
	vm8 =	veq.s32 v12, $0x6;
	vm11 =	veq.s32 v12, $0x5;
	vm14 =	veq.s32 v12, $0x4  }
0xb8: {  	vm5 =	veq.s32 v12, $0x3;
	vm7 =	vnez.u8 v44;
	v59 =	vimm.s32 $0x0  }
0xb9: {  	v39 =	vsel vm8, $0xFFFFFFFF, v39;
	v35 =	vsel vm8, v53, v56;
	v38 =	vsel vm11, $0xFFFFFFFF, v40  }
0xba: {  	v60 =	vld [tilespmem:$0x110];
	[tilespmem:$0x1FF90] =	vst v36;
	v36 =	vsel vm14, $0xFFFFFFFF, v42;
	vm8 =	veq.s32 v12, $0x2;
	v53 =	vimm.s32 $0x0  }
0xbb: {  	v62 =	vld [tilespmem:$0x90];
	v40 =	vimm.s32 $0x0;
	v42 =	vimm.s32 $0x0;
	v29 =	vsel vm11, v57, v35  }
0xbc: {  	[tilespmem:$0x1FE90] =	vst v36;
	v35 =	vsel vm15, v58, v41;
	v36 =	vsel vm5, $0xFFFFFFFF, v43;
	vm11 =	vnez.u8 v46  }
0xbd: {  	[tilespmem:$0x1FEA0] =	vst v38;
	v57 =	vimm.s32 $0x0;
	v38 =	vimm.s32 $0x0;
	v29 =	vsel vm14, v37, v29  }
0xbe: {  	[tilespmem:$0x1FE60] =	vst v36;
	vm14 =	veq.f32 v30, v52;
	v36 =	vimm.s32 $0x0;
	v13 =	vsel vm5, v58, v29  }
0xbf: {  	v29 =	vsel vm7, v60, v35;
	v35 =	vsel vm8, $0xFFFFFFFF, v45;
	v14 =	vsel vm14, $0x1, v61  }
0xc0: {  	v49 =	vld [tilespmem:$0x10];
	v13 =	vsel vm8, v60, v13;
	v25 =	vsel vm11, v62, v29;
	v29 =	vsel vm0, $0xFFFFFFFF, v47  }
0xc1: {  	vm11 =	vne.f32 v32, v52;
	vm8 =	veq.f32 v21, v19;
	v13 =	vsel vm0, v62, v13  }
0xc2: {  	v14 =	vnsel vm11, $0x0, v14;
	vm15 =	vmand vm11, vm14;
	v50 =	vnsel vm11, $0xFF800000, v32  }
0xc3: {  	v21 =	vsel vm8, $0x5, v27;
	vm0 =	veq.s32 v2, $0x7;
	v2 =	vimm.s32 $0x0  }
0xc4: {  	v15 =	vsel vm15, $0xFFFFFFFF, v48;
	v30 =	vsel vm15, $0xFF800000, v30;
	vm5 =	veq.s32 v14, $0x2  }
0xc5: {  	v44 =	vld [tilespmem:$0x330];
	vm7 =	veq.s32 v14, $0x3;
	vm14 =	veq.s32 v14, $0x6;
	v13 =	vsel vm4, v13, v49  }
0xc6: {  	v58 =	vld [tilespmem:$0x1FDD0];
	vm8 =	veq.s32 v14, $0x7;
	v62 =	vsel vm1, $0x4, v21;
	v31 =	vsel vm5, $0xFFFFFFFF, v51  }
0xc7: {  	v46 =	vld [tilespmem:$0x3B0];
	v23 =	vsel vm5, $0xFF800000, v23;
	v52 =	vmax.f32 v50, v30;
	v32 =	vsel vm7, $0xFFFFFFFF, v53  }
0xc8: {  	v24 =	vsel vm7, $0xFF800000, v24;
	vm7 =	veq.s32 v14, $0x4;
	vm5 =	veq.s32 v14, $0x5  }
0xc9: {  	v63 =	vld [tilespmem:$0x320];
	v22 =	vsel vm14, $0xFF800000, v22;
	v2 =	vsel vm8, $0xFFFFFFFF, v2;
	[tilespmem:$0x1FE10] =	vst v31;
	v31 =	vmax.f32 v52, v23  }
0xca: {  	v27 =	vld [tilespmem:$0x3A0];
	v54 =	vsel vm7, $0xFF800000, v33;
	v33 =	vsel vm7, $0xFFFFFFFF, v55;
	v56 =	vsel vm5, $0xFF800000, v34  }
0xcb: {  	v28 =	vld [tilespmem:$0x2A0];
	v34 =	vsel vm5, $0xFFFFFFFF, v57;
	vm15 =	vnez.u8 v58;
	[tilespmem:$0x1FFF0] =	vst v2;
	v2 =	vnsel vm0, $0x0, v11  }
0xcc: {  	v47 =	vld [tilespmem:$0x1FF00];
	vm0 =	veq.f32 v18, v19;
	v55 =	vsel vm14, v44, v46;
	v31 =	vmax.f32 v31, v24  }
0xcd: {  	v48 =	vld [tilespmem:$0x2B0];
	[tilespmem:$0x1FFC0] =	vst v34;
	v25 =	vsel vm15, v25, v49;
	v34 =	vsel vm14, $0xFFFFFFFF, v59;
	v11 =	vsel vm0, $0x3, v62  }
0xce: {  	[tilespmem:$0x1FE00] =	vst v32;
	vm0 =	veq.f32 v20, v19;
	v49 =	vld [tilespmem:$0x230];
	v31 =	vmax.f32 v31, v54;
	v61 =	vadd.f32 v13, v25  }
0xcf: {  	[tilespmem:$0x1FE50] =	vst v35;
	v59 =	vld [tilespmem:$0x1FE00];
	v11 =	vsel vm0, $0x2, v11;
	vm0 =	veq.f32 v17, v19;
	v35 =	vsel vm10, v63, v27  }
0xd0: {  	v31 =	vmax.f32 v31, v56;
	v11 =	vsel vm0, $0x1, v11;
	v19 =	vsel vm6, v28, v35  }
0xd1: {  	v52 =	vld [tilespmem:$0x1B0];
	vm6 =	vnez.u8 v47;
	v60 =	vmax.f32 v31, v22;
	v11 =	vnsel vm3, $0x0, v11  }
0xd2: {  	v57 =	vsel vm5, v48, v55;
	v31 =	vld [tilespmem:$0x220];
	v26 =	vmax.f32 v60, v26;
	vm10 =	veq.s32 v11, $0x6  }
0xd3: {  	[tilespmem:$0x1FE30] =	vst v15;
	(erf) = vrcp.f32 v61;
	v61 =	vld [tilespmem:$0x1FE10];
	v14 =	vsel vm8, v60, v26;
	v15 =	vsel vm10, v63, v27  }
0xd4: {  	v53 =	vld [tilespmem:$0x130];
	v58 =	vsel vm7, v49, v57;
	vm7 =	vnez.u8 v59;
	vm8 =	veq.f32 v22, v14  }
0xd5: {  	[tilespmem:$0xB80] =	vst v5;
	v32 =	vld [tilespmem:$0x1A0];
	vm2 =	veq.f32 v24, v14;
	v26 =	vsel vm8, $0x6, v1;
	vm8 =	veq.f32 v56, v14  }
0xd6: {  	[tilespmem:$0x1FFE0] =	vst v34;
	v34 =	vld [tilespmem:$0x120];
	vm1 =	vne.f32 v50, v14;
	v5 =	vsel vm7, v52, v58;
	v18 =	vsel vm8, $0x5, v26  }
0xd7: {  	v50 =	vld [tilespmem:$0x1FDF0];
	vm8 =	veq.f32 v54, v14;
	v19 =	vsel vm13, v31, v19;
	vm13 =	veq.s32 v11, $0x3  }
0xd8: {  	v45 =	vld [tilespmem:$0x1FDE0];
	v54 =	vimm.s32 $0x0;
	vm5 =	vnez.u8 v61;
	v18 =	vsel vm8, $0x4, v18  }
0xd9: {  	vm8 =	veq.f32 v23, v14;
	v23 =	vsel vm10, $0xFFFFFFFF, v36;
	vm10 =	veq.s32 v11, $0x4  }
0xda: {  	[tilespmem:$0x1FFB0] =	vst v33;
	v19 =	vsel vm12, v32, v19;
	v5 =	vsel vm5, v53, v5;
	v33 =	vsel vm2, $0x3, v18  }
0xdb: {  	[tilespmem:$0xA80] =	vst v3;
	v19 =	vsel vm9, v34, v19;
	v16 =	vsel vm8, $0x2, v33;
	vm8 =	veq.s32 v11, $0x5  }
0xdc: {  	v37 =	vld [tilespmem:$0xA0];
	[tilespmem:$0x1FF80] =	vst v23;
	vm2 =	veq.f32 v30, v14;
	vm9 =	vnez.u8 v50;
	v23 =	vsel vm8, $0xFFFFFFFF, v38  }
0xdd: {  	[tilespmem:$0x1FED0] =	vst v39;
	v39 =	vld [tilespmem:$0x20];
	v15 =	vsel vm8, v28, v15;
	vm8 =	vnez.u8 v45;
	v16 =	vsel vm2, $0x1, v16  }
0xde: {  	v41 =	vpop (erf);
	v2 =	vsel vm9, v6, v2;
	[tilespmem:$0x1FF50] =	vst v23;
	v23 =	vsel vm10, $0xFFFFFFFF, v40;
	v15 =	vsel vm10, v31, v15  }
0xdf: {  	v3 =	vld [tilespmem:$0xB0];
	[tilespmem:$0xC00] =	vst v9;
	v43 =	vmul.f32 v41, v25;
	vm10 =	vmand vm3, vm0;
	v13 =	vmul.f32 v41, v13  }
0xe0: {  	v9 =	vld [tilespmem:$0x1FE40];
	[tilespmem:$0x1FF40] =	vst v23;
	v23 =	vsel vm13, $0xFFFFFFFF, v42;
	v15 =	vsel vm13, v32, v15;
	vm13 =	veq.s32 v11, $0x2  }
0xe1: {  	[tilespmem:$0xD00] =	vst v10;
	v10 =	vld [tilespmem:$0x1FE50];
	v19 =	vsel vm8, v37, v19;
	v16 =	vnsel vm1, $0x0, v16;
	v15 =	vsel vm13, v34, v15  }
0xe2: {  	[tilespmem:$0x1FE20] =	vst v29;
	v63 =	vld [tilespmem:$0x1FE30];
	v19 =	vsel vm6, v19, v39;
	vm12 =	veq.s32 v16, $0x6;
	v15 =	vsel vm10, v37, v15  }
0xe3: {  	v62 =	vld [tilespmem:$0x1FE20];
	vm14 =	veq.s32 v16, $0x5;
	vm9 =	veq.s32 v16, $0x3;
	v15 =	vsel vm3, v15, v39  }
0xe4: {  	v29 =	vld [tilespmem:$0x1FEE0];
	vm6 =	veq.s32 v16, $0x2;
	v18 =	vsel vm12, v44, v46;
	v22 =	vadd.f32 v15, v19  }
0xe5: {  	v20 =	vld [tilespmem:$0x1FE70];
	v51 =	vsel vm4, $0x0, v13;
	vm4 =	vmand vm1, vm2;
	v18 =	vsel vm14, v48, v18  }
0xe6: {  	v14 =	vld [tilespmem:$0x1FE60];
	(erf) = vrcp.f32 v22;
	v22 =	vsel vm12, $0xFFFFFFFF, v54;
	vm12 =	veq.s32 v16, $0x4  }
0xe7: {  	[tilespmem:$0xA00] =	vst v7;
	v56 =	vld [tilespmem:$0x30];
	vm2 =	vnez.u8 v63;
	v6 =	vsel vm15, v51, v43;
	v18 =	vsel vm12, v49, v18  }
0xe8: {  	[tilespmem:$0xC80] =	vst v8;
	v21 =	vld [tilespmem:$0x1FE80];
	vm15 =	vnez.u8 v62;
	v5 =	vsel vm2, v3, v5;
	v60 =	vsel vm9, v52, v18  }
0xe9: {  	v8 =	vnsel vm15, $0x0, v13;
	vm15 =	vnez.u8 v9;
	[tilespmem:$0x1FFD0] =	vst v22;
	v22 =	vld [tilespmem:$0x1FE90];
	v7 =	vsel vm6, v53, v60  }
0xea: {  	[tilespmem:$0x1FF20] =	vst v23;
	v23 =	vld [tilespmem:$0x1FEA0];
	v3 =	vsel vm4, v3, v7;
	v7 =	vsel vm15, v43, v8;
	vm15 =	vnez.u8 v10  }
0xeb: {  	[tilespmem:$0xB00] =	vst v4;
	v24 =	vld [tilespmem:$0x1FEB0];
	v4 =	vnsel vm15, $0x0, v13;
	vm15 =	vnez.u8 v14  }
0xec: {  	[tilespmem:$0xD80] =	vst v2;
	v25 =	vld [tilespmem:$0x1FEC0];
	v2 =	vsel vm11, v5, v56;
	v5 =	vnsel vm15, $0x0, v13;
	vm15 =	vnez.u8 v20  }
0xed: {  	v27 =	vld [tilespmem:$0x1FED0];
	v3 =	vsel vm1, v3, v56;
	v4 =	vsel vm15, v43, v4;
	vm15 =	vnez.u8 v21  }
0xee: {  	v38 =	vld [tilespmem:$0x1FF10];
	v18 =	vadd.f32 v3, v2;
	v5 =	vsel vm15, v43, v5;
	vm15 =	vnez.u8 v22  }
0xef: {  	vm0 =	veq.s32 v12, $0x7;
	v32 =	vld [tilespmem:$0x1FEF0];
	[tilespmem:$0xA90] =	vst v7;
	v7 =	vnsel vm15, $0x0, v13;
	vm15 =	vnez.u8 v23  }
0xf0: {  	v34 =	vld [tilespmem:$0x1FF00];
	(erf) = vrcp.f32 v18;
	v8 =	vnsel vm15, $0x0, v13;
	vm15 =	vnez.u8 v24  }
0xf1: {  	v30 =	vnsel vm0, $0x0, v13;
	v41 =	vld [tilespmem:$0x1FF40];
	[tilespmem:$0xB10] =	vst v4;
	v26 =	vpop (erf);
	v4 =	vsel vm15, v43, v7;
	vm15 =	vnez.u8 v25  }
0xf2: {  	[tilespmem:$0xA10] =	vst v6;
	v39 =	vld [tilespmem:$0x1FF20];
	v28 =	vmul.f32 v26, v15;
	v6 =	vsel vm15, v43, v8;
	vm15 =	vnez.u8 v27  }
0xf3: {  	v40 =	vld [tilespmem:$0x1FF30];
	[tilespmem:$0xB90] =	vst v5;
	v31 =	vmul.f32 v26, v19;
	v5 =	vnsel vm15, $0x0, v13;
	vm15 =	vnez.u8 v29  }
0xf4: {  	v42 =	vld [tilespmem:$0x1FF50];
	[tilespmem:$0xC10] =	vst v4;
	v35 =	vnsel vm10, $0x0, v28;
	v5 =	vsel vm15, v43, v5;
	vm15 =	vnez.u8 v32  }
0xf5: {  	v33 =	vsel vm3, $0x0, v28;
	[tilespmem:$0xC90] =	vst v6;
	v36 =	vsel vm8, v31, v35;
	v7 =	vsel vm15, v43, v30;
	v43 =	vld [tilespmem:$0x1FF60]  }
0xf6: {  	v44 =	vld [tilespmem:$0x1FF70];
	v37 =	vnsel vm13, $0x0, v28;
	vm13 =	vnez.u8 v38;
	[tilespmem:$0xAA0] =	vst v36;
	vm15 =	vnez.u8 v34  }
0xf7: {  	v46 =	vld [tilespmem:$0x1FF80];
	vm10 =	vnez.u8 v41;
	[tilespmem:$0xD10] =	vst v5;
	v5 =	vsel vm15, v33, v31;
	vm15 =	vnez.u8 v39  }
0xf8: {  	vm8 =	vnez.u8 v40;
	[tilespmem:$0xA20] =	vst v5;
	v5 =	vsel vm13, v31, v37;
	v8 =	vnsel vm15, $0x0, v28  }
0xf9: {  	[tilespmem:$0xD90] =	vst v7;
	vm13 =	vnez.u8 v42;
	v45 =	vpop (erf);
	v7 =	vsel vm8, v31, v8;
	v8 =	vnsel vm10, $0x0, v28  }
0xfa: {  	v47 =	vld [tilespmem:$0x1FF90];
	v9 =	vnsel vm13, $0x0, v28;
	[tilespmem:$0xB20] =	vst v5;
	v3 =	vmul.f32 v45, v3;
	vm15 =	vnez.u8 v43  }
0xfb: {  	v58 =	vld [tilespmem:$0x1FFB0];
	vm8 =	vnez.u8 v44;
	v2 =	vmul.f32 v45, v2;
	[tilespmem:$0xBA0] =	vst v7;
	v5 =	vsel vm15, v31, v8  }
0xfc: {  	v48 =	vld [tilespmem:$0x1FFA0];
	vm10 =	vnez.u8 v46;
	v49 =	vsel vm1, $0x0, v3;
	v8 =	vsel vm8, v31, v9;
	[tilespmem:$0xC20] =	vst v5  }
0xfd: {  	v61 =	vld [tilespmem:$0x1FFD0];
	vm13 =	veq.s32 v11, $0x7;
	v51 =	vnsel vm4, $0x0, v3;
	v50 =	vsel vm11, v49, v2;
	[tilespmem:$0xCA0] =	vst v8  }
0xfe: {  	v60 =	vld [tilespmem:$0x1FFC0];
	v4 =	vnsel vm13, $0x0, v28;
	v53 =	vnsel vm6, $0x0, v3;
	v52 =	vsel vm2, v2, v51;
	[tilespmem:$0xA30] =	vst v50  }
0xff: {  	v62 =	vld [tilespmem:$0x1FFE0];
	vm13 =	veq.s32 v16, $0x7;
	v55 =	vnsel vm9, $0x0, v3;
	v54 =	vsel vm5, v2, v53;
	[tilespmem:$0xAB0] =	vst v52  }
0x100: {  	v63 =	vld [tilespmem:$0x1FFF0];
	v9 =	vnsel vm10, $0x0, v28;
	vm15 =	vnez.u8 v47;
	v56 =	vsel vm7, v2, v55;
	[tilespmem:$0xB30] =	vst v54  }
0x101: {  	v57 =	vnsel vm12, $0x0, v3;
	vm8 =	vnez.u8 v48;
	v5 =	vsel vm15, v31, v9;
	[tilespmem:$0xBB0] =	vst v56  }
0x102: {  	v59 =	vnsel vm14, $0x0, v3;
	vm10 =	vnez.u8 v58;
	v4 =	vsel vm8, v31, v4;
	[tilespmem:$0xD20] =	vst v5  }
0x103: {  	vm12 =	vnez.u8 v61;
	vm11 =	vnez.u8 v60;
	[tilespmem:$0xDA0] =	vst v4;
	v4 =	vsel vm10, v2, v57  }
0x104: {  	vm14 =	vnez.u8 v62;
	v5 =	vnsel vm12, $0x0, v3;
	[tilespmem:$0xC30] =	vst v4;
	v4 =	vsel vm11, v2, v59  }
0x105: {  	vm15 =	vnez.u8 v63;
	v3 =	vnsel vm13, $0x0, v3;
	[tilespmem:$0xCB0] =	vst v4;
	v4 =	vsel vm14, v2, v5  }
0x106: {  	p0 =	sne.s32 s7, $0x1;
	v2 =	vsel vm15, v2, v3;
	[tilespmem:$0xD30] =	vst v4  }
.Ltmp0:
0x107: {  	[tilespmem:$0xDB0] =	vst v2;
	(pc) =	sbr.rel @p0 .LBB2_1-.Ltmp0, $4  }
0x108: {  	[hbm4b:s6+s2] =	stream.linear.scatter [tilespmem:s11], [sflag:$0x1], $0x400, $0x38;
	[tilespmem:$0xE00] =	vst v63  }
0x109: {  	_ =	swait.ge [sflag:s8], $0x400  }
0x10a: {  	[sflag:s8] =	ssyncset.done $0x0  }
0x10b: {  	s7 =	sadd.s32 $0xFFFFFFFF, s7;
	[sflag:s8] =	ssyncadd.s32 $0xFFFFFC00  }
0x10c: {  	_ =	sfence.sel $0x180000  }
0x10d: {  	[bflag:$0x0] =	sbarrier.arrive $0xFFFF  }
0x10e: {  	p0 =	sne.s32 s1, $0x0;
	_ =	strace $0x90000047  }
0x10f: {  	s0 =	sadd.s32 @!p0 $0x100000, s0;
	[bflag:$0x2] =	sbarrier.arrive $0xFFFF  }
0x110: {  	[sflag:s0] =	ssyncadd.tile.s32 @!p0 $0x1;
	_ =	shalt  }
.Lfunc_end2:
_tile_overlayer_lowered:
.L_overlay_start_2:
0x111: {  	(tag) =	ssettag $0x2  }
0x112: {  	s0 =	rddreg [dreg:$0x0];
	s2 =	stileid.u32  }
0x113: {  	s1 =	rddreg [dreg:$0x1];
	p0 =	sne.s32 s2, $0x0  }
0x114: {  	s3 =	rddreg [dreg:$0x2];
	[bflag:$0x3] =	sbarrier.arrive $0xFFFF;
	s2 =	simm.s32 @!p0 $0x1C01  }
0x115: {  	[timem:s3], [sflag:s2] =	dma.local @!p0 [hbm:s0], s1  }
0x116: {  	s0 =	simm.s32 @!p0 $0x1  }
0x117: {  	_ =	swait.ge @!p0 [sflag:s0], s1  }
0x118: {  	s1 =	ssub.s32 @!p0 $0x0, s1;
	[sflag:s0] =	ssyncset.done @!p0 $0x0  }
0x119: {  	[sflag:s0] =	ssyncadd.s32 @!p0 s1  }
0x11a: {  	[bflag:$0x3] =	sbarrier.arrive $0xFFFF  }
0x11b: {  	_ =	shalt  }

</sc_bundles>
